<compile_context>
chip_gen: v7x
topology: tpu7x:2x2x1
jax: 0.10.2.dev20260603
libtpu: 0.0.44.dev20260713+nightly
codegen_flags: <defaults>
</compile_context>

<pallas_src>
import functools

import numpy as np
import jax
import jax.numpy as jnp
from jax import lax
from jax.experimental import pallas as pl
from jax.experimental.pallas import tpu as pltpu
from jax.experimental.pallas import tpu_sc as plsc

NS = 16
NV = 4
SH_DIM = 9
N_NODES = 10000
N_EDGES = 320000
N_EDGE_FEAT = 3 * NS
HIDDEN = 3 * NS
OUT_DIM = NS + 3 * NV
TP_PAD = 32

NC = 2
NSUB = 16
NW = NC * NSUB
SUB = 128
CHUNK = 1024
ROWS_PER_TILE = N_NODES // NSUB

E_HALF = N_EDGES // 2

def _mesh():
    return plsc.VectorSubcoreMesh(
        core_axis_name="c", subcore_axis_name="s", num_cores=NC, num_subcores=NSUB
    )


def _worker_chunks(body_fn, n_edges):
    n_chunks = (n_edges + CHUNK - 1) // CHUNK
    last_nb = (n_edges - (n_chunks - 1) * CHUNK) // SUB
    chunks_per_w = (n_chunks + NW - 1) // NW
    c = lax.axis_index("c")
    s = lax.axis_index("s")
    wid = s * NC + c

    def one(k, _):
        ci = wid + k * NW

        @pl.when(ci < n_chunks - 1)
        def _():
            body_fn(ci, CHUNK // SUB, ci * CHUNK)

        @pl.when(ci == n_chunks - 1)
        def _():
            body_fn(ci, last_nb, ci * CHUNK)

        return 0

    lax.fori_loop(0, chunks_per_w, one, 0)


def _gather_body(node_hbm, idx_hbm, out_hbm, idx_v, rows_v, st_v, node_sh, sem, *, n_edges):
    csplat = [jnp.full((16,), f, jnp.int32) for f in range(NS)]

    s = lax.axis_index("s")
    pltpu.sync_copy(
        node_hbm.at[pl.ds(s * ROWS_PER_TILE, ROWS_PER_TILE)],
        node_sh.at[pl.ds(s * ROWS_PER_TILE, ROWS_PER_TILE)],
    )
    plsc.subcore_barrier()

    iota16 = lax.iota(jnp.int32, 16)

    def chunk(ci, nb, off):
        rows = nb * SUB
        pltpu.sync_copy(idx_hbm.at[pl.ds(off, rows)], idx_v.at[pl.ds(0, rows)])
        descs = [
            pltpu.async_copy(
                node_sh.at[idx_v.at[pl.ds(j * SUB, SUB)]],
                rows_v.at[pl.ds(j * SUB, SUB)],
                sem,
            )
            for j in range(nb)
        ]
        for d in descs:
            d.wait()

        def tpose(j, _):
            row_idx = iota16 + j * 16
            for f in range(NS):
                st_v[f, pl.ds(j * 16, 16)] = plsc.load_gather(
                    rows_v, [row_idx, csplat[f]]
                )
            return 0

        lax.fori_loop(0, nb * (SUB // 16), tpose, 0)
        fdescs = [
            pltpu.async_copy(
                st_v.at[f, pl.ds(0, rows)], out_hbm.at[f, pl.ds(off, rows)], sem
            )
            for f in range(NS)
        ]
        for d in fdescs:
            d.wait()

    _worker_chunks(chunk, n_edges)


@functools.partial(jax.jit, static_argnames="n_edges")
def _sc_gather(node_attr, edge_dst, n_edges):
    return pl.kernel(
        functools.partial(_gather_body, n_edges=n_edges),
        out_type=jax.ShapeDtypeStruct((NS, n_edges), jnp.float32),
        mesh=_mesh(),
        scratch_types=[
            pltpu.VMEM((CHUNK,), jnp.int32),
            pltpu.VMEM((CHUNK, NS), jnp.float32),
            pltpu.VMEM((NS, CHUNK), jnp.float32),
            pltpu.VMEM_SHARED((N_NODES, NS), jnp.float32),
            pltpu.SemaphoreType.DMA,
        ],
        compiler_params=pltpu.CompilerParams(use_tc_tiling_on_sc=False, needs_layout_passes=False),
    )(node_attr, edge_dst)


BE = 3200
NW0 = NS * NS
NW1 = NS * NV


def _make_consts():
    R0 = np.zeros((NS, NW0), np.float32)
    R1 = np.zeros((NS, NW1), np.float32)
    for i in range(NS):
        R0[i, NS * i : NS * i + NS] = 1.0
        R1[i, NV * i : NV * i + NV] = 1.0
    P0 = np.zeros((NW0, TP_PAD), np.float32)
    for i in range(NS):
        for j in range(NS):
            P0[NS * i + j, j] = 1.0
    P1 = np.zeros((NW1, TP_PAD), np.float32)
    for i in range(NS):
        for k in range(NV):
            for m in range(3):
                P1[NV * i + k, NS + 3 * k + m] = 1.0
    S0 = np.zeros((SH_DIM, TP_PAD), np.float32)
    S0[0, :NS] = 1.0
    S1 = np.zeros((SH_DIM, TP_PAD), np.float32)
    for k in range(NV):
        for m in range(3):
            S1[1 + m, NS + 3 * k + m] = 1.0
    return R0, R1, P0, P1, S0, S1


_CONSTS = _make_consts()


def _dense_body(eaT_ref, sT_ref, shT_ref, W1_ref, b1_ref, W2_ref, b2_ref,
                R0_ref, R1_ref, P0_ref, P1_ref, S0_ref, S1_ref, TI_ref, out_ref):
    f32 = jnp.float32
    tl = (((0,), (0,)), ((), ()))
    hT = jnp.maximum(
        lax.dot_general(W1_ref[...], eaT_ref[...], tl, preferred_element_type=f32)
        + b1_ref[...],
        0.0,
    )
    wT = lax.dot_general(W2_ref[...], hT, tl, preferred_element_type=f32) + b2_ref[...]
    sT = sT_ref[...]
    X0 = lax.dot_general(R0_ref[...], sT, tl, preferred_element_type=f32) * wT[:NW0, :]
    X1 = lax.dot_general(R1_ref[...], sT, tl, preferred_element_type=f32) * wT[NW0:, :]
    t0 = lax.dot_general(P0_ref[...], X0, tl, preferred_element_type=f32)
    t1 = lax.dot_general(P1_ref[...], X1, tl, preferred_element_type=f32)
    m0 = lax.dot_general(S0_ref[...], shT_ref[...], tl, preferred_element_type=f32)
    m1 = lax.dot_general(S1_ref[...], shT_ref[...], tl, preferred_element_type=f32)
    tpT = (t0 * m0 + t1 * m1) * 0.25
    tp = lax.dot_general(tpT, TI_ref[...], tl, preferred_element_type=f32)
    col = lax.broadcasted_iota(jnp.int32, (BE, TP_PAD), 1)
    out_ref[...] = tp + jnp.where(col == OUT_DIM, 1.0, 0.0)


@functools.partial(jax.jit, static_argnames=("off", "n_edges"))
def _tc_dense(edge_attr, s_T, edge_sh, W1, b1, W2, b2, off, n_edges):
    grid = n_edges // BE
    ob = off // BE
    full = lambda shape: pl.BlockSpec(shape, lambda i: tuple(0 for _ in shape))
    eaT = edge_attr.T
    shT = edge_sh.T
    return pl.pallas_call(
        _dense_body,
        grid=(grid,),
        in_specs=[
            pl.BlockSpec((N_EDGE_FEAT, BE), lambda i: (0, i + ob)),
            pl.BlockSpec((NS, BE), lambda i: (0, i)),
            pl.BlockSpec((SH_DIM, BE), lambda i: (0, i + ob)),
            full((N_EDGE_FEAT, HIDDEN)),
            full((HIDDEN, 1)),
            full((HIDDEN, NW0 + NW1)),
            full((NW0 + NW1, 1)),
            full((NS, NW0)),
            full((NS, NW1)),
            full((NW0, TP_PAD)),
            full((NW1, TP_PAD)),
            full((SH_DIM, TP_PAD)),
            full((SH_DIM, TP_PAD)),
            full((TP_PAD, TP_PAD)),
        ],
        out_specs=pl.BlockSpec((BE, TP_PAD), lambda i: (i, 0)),
        out_shape=jax.ShapeDtypeStruct((n_edges, TP_PAD), jnp.float32),
    )(eaT, s_T, shT, W1, b1.reshape(-1, 1), W2, b2.reshape(-1, 1),
      *(jnp.asarray(c) for c in _CONSTS), jnp.eye(TP_PAD, dtype=jnp.float32))


def _scatter_body(tp_hbm, idx_hbm, zeros_hbm, out_hbm, idx2_v, data_v, acc, sem, *, n_edges):
    c = lax.axis_index("c")
    s = lax.axis_index("s")
    pltpu.sync_copy(
        zeros_hbm.at[pl.ds(s * ROWS_PER_TILE, ROWS_PER_TILE)],
        acc.at[pl.ds(s * ROWS_PER_TILE, ROWS_PER_TILE)],
    )
    plsc.subcore_barrier()

    def chunk(ci, nb, off):
        rows = nb * SUB
        d_data = pltpu.async_copy(
            tp_hbm.at[pl.ds(off, rows)], data_v.at[pl.ds(0, rows)], sem
        )
        pltpu.sync_copy(
            idx_hbm.at[pl.ds(off // SUB, nb)], idx2_v.at[pl.ds(0, nb)]
        )
        d_data.wait()
        descs = [
            pltpu.async_copy(
                data_v.at[pl.ds(j * SUB, SUB)],
                acc.at[idx2_v.at[j]],
                sem,
                add=True,
            )
            for j in range(nb)
        ]
        for d in descs:
            d.wait()

    _worker_chunks(chunk, n_edges)
    plsc.subcore_barrier()
    pltpu.sync_copy(
        acc.at[pl.ds(s * ROWS_PER_TILE, ROWS_PER_TILE)],
        out_hbm.at[c, pl.ds(s * ROWS_PER_TILE, ROWS_PER_TILE)],
    )


@functools.partial(jax.jit, static_argnames="n_edges")
def _sc_scatter(tp, edge_src, zeros_hbm, n_edges):
    return pl.kernel(
        functools.partial(_scatter_body, n_edges=n_edges),
        out_type=jax.ShapeDtypeStruct((NC, N_NODES, TP_PAD), jnp.float32),
        mesh=_mesh(),
        scratch_types=[
            pltpu.VMEM((CHUNK // SUB, SUB), jnp.int32),
            pltpu.VMEM((CHUNK, TP_PAD), jnp.float32),
            pltpu.VMEM_SHARED((N_NODES, TP_PAD), jnp.float32),
            pltpu.SemaphoreType.DMA,
        ],
        compiler_params=pltpu.CompilerParams(use_tc_tiling_on_sc=False, needs_layout_passes=False),
    )(tp, edge_src.reshape(-1, SUB), zeros_hbm)


BN = 2000


def _fin_body(p0_ref, p1_ref, out_ref):
    p = (p0_ref[0] + p0_ref[1]) + (p1_ref[0] + p1_ref[1])
    cnt = jnp.clip(p[:, OUT_DIM : OUT_DIM + 1], 1.0, None)
    out_ref[...] = p[:, :OUT_DIM] / cnt


@jax.jit
def _tc_finalize(p0, p1):
    pspec = pl.BlockSpec((NC, BN, TP_PAD), lambda i: (0, i, 0))
    return pl.pallas_call(
        _fin_body,
        grid=(N_NODES // BN,),
        in_specs=[pspec, pspec],
        out_specs=pl.BlockSpec((BN, OUT_DIM), lambda i: (i, 0)),
        out_shape=jax.ShapeDtypeStruct((N_NODES, OUT_DIM), jnp.float32),
    )(p0, p1)


def kernel(node_attr, edge_attr, edge_sh, W1, b1, W2, b2, edge_index):
    edge_src = edge_index[0]
    edge_dst = edge_index[1]
    zeros_hbm = jnp.zeros((N_NODES, TP_PAD), jnp.float32)
    sT0 = _sc_gather(node_attr, edge_dst[:E_HALF], n_edges=E_HALF)
    sT1 = _sc_gather(node_attr, edge_dst[E_HALF:], n_edges=E_HALF)
    tp0 = _tc_dense(edge_attr, sT0, edge_sh, W1, b1, W2, b2, off=0, n_edges=E_HALF)
    tp1 = _tc_dense(edge_attr, sT1, edge_sh, W1, b1, W2, b2, off=E_HALF, n_edges=E_HALF)
    p0 = _sc_scatter(tp0, edge_src[:E_HALF], zeros_hbm, n_edges=E_HALF)
    p1 = _sc_scatter(tp1, edge_src[E_HALF:], zeros_hbm, n_edges=E_HALF)
    return _tc_finalize(p0, p1)

# --- scband reference (transcript-rebuilt; emitter-appended) ---
"""Pipeline reference for scband-diff-dock-13657996001871 (READ-ONLY COPY).

The authoritative reference and input builder live on the scoring server;
editing this copy changes nothing except your own understanding.
"""

import jax, jax.numpy as jnp
import numpy as np

NS = 16
NV = 4
SH_DIM = 9  # lmax=2 -> 1+3+5
N_NODES = 10000
N_EDGES = 320000
N_EDGE_FEAT = 3 * NS   # 48
HIDDEN = 3 * NS        # 48
WEIGHT_NUMEL = NS * NS + NS * NV  # 256 + 64 = 320 (paths 0e x 0e -> 16x0e, 0e x 1o -> 4x1o)
OUT_DIM = NS + 3 * NV  # 16 scalars + 4 vectors(l=1) = 28


def setup_inputs(seed: int = 0) -> dict:
    key = jax.random.key(seed)
    ks = jax.random.split(key, 8)
    node_attr = jax.random.normal(ks[0], (N_NODES, NS), dtype=jnp.float32)
    edge_attr = jax.random.normal(ks[1], (N_EDGES, N_EDGE_FEAT), dtype=jnp.float32)
    edge_sh = jax.random.normal(ks[2], (N_EDGES, SH_DIM), dtype=jnp.float32)
    edge_index = jax.random.randint(ks[3], (2, N_EDGES), 0, N_NODES, dtype=jnp.int32)
    # fc = Dense(48) -> relu -> Dense(weight_numel)
    W1 = jax.random.normal(ks[4], (N_EDGE_FEAT, HIDDEN), dtype=jnp.float32) / np.sqrt(N_EDGE_FEAT)
    b1 = jnp.zeros((HIDDEN,), dtype=jnp.float32)
    W2 = jax.random.normal(ks[5], (HIDDEN, WEIGHT_NUMEL), dtype=jnp.float32) / np.sqrt(HIDDEN)
    b2 = jnp.zeros((WEIGHT_NUMEL,), dtype=jnp.float32)
    return {"node_attr": node_attr, "edge_attr": edge_attr, "edge_sh": edge_sh,
            "W1": W1, "b1": b1, "W2": W2, "b2": b2, "edge_index": edge_index}


def reference(node_attr, edge_attr, edge_sh, W1, b1, W2, b2, edge_index):
    # TensorProductConvLayer.forward (DiffDock core message passing):
    #   tp = FullyConnectedTensorProduct(node_attr[edge_dst], edge_sh, fc(edge_attr))
    #   out = scatter(tp, edge_src, dim_size=N, reduce='mean')
    edge_src = edge_index[0]
    edge_dst = edge_index[1]
    # fc: per-edge tensor-product weights
    h = jnp.maximum(edge_attr @ W1 + b1, 0.0)
    w = h @ W2 + b2  # [E, 320]
    w0 = w[:, : NS * NS].reshape(-1, NS, NS)       # path 16x0e (x) 1x0e -> 16x0e
    w1 = w[:, NS * NS :].reshape(-1, NS, NV)        # path 16x0e (x) 1x1o -> 4x1o
    # gather destination-node scalar features per edge
    s = node_attr[edge_dst]                          # [E, 16]
    sh0 = edge_sh[:, :1]                             # l=0 component [E,1]
    sh1 = edge_sh[:, 1:4]                            # l=1 components [E,3]
    out0 = jnp.einsum('ei,eij->ej', s, w0) * sh0    # [E, 16]
    v = jnp.einsum('ei,eik->ek', s, w1)             # [E, 4]
    out1 = (v[:, :, None] * sh1[:, None, :]).reshape(-1, 3 * NV)  # [E, 12]
    tp = jnp.concatenate([out0, out1], axis=1) / jnp.sqrt(float(NS))  # [E, 28]
    n = node_attr.shape[0]
    summed = jax.ops.segment_sum(tp, edge_src, num_segments=n)
    count = jax.ops.segment_sum(jnp.ones((tp.shape[0], 1), tp.dtype), edge_src, num_segments=n)
    out = summed / jnp.clip(count, 1.0)              # scatter-mean
    return out

if __name__ == "__main__":
    import jax
    _d = setup_inputs()
    print(jax.jit(kernel)(*tuple(_d.values())))

</pallas_src>

<mosaic_0001>
#map = affine_map<(d0, d1) -> (0, 0)>
#map1 = affine_map<(d0, d1) -> (0)>
module attributes {stable_mosaic.version = 14 : i64} {
  func.func @_gather_body(%arg0: i32, %arg1: i32, %arg2: memref<10000x16xf32, #tpu.memory_space<hbm>>, %arg3: memref<160000xi32, #tpu.memory_space<hbm>>, %arg4: memref<16x160000xf32, #tpu.memory_space<hbm>>, %arg5: memref<1024xi32, #tpu.memory_space<vmem>>, %arg6: memref<1024x16xf32, #tpu.memory_space<vmem>>, %arg7: memref<16x1024xf32, #tpu.memory_space<vmem>>, %arg8: memref<10000x16xf32, #tpu.memory_space<vmem_shared>>, %arg9: memref<!tpu.dma_semaphore, #tpu.memory_space<semaphore_mem>>) attributes {dimension_semantics = [#tpu.dimension_semantics<core_parallel>, #tpu.dimension_semantics<subcore_parallel>], iteration_bounds = array<i64: 2, 16>, scalar_prefetch = 0 : i64, scratch_operands = 5 : i64, tpu.core_type = #tpu.core_type<sc_vector_subcore>, window_params = [{transform_indices = #map}, {transform_indices = #map1}, {transform_indices = #map}]} {
    %broadcast_in_dim3A = arith.constant 0 : i32
    %broadcast_in_dim3A_0 = vector.broadcast %broadcast_in_dim3A : i32 to vector<16xi32>
    %broadcast_in_dim3A_1 = arith.constant 1 : i32
    %broadcast_in_dim3A_2 = vector.broadcast %broadcast_in_dim3A_1 : i32 to vector<16xi32>
    %broadcast_in_dim3A_3 = arith.constant 2 : i32
    %broadcast_in_dim3A_4 = vector.broadcast %broadcast_in_dim3A_3 : i32 to vector<16xi32>
    %broadcast_in_dim3A_5 = arith.constant 3 : i32
    %broadcast_in_dim3A_6 = vector.broadcast %broadcast_in_dim3A_5 : i32 to vector<16xi32>
    %broadcast_in_dim3A_7 = arith.constant 4 : i32
    %broadcast_in_dim3A_8 = vector.broadcast %broadcast_in_dim3A_7 : i32 to vector<16xi32>
    %broadcast_in_dim3A_9 = arith.constant 5 : i32
    %broadcast_in_dim3A_10 = vector.broadcast %broadcast_in_dim3A_9 : i32 to vector<16xi32>
    %broadcast_in_dim3A_11 = arith.constant 6 : i32
    %broadcast_in_dim3A_12 = vector.broadcast %broadcast_in_dim3A_11 : i32 to vector<16xi32>
    %broadcast_in_dim3A_13 = arith.constant 7 : i32
    %broadcast_in_dim3A_14 = vector.broadcast %broadcast_in_dim3A_13 : i32 to vector<16xi32>
    %broadcast_in_dim3A_15 = arith.constant 8 : i32
    %broadcast_in_dim3A_16 = vector.broadcast %broadcast_in_dim3A_15 : i32 to vector<16xi32>
    %broadcast_in_dim3A_17 = arith.constant 9 : i32
    %broadcast_in_dim3A_18 = vector.broadcast %broadcast_in_dim3A_17 : i32 to vector<16xi32>
    %broadcast_in_dim3A_19 = arith.constant 10 : i32
    %broadcast_in_dim3A_20 = vector.broadcast %broadcast_in_dim3A_19 : i32 to vector<16xi32>
    %broadcast_in_dim3A_21 = arith.constant 11 : i32
    %broadcast_in_dim3A_22 = vector.broadcast %broadcast_in_dim3A_21 : i32 to vector<16xi32>
    %broadcast_in_dim3A_23 = arith.constant 12 : i32
    %broadcast_in_dim3A_24 = vector.broadcast %broadcast_in_dim3A_23 : i32 to vector<16xi32>
    %broadcast_in_dim3A_25 = arith.constant 13 : i32
    %broadcast_in_dim3A_26 = vector.broadcast %broadcast_in_dim3A_25 : i32 to vector<16xi32>
    %broadcast_in_dim3A_27 = arith.constant 14 : i32
    %broadcast_in_dim3A_28 = vector.broadcast %broadcast_in_dim3A_27 : i32 to vector<16xi32>
    %broadcast_in_dim3A_29 = arith.constant 15 : i32
    %broadcast_in_dim3A_30 = vector.broadcast %broadcast_in_dim3A_29 : i32 to vector<16xi32>
    %mul3A = arith.constant 625 : i32
    %mul3A_31 = arith.muli %arg1, %mul3A : i32
    %mul3A_32 = arith.constant 625 : i32
    %mul3A_33 = arith.muli %arg1, %mul3A_32 : i32
    "tpu.region"() ({
      %run_scoped3A = tpu.sem_alloc : memref<!tpu.dma_semaphore, #tpu.memory_space<semaphore_mem>>
      %dma_start3A = arith.constant 0 : i32
      %dma_start3A_42 = tpu.memref_slice %arg8[%mul3A_33, %dma_start3A] : memref<10000x16xf32, #tpu.memory_space<vmem_shared>> -> memref<625x16xf32, #tpu.memory_space<vmem_shared>>
      %dma_start3A_43 = arith.constant 0 : i32
      %dma_start3A_44 = tpu.memref_slice %arg2[%mul3A_31, %dma_start3A_43] : memref<10000x16xf32, #tpu.memory_space<hbm>> -> memref<625x16xf32, #tpu.memory_space<hbm>>
      tpu.enqueue_dma source(%dma_start3A_44 : memref<625x16xf32, #tpu.memory_space<hbm>>) target(%dma_start3A_42 : memref<625x16xf32, #tpu.memory_space<vmem_shared>>) target_semaphore(%run_scoped3A : memref<!tpu.dma_semaphore, #tpu.memory_space<semaphore_mem>>)
      %dma_wait3A = arith.constant 0 : i32
      %dma_wait3A_45 = tpu.memref_slice %arg8[%mul3A_33, %dma_wait3A] : memref<10000x16xf32, #tpu.memory_space<vmem_shared>> -> memref<625x16xf32, #tpu.memory_space<vmem_shared>>
      %dma_wait3A_46 = arith.constant 0 : i32
      %dma_wait3A_47 = tpu.memref_slice %arg2[%mul3A_31, %dma_wait3A_46] : memref<10000x16xf32, #tpu.memory_space<hbm>> -> memref<625x16xf32, #tpu.memory_space<hbm>>
      tpu.wait_dma2 semaphore(%run_scoped3A : memref<!tpu.dma_semaphore, #tpu.memory_space<semaphore_mem>>) src(%dma_wait3A_47 : memref<625x16xf32, #tpu.memory_space<hbm>>) dst(%dma_wait3A_45 : memref<625x16xf32, #tpu.memory_space<vmem_shared>>)
      tpu.yield
    }) : () -> ()
    %barrier3A = arith.constant 0 : index
    tpu.barrier barrier_id(%barrier3A)
    %iota3A = tpu.iota {dimensions = array<i32: 0>} : vector<16xi32>
    %mul3A_34 = arith.constant 2 : i32
    %mul3A_35 = arith.muli %arg1, %mul3A_34 : i32
    %add3A = arith.addi %mul3A_35, %arg0 : i32
    %scan3A = arith.constant 0 : i32
    %scan3A_36 = arith.constant 0 : i32
    %scan3A_37 = arith.constant 5 : i32
    %scan3A_38 = arith.addi %scan3A_36, %scan3A_37 : i32
    %scan3A_39 = arith.constant 1 : i32
    %scan3A_40 = scf.for %scan3A_42 = %scan3A_36 to %scan3A_38 step %scan3A_39 iter_args(%scan3A_43 = %scan3A) -> (i32)  : i32 {
      %mul3A_44 = arith.constant 32 : i32
      %mul3A_45 = arith.muli %scan3A_42, %mul3A_44 : i32
      %add3A_46 = arith.addi %add3A, %mul3A_45 : i32
      %lt3A = arith.constant 156 : i32
      %lt3A_47 = arith.cmpi slt, %add3A_46, %lt3A : i32
      %convert_element_type3A = arith.extui %lt3A_47 : i1 to i32
      %cond3A = arith.constant 0 : i32
      %cond3A_48 = arith.cmpi ne, %convert_element_type3A, %cond3A : i32
      scf.if %cond3A_48 {
        %mul3A_54 = arith.constant 1024 : i32
        %mul3A_55 = arith.muli %add3A_46, %mul3A_54 : i32
        "tpu.region"() ({
          %run_scoped3A = tpu.sem_alloc : memref<!tpu.dma_semaphore, #tpu.memory_space<semaphore_mem>>
          %dma_start3A_573 = arith.constant 0 : i32
          %dma_start3A_574 = tpu.memref_slice %arg5[%dma_start3A_573] : memref<1024xi32, #tpu.memory_space<vmem>> -> memref<1024xi32, #tpu.memory_space<vmem>>
          %dma_start3A_575 = tpu.memref_slice %arg3[%mul3A_55] : memref<160000xi32, #tpu.memory_space<hbm>> -> memref<1024xi32, #tpu.memory_space<hbm>>
          %dma_start3A_576 = arith.constant 0 : i32
          %dma_start3A_577 = tpu.memref_slice %arg5[%dma_start3A_576] : memref<1024xi32, #tpu.memory_space<vmem>> -> memref<1024xi32, #tpu.memory_space<vmem>>
          %dma_start3A_578 = tpu.memref_slice %arg3[%mul3A_55] : memref<160000xi32, #tpu.memory_space<hbm>> -> memref<1024xi32, #tpu.memory_space<hbm>>
          tpu.enqueue_dma source(%dma_start3A_578 : memref<1024xi32, #tpu.memory_space<hbm>>) target(%dma_start3A_577 : memref<1024xi32, #tpu.memory_space<vmem>>) target_semaphore(%run_scoped3A : memref<!tpu.dma_semaphore, #tpu.memory_space<semaphore_mem>>)
          %dma_wait3A_579 = arith.constant 0 : i32
          %dma_wait3A_580 = tpu.memref_slice %arg5[%dma_wait3A_579] : memref<1024xi32, #tpu.memory_space<vmem>> -> memref<1024xi32, #tpu.memory_space<vmem>>
          %dma_wait3A_581 = tpu.memref_slice %arg3[%mul3A_55] : memref<160000xi32, #tpu.memory_space<hbm>> -> memref<1024xi32, #tpu.memory_space<hbm>>
          %dma_wait3A_582 = arith.constant 0 : i32
          %dma_wait3A_583 = tpu.memref_slice %arg5[%dma_wait3A_582] : memref<1024xi32, #tpu.memory_space<vmem>> -> memref<1024xi32, #tpu.memory_space<vmem>>
          %dma_wait3A_584 = tpu.memref_slice %arg3[%mul3A_55] : memref<160000xi32, #tpu.memory_space<hbm>> -> memref<1024xi32, #tpu.memory_space<hbm>>
          tpu.wait_dma2 semaphore(%run_scoped3A : memref<!tpu.dma_semaphore, #tpu.memory_space<semaphore_mem>>) src(%dma_wait3A_584 : memref<1024xi32, #tpu.memory_space<hbm>>) dst(%dma_wait3A_583 : memref<1024xi32, #tpu.memory_space<vmem>>)
          tpu.yield
        }) : () -> ()
        %dma_start3A = arith.constant 0 : i32
        %dma_start3A_56 = arith.constant 0 : i32
        %dma_start3A_57 = tpu.memref_slice %arg6[%dma_start3A, %dma_start3A_56] : memref<1024x16xf32, #tpu.memory_space<vmem>> -> memref<128x16xf32, #tpu.memory_space<vmem>>
        %dma_start3A_58 = arith.constant 0 : i32
        %dma_start3A_59 = tpu.memref_slice %arg5[%dma_start3A_58] : memref<1024xi32, #tpu.memory_space<vmem>> -> memref<128xi32, #tpu.memory_space<vmem>>
        %dma_start3A_60 = arith.constant 0 : i32
        %dma_start3A_61 = arith.constant 0 : i32
        %dma_start3A_62 = tpu.memref_slice %arg8[%dma_start3A_60, %dma_start3A_61] : memref<10000x16xf32, #tpu.memory_space<vmem_shared>> -> memref<10000x16xf32, #tpu.memory_space<vmem_shared>>
        tpu.enqueue_indirect_dma source(%dma_start3A_62 : memref<10000x16xf32, #tpu.memory_space<vmem_shared>>) target(%dma_start3A_57 : memref<128x16xf32, #tpu.memory_space<vmem>>) offsets(%dma_start3A_59 : memref<128xi32, #tpu.memory_space<vmem>>) semaphore(%arg9 : memref<!tpu.dma_semaphore, #tpu.memory_space<semaphore_mem>>)
        %dma_start3A_63 = arith.constant 128 : i32
        %dma_start3A_64 = arith.constant 0 : i32
        %dma_start3A_65 = tpu.memref_slice %arg6[%dma_start3A_63, %dma_start3A_64] : memref<1024x16xf32, #tpu.memory_space<vmem>> -> memref<128x16xf32, #tpu.memory_space<vmem>>
        %dma_start3A_66 = arith.constant 128 : i32
        %dma_start3A_67 = tpu.memref_slice %arg5[%dma_start3A_66] : memref<1024xi32, #tpu.memory_space<vmem>> -> memref<128xi32, #tpu.memory_space<vmem>>
        %dma_start3A_68 = arith.constant 0 : i32
        %dma_start3A_69 = arith.constant 0 : i32
        %dma_start3A_70 = tpu.memref_slice %arg8[%dma_start3A_68, %dma_start3A_69] : memref<10000x16xf32, #tpu.memory_space<vmem_shared>> -> memref<10000x16xf32, #tpu.memory_space<vmem_shared>>
        tpu.enqueue_indirect_dma source(%dma_start3A_70 : memref<10000x16xf32, #tpu.memory_space<vmem_shared>>) target(%dma_start3A_65 : memref<128x16xf32, #tpu.memory_space<vmem>>) offsets(%dma_start3A_67 : memref<128xi32, #tpu.memory_space<vmem>>) semaphore(%arg9 : memref<!tpu.dma_semaphore, #tpu.memory_space<semaphore_mem>>)
        %dma_start3A_71 = arith.constant 256 : i32
        %dma_start3A_72 = arith.constant 0 : i32
        %dma_start3A_73 = tpu.memref_slice %arg6[%dma_start3A_71, %dma_start3A_72] : memref<1024x16xf32, #tpu.memory_space<vmem>> -> memref<128x16xf32, #tpu.memory_space<vmem>>
        %dma_start3A_74 = arith.constant 256 : i32
        %dma_start3A_75 = tpu.memref_slice %arg5[%dma_start3A_74] : memref<1024xi32, #tpu.memory_space<vmem>> -> memref<128xi32, #tpu.memory_space<vmem>>
        %dma_start3A_76 = arith.constant 0 : i32
        %dma_start3A_77 = arith.constant 0 : i32
        %dma_start3A_78 = tpu.memref_slice %arg8[%dma_start3A_76, %dma_start3A_77] : memref<10000x16xf32, #tpu.memory_space<vmem_shared>> -> memref<10000x16xf32, #tpu.memory_space<vmem_shared>>
        tpu.enqueue_indirect_dma source(%dma_start3A_78 : memref<10000x16xf32, #tpu.memory_space<vmem_shared>>) target(%dma_start3A_73 : memref<128x16xf32, #tpu.memory_space<vmem>>) offsets(%dma_start3A_75 : memref<128xi32, #tpu.memory_space<vmem>>) semaphore(%arg9 : memref<!tpu.dma_semaphore, #tpu.memory_space<semaphore_mem>>)
        %dma_start3A_79 = arith.constant 384 : i32
        %dma_start3A_80 = arith.constant 0 : i32
        %dma_start3A_81 = tpu.memref_slice %arg6[%dma_start3A_79, %dma_start3A_80] : memref<1024x16xf32, #tpu.memory_space<vmem>> -> memref<128x16xf32, #tpu.memory_space<vmem>>
        %dma_start3A_82 = arith.constant 384 : i32
        %dma_start3A_83 = tpu.memref_slice %arg5[%dma_start3A_82] : memref<1024xi32, #tpu.memory_space<vmem>> -> memref<128xi32, #tpu.memory_space<vmem>>
        %dma_start3A_84 = arith.constant 0 : i32
        %dma_start3A_85 = arith.constant 0 : i32
        %dma_start3A_86 = tpu.memref_slice %arg8[%dma_start3A_84, %dma_start3A_85] : memref<10000x16xf32, #tpu.memory_space<vmem_shared>> -> memref<10000x16xf32, #tpu.memory_space<vmem_shared>>
        tpu.enqueue_indirect_dma source(%dma_start3A_86 : memref<10000x16xf32, #tpu.memory_space<vmem_shared>>) target(%dma_start3A_81 : memref<128x16xf32, #tpu.memory_space<vmem>>) offsets(%dma_start3A_83 : memref<128xi32, #tpu.memory_space<vmem>>) semaphore(%arg9 : memref<!tpu.dma_semaphore, #tpu.memory_space<semaphore_mem>>)
        %dma_start3A_87 = arith.constant 512 : i32
        %dma_start3A_88 = arith.constant 0 : i32
        %dma_start3A_89 = tpu.memref_slice %arg6[%dma_start3A_87, %dma_start3A_88] : memref<1024x16xf32, #tpu.memory_space<vmem>> -> memref<128x16xf32, #tpu.memory_space<vmem>>
        %dma_start3A_90 = arith.constant 512 : i32
        %dma_start3A_91 = tpu.memref_slice %arg5[%dma_start3A_90] : memref<1024xi32, #tpu.memory_space<vmem>> -> memref<128xi32, #tpu.memory_space<vmem>>
        %dma_start3A_92 = arith.constant 0 : i32
        %dma_start3A_93 = arith.constant 0 : i32
        %dma_start3A_94 = tpu.memref_slice %arg8[%dma_start3A_92, %dma_start3A_93] : memref<10000x16xf32, #tpu.memory_space<vmem_shared>> -> memref<10000x16xf32, #tpu.memory_space<vmem_shared>>
        tpu.enqueue_indirect_dma source(%dma_start3A_94 : memref<10000x16xf32, #tpu.memory_space<vmem_shared>>) target(%dma_start3A_89 : memref<128x16xf32, #tpu.memory_space<vmem>>) offsets(%dma_start3A_91 : memref<128xi32, #tpu.memory_space<vmem>>) semaphore(%arg9 : memref<!tpu.dma_semaphore, #tpu.memory_space<semaphore_mem>>)
        %dma_start3A_95 = arith.constant 640 : i32
        %dma_start3A_96 = arith.constant 0 : i32
        %dma_start3A_97 = tpu.memref_slice %arg6[%dma_start3A_95, %dma_start3A_96] : memref<1024x16xf32, #tpu.memory_space<vmem>> -> memref<128x16xf32, #tpu.memory_space<vmem>>
        %dma_start3A_98 = arith.constant 640 : i32
        %dma_start3A_99 = tpu.memref_slice %arg5[%dma_start3A_98] : memref<1024xi32, #tpu.memory_space<vmem>> -> memref<128xi32, #tpu.memory_space<vmem>>
        %dma_start3A_100 = arith.constant 0 : i32
        %dma_start3A_101 = arith.constant 0 : i32
        %dma_start3A_102 = tpu.memref_slice %arg8[%dma_start3A_100, %dma_start3A_101] : memref<10000x16xf32, #tpu.memory_space<vmem_shared>> -> memref<10000x16xf32, #tpu.memory_space<vmem_shared>>
        tpu.enqueue_indirect_dma source(%dma_start3A_102 : memref<10000x16xf32, #tpu.memory_space<vmem_shared>>) target(%dma_start3A_97 : memref<128x16xf32, #tpu.memory_space<vmem>>) offsets(%dma_start3A_99 : memref<128xi32, #tpu.memory_space<vmem>>) semaphore(%arg9 : memref<!tpu.dma_semaphore, #tpu.memory_space<semaphore_mem>>)
        %dma_start3A_103 = arith.constant 768 : i32
        %dma_start3A_104 = arith.constant 0 : i32
        %dma_start3A_105 = tpu.memref_slice %arg6[%dma_start3A_103, %dma_start3A_104] : memref<1024x16xf32, #tpu.memory_space<vmem>> -> memref<128x16xf32, #tpu.memory_space<vmem>>
        %dma_start3A_106 = arith.constant 768 : i32
        %dma_start3A_107 = tpu.memref_slice %arg5[%dma_start3A_106] : memref<1024xi32, #tpu.memory_space<vmem>> -> memref<128xi32, #tpu.memory_space<vmem>>
        %dma_start3A_108 = arith.constant 0 : i32
        %dma_start3A_109 = arith.constant 0 : i32
        %dma_start3A_110 = tpu.memref_slice %arg8[%dma_start3A_108, %dma_start3A_109] : memref<10000x16xf32, #tpu.memory_space<vmem_shared>> -> memref<10000x16xf32, #tpu.memory_space<vmem_shared>>
        tpu.enqueue_indirect_dma source(%dma_start3A_110 : memref<10000x16xf32, #tpu.memory_space<vmem_shared>>) target(%dma_start3A_105 : memref<128x16xf32, #tpu.memory_space<vmem>>) offsets(%dma_start3A_107 : memref<128xi32, #tpu.memory_space<vmem>>) semaphore(%arg9 : memref<!tpu.dma_semaphore, #tpu.memory_space<semaphore_mem>>)
        %dma_start3A_111 = arith.constant 896 : i32
        %dma_start3A_112 = arith.constant 0 : i32
        %dma_start3A_113 = tpu.memref_slice %arg6[%dma_start3A_111, %dma_start3A_112] : memref<1024x16xf32, #tpu.memory_space<vmem>> -> memref<128x16xf32, #tpu.memory_space<vmem>>
        %dma_start3A_114 = arith.constant 896 : i32
        %dma_start3A_115 = tpu.memref_slice %arg5[%dma_start3A_114] : memref<1024xi32, #tpu.memory_space<vmem>> -> memref<128xi32, #tpu.memory_space<vmem>>
        %dma_start3A_116 = arith.constant 0 : i32
        %dma_start3A_117 = arith.constant 0 : i32
        %dma_start3A_118 = tpu.memref_slice %arg8[%dma_start3A_116, %dma_start3A_117] : memref<10000x16xf32, #tpu.memory_space<vmem_shared>> -> memref<10000x16xf32, #tpu.memory_space<vmem_shared>>
        tpu.enqueue_indirect_dma source(%dma_start3A_118 : memref<10000x16xf32, #tpu.memory_space<vmem_shared>>) target(%dma_start3A_113 : memref<128x16xf32, #tpu.memory_space<vmem>>) offsets(%dma_start3A_115 : memref<128xi32, #tpu.memory_space<vmem>>) semaphore(%arg9 : memref<!tpu.dma_semaphore, #tpu.memory_space<semaphore_mem>>)
        %dma_wait3A = arith.constant 0 : i32
        %dma_wait3A_119 = arith.constant 0 : i32
        %dma_wait3A_120 = tpu.memref_slice %arg6[%dma_wait3A, %dma_wait3A_119] : memref<1024x16xf32, #tpu.memory_space<vmem>> -> memref<128x16xf32, #tpu.memory_space<vmem>>
        %dma_wait3A_121 = arith.constant 0 : i32
        %dma_wait3A_122 = tpu.memref_slice %arg5[%dma_wait3A_121] : memref<1024xi32, #tpu.memory_space<vmem>> -> memref<128xi32, #tpu.memory_space<vmem>>
        %dma_wait3A_123 = arith.constant 0 : i32
        %dma_wait3A_124 = arith.constant 0 : i32
        %dma_wait3A_125 = tpu.memref_slice %arg8[%dma_wait3A_123, %dma_wait3A_124] : memref<10000x16xf32, #tpu.memory_space<vmem_shared>> -> memref<10000x16xf32, #tpu.memory_space<vmem_shared>>
        tpu.wait_indirect_dma semaphore(%arg9 : memref<!tpu.dma_semaphore, #tpu.memory_space<semaphore_mem>>) src(%dma_wait3A_125 : memref<10000x16xf32, #tpu.memory_space<vmem_shared>>) dst(%dma_wait3A_120 : memref<128x16xf32, #tpu.memory_space<vmem>>)
        %dma_wait3A_126 = arith.constant 128 : i32
        %dma_wait3A_127 = arith.constant 0 : i32
        %dma_wait3A_128 = tpu.memref_slice %arg6[%dma_wait3A_126, %dma_wait3A_127] : memref<1024x16xf32, #tpu.memory_space<vmem>> -> memref<128x16xf32, #tpu.memory_space<vmem>>
        %dma_wait3A_129 = arith.constant 128 : i32
        %dma_wait3A_130 = tpu.memref_slice %arg5[%dma_wait3A_129] : memref<1024xi32, #tpu.memory_space<vmem>> -> memref<128xi32, #tpu.memory_space<vmem>>
        %dma_wait3A_131 = arith.constant 0 : i32
        %dma_wait3A_132 = arith.constant 0 : i32
        %dma_wait3A_133 = tpu.memref_slice %arg8[%dma_wait3A_131, %dma_wait3A_132] : memref<10000x16xf32, #tpu.memory_space<vmem_shared>> -> memref<10000x16xf32, #tpu.memory_space<vmem_shared>>
        tpu.wait_indirect_dma semaphore(%arg9 : memref<!tpu.dma_semaphore, #tpu.memory_space<semaphore_mem>>) src(%dma_wait3A_133 : memref<10000x16xf32, #tpu.memory_space<vmem_shared>>) dst(%dma_wait3A_128 : memref<128x16xf32, #tpu.memory_space<vmem>>)
        %dma_wait3A_134 = arith.constant 256 : i32
        %dma_wait3A_135 = arith.constant 0 : i32
        %dma_wait3A_136 = tpu.memref_slice %arg6[%dma_wait3A_134, %dma_wait3A_135] : memref<1024x16xf32, #tpu.memory_space<vmem>> -> memref<128x16xf32, #tpu.memory_space<vmem>>
        %dma_wait3A_137 = arith.constant 256 : i32
        %dma_wait3A_138 = tpu.memref_slice %arg5[%dma_wait3A_137] : memref<1024xi32, #tpu.memory_space<vmem>> -> memref<128xi32, #tpu.memory_space<vmem>>
        %dma_wait3A_139 = arith.constant 0 : i32
        %dma_wait3A_140 = arith.constant 0 : i32
        %dma_wait3A_141 = tpu.memref_slice %arg8[%dma_wait3A_139, %dma_wait3A_140] : memref<10000x16xf32, #tpu.memory_space<vmem_shared>> -> memref<10000x16xf32, #tpu.memory_space<vmem_shared>>
        tpu.wait_indirect_dma semaphore(%arg9 : memref<!tpu.dma_semaphore, #tpu.memory_space<semaphore_mem>>) src(%dma_wait3A_141 : memref<10000x16xf32, #tpu.memory_space<vmem_shared>>) dst(%dma_wait3A_136 : memref<128x16xf32, #tpu.memory_space<vmem>>)
        %dma_wait3A_142 = arith.constant 384 : i32
        %dma_wait3A_143 = arith.constant 0 : i32
        %dma_wait3A_144 = tpu.memref_slice %arg6[%dma_wait3A_142, %dma_wait3A_143] : memref<1024x16xf32, #tpu.memory_space<vmem>> -> memref<128x16xf32, #tpu.memory_space<vmem>>
        %dma_wait3A_145 = arith.constant 384 : i32
        %dma_wait3A_146 = tpu.memref_slice %arg5[%dma_wait3A_145] : memref<1024xi32, #tpu.memory_space<vmem>> -> memref<128xi32, #tpu.memory_space<vmem>>
        %dma_wait3A_147 = arith.constant 0 : i32
        %dma_wait3A_148 = arith.constant 0 : i32
        %dma_wait3A_149 = tpu.memref_slice %arg8[%dma_wait3A_147, %dma_wait3A_148] : memref<10000x16xf32, #tpu.memory_space<vmem_shared>> -> memref<10000x16xf32, #tpu.memory_space<vmem_shared>>
        tpu.wait_indirect_dma semaphore(%arg9 : memref<!tpu.dma_semaphore, #tpu.memory_space<semaphore_mem>>) src(%dma_wait3A_149 : memref<10000x16xf32, #tpu.memory_space<vmem_shared>>) dst(%dma_wait3A_144 : memref<128x16xf32, #tpu.memory_space<vmem>>)
        %dma_wait3A_150 = arith.constant 512 : i32
        %dma_wait3A_151 = arith.constant 0 : i32
        %dma_wait3A_152 = tpu.memref_slice %arg6[%dma_wait3A_150, %dma_wait3A_151] : memref<1024x16xf32, #tpu.memory_space<vmem>> -> memref<128x16xf32, #tpu.memory_space<vmem>>
        %dma_wait3A_153 = arith.constant 512 : i32
        %dma_wait3A_154 = tpu.memref_slice %arg5[%dma_wait3A_153] : memref<1024xi32, #tpu.memory_space<vmem>> -> memref<128xi32, #tpu.memory_space<vmem>>
        %dma_wait3A_155 = arith.constant 0 : i32
        %dma_wait3A_156 = arith.constant 0 : i32
        %dma_wait3A_157 = tpu.memref_slice %arg8[%dma_wait3A_155, %dma_wait3A_156] : memref<10000x16xf32, #tpu.memory_space<vmem_shared>> -> memref<10000x16xf32, #tpu.memory_space<vmem_shared>>
        tpu.wait_indirect_dma semaphore(%arg9 : memref<!tpu.dma_semaphore, #tpu.memory_space<semaphore_mem>>) src(%dma_wait3A_157 : memref<10000x16xf32, #tpu.memory_space<vmem_shared>>) dst(%dma_wait3A_152 : memref<128x16xf32, #tpu.memory_space<vmem>>)
        %dma_wait3A_158 = arith.constant 640 : i32
        %dma_wait3A_159 = arith.constant 0 : i32
        %dma_wait3A_160 = tpu.memref_slice %arg6[%dma_wait3A_158, %dma_wait3A_159] : memref<1024x16xf32, #tpu.memory_space<vmem>> -> memref<128x16xf32, #tpu.memory_space<vmem>>
        %dma_wait3A_161 = arith.constant 640 : i32
        %dma_wait3A_162 = tpu.memref_slice %arg5[%dma_wait3A_161] : memref<1024xi32, #tpu.memory_space<vmem>> -> memref<128xi32, #tpu.memory_space<vmem>>
        %dma_wait3A_163 = arith.constant 0 : i32
        %dma_wait3A_164 = arith.constant 0 : i32
        %dma_wait3A_165 = tpu.memref_slice %arg8[%dma_wait3A_163, %dma_wait3A_164] : memref<10000x16xf32, #tpu.memory_space<vmem_shared>> -> memref<10000x16xf32, #tpu.memory_space<vmem_shared>>
        tpu.wait_indirect_dma semaphore(%arg9 : memref<!tpu.dma_semaphore, #tpu.memory_space<semaphore_mem>>) src(%dma_wait3A_165 : memref<10000x16xf32, #tpu.memory_space<vmem_shared>>) dst(%dma_wait3A_160 : memref<128x16xf32, #tpu.memory_space<vmem>>)
        %dma_wait3A_166 = arith.constant 768 : i32
        %dma_wait3A_167 = arith.constant 0 : i32
        %dma_wait3A_168 = tpu.memref_slice %arg6[%dma_wait3A_166, %dma_wait3A_167] : memref<1024x16xf32, #tpu.memory_space<vmem>> -> memref<128x16xf32, #tpu.memory_space<vmem>>
        %dma_wait3A_169 = arith.constant 768 : i32
        %dma_wait3A_170 = tpu.memref_slice %arg5[%dma_wait3A_169] : memref<1024xi32, #tpu.memory_space<vmem>> -> memref<128xi32, #tpu.memory_space<vmem>>
        %dma_wait3A_171 = arith.constant 0 : i32
        %dma_wait3A_172 = arith.constant 0 : i32
        %dma_wait3A_173 = tpu.memref_slice %arg8[%dma_wait3A_171, %dma_wait3A_172] : memref<10000x16xf32, #tpu.memory_space<vmem_shared>> -> memref<10000x16xf32, #tpu.memory_space<vmem_shared>>
        tpu.wait_indirect_dma semaphore(%arg9 : memref<!tpu.dma_semaphore, #tpu.memory_space<semaphore_mem>>) src(%dma_wait3A_173 : memref<10000x16xf32, #tpu.memory_space<vmem_shared>>) dst(%dma_wait3A_168 : memref<128x16xf32, #tpu.memory_space<vmem>>)
        %dma_wait3A_174 = arith.constant 896 : i32
        %dma_wait3A_175 = arith.constant 0 : i32
        %dma_wait3A_176 = tpu.memref_slice %arg6[%dma_wait3A_174, %dma_wait3A_175] : memref<1024x16xf32, #tpu.memory_space<vmem>> -> memref<128x16xf32, #tpu.memory_space<vmem>>
        %dma_wait3A_177 = arith.constant 896 : i32
        %dma_wait3A_178 = tpu.memref_slice %arg5[%dma_wait3A_177] : memref<1024xi32, #tpu.memory_space<vmem>> -> memref<128xi32, #tpu.memory_space<vmem>>
        %dma_wait3A_179 = arith.constant 0 : i32
        %dma_wait3A_180 = arith.constant 0 : i32
        %dma_wait3A_181 = tpu.memref_slice %arg8[%dma_wait3A_179, %dma_wait3A_180] : memref<10000x16xf32, #tpu.memory_space<vmem_shared>> -> memref<10000x16xf32, #tpu.memory_space<vmem_shared>>
        tpu.wait_indirect_dma semaphore(%arg9 : memref<!tpu.dma_semaphore, #tpu.memory_space<semaphore_mem>>) src(%dma_wait3A_181 : memref<10000x16xf32, #tpu.memory_space<vmem_shared>>) dst(%dma_wait3A_176 : memref<128x16xf32, #tpu.memory_space<vmem>>)
        %scan3A_182 = arith.constant 0 : i32
        %scan3A_183 = arith.constant 0 : i32
        %scan3A_184 = arith.constant 64 : i32
        %scan3A_185 = arith.addi %scan3A_183, %scan3A_184 : i32
        %scan3A_186 = arith.constant 1 : i32
        %scan3A_187 = scf.for %scan3A_573 = %scan3A_183 to %scan3A_185 step %scan3A_186 iter_args(%scan3A_574 = %scan3A_182) -> (i32)  : i32 {
          %mul3A_575 = arith.constant 16 : i32
          %mul3A_576 = arith.muli %scan3A_573, %mul3A_575 : i32
          %add3A_577 = vector.broadcast %mul3A_576 : i32 to vector<16xi32>
          %add3A_578 = arith.addi %iota3A, %add3A_577 : vector<16xi32>
          %gather3A = tpu.vector_load_idx %arg6[%add3A_578, %broadcast_in_dim3A_0] : memref<1024x16xf32, #tpu.memory_space<vmem>>[vector<16xi32>, vector<16xi32>], vector<16xf32>,
          %mul3A_579 = arith.constant 16 : i32
          %mul3A_580 = arith.muli %scan3A_573, %mul3A_579 : i32
          %swap3A = arith.constant 0 : i32
          %swap3A_581 = arith.index_cast %swap3A : i32 to index
          %swap3A_582 = arith.index_cast %mul3A_580 : i32 to index
          %swap3A_583 = tpu.vector_load %arg7[%swap3A_581, %swap3A_582] {strides = array<i32>} : memref<16x1024xf32, #tpu.memory_space<vmem>>, vector<16xf32>,
          tpu.vector_store %arg7[%swap3A_581, %swap3A_582], %gather3A {strides = array<i32>} : memref<16x1024xf32, #tpu.memory_space<vmem>>, vector<16xf32>,
          %gather3A_584 = tpu.vector_load_idx %arg6[%add3A_578, %broadcast_in_dim3A_2] : memref<1024x16xf32, #tpu.memory_space<vmem>>[vector<16xi32>, vector<16xi32>], vector<16xf32>,
          %mul3A_585 = arith.constant 16 : i32
          %mul3A_586 = arith.muli %scan3A_573, %mul3A_585 : i32
          %swap3A_587 = arith.constant 1 : i32
          %swap3A_588 = arith.index_cast %swap3A_587 : i32 to index
          %swap3A_589 = arith.index_cast %mul3A_586 : i32 to index
          %swap3A_590 = tpu.vector_load %arg7[%swap3A_588, %swap3A_589] {strides = array<i32>} : memref<16x1024xf32, #tpu.memory_space<vmem>>, vector<16xf32>,
          tpu.vector_store %arg7[%swap3A_588, %swap3A_589], %gather3A_584 {strides = array<i32>} : memref<16x1024xf32, #tpu.memory_space<vmem>>, vector<16xf32>,
          %gather3A_591 = tpu.vector_load_idx %arg6[%add3A_578, %broadcast_in_dim3A_4] : memref<1024x16xf32, #tpu.memory_space<vmem>>[vector<16xi32>, vector<16xi32>], vector<16xf32>,
          %mul3A_592 = arith.constant 16 : i32
          %mul3A_593 = arith.muli %scan3A_573, %mul3A_592 : i32
          %swap3A_594 = arith.constant 2 : i32
          %swap3A_595 = arith.index_cast %swap3A_594 : i32 to index
          %swap3A_596 = arith.index_cast %mul3A_593 : i32 to index
          %swap3A_597 = tpu.vector_load %arg7[%swap3A_595, %swap3A_596] {strides = array<i32>} : memref<16x1024xf32, #tpu.memory_space<vmem>>, vector<16xf32>,
          tpu.vector_store %arg7[%swap3A_595, %swap3A_596], %gather3A_591 {strides = array<i32>} : memref<16x1024xf32, #tpu.memory_space<vmem>>, vector<16xf32>,
          %gather3A_598 = tpu.vector_load_idx %arg6[%add3A_578, %broadcast_in_dim3A_6] : memref<1024x16xf32, #tpu.memory_space<vmem>>[vector<16xi32>, vector<16xi32>], vector<16xf32>,
          %mul3A_599 = arith.constant 16 : i32
          %mul3A_600 = arith.muli %scan3A_573, %mul3A_599 : i32
          %swap3A_601 = arith.constant 3 : i32
          %swap3A_602 = arith.index_cast %swap3A_601 : i32 to index
          %swap3A_603 = arith.index_cast %mul3A_600 : i32 to index
          %swap3A_604 = tpu.vector_load %arg7[%swap3A_602, %swap3A_603] {strides = array<i32>} : memref<16x1024xf32, #tpu.memory_space<vmem>>, vector<16xf32>,
          tpu.vector_store %arg7[%swap3A_602, %swap3A_603], %gather3A_598 {strides = array<i32>} : memref<16x1024xf32, #tpu.memory_space<vmem>>, vector<16xf32>,
          %gather3A_605 = tpu.vector_load_idx %arg6[%add3A_578, %broadcast_in_dim3A_8] : memref<1024x16xf32, #tpu.memory_space<vmem>>[vector<16xi32>, vector<16xi32>], vector<16xf32>,
          %mul3A_606 = arith.constant 16 : i32
          %mul3A_607 = arith.muli %scan3A_573, %mul3A_606 : i32
          %swap3A_608 = arith.constant 4 : i32
          %swap3A_609 = arith.index_cast %swap3A_608 : i32 to index
          %swap3A_610 = arith.index_cast %mul3A_607 : i32 to index
          %swap3A_611 = tpu.vector_load %arg7[%swap3A_609, %swap3A_610] {strides = array<i32>} : memref<16x1024xf32, #tpu.memory_space<vmem>>, vector<16xf32>,
          tpu.vector_store %arg7[%swap3A_609, %swap3A_610], %gather3A_605 {strides = array<i32>} : memref<16x1024xf32, #tpu.memory_space<vmem>>, vector<16xf32>,
          %gather3A_612 = tpu.vector_load_idx %arg6[%add3A_578, %broadcast_in_dim3A_10] : memref<1024x16xf32, #tpu.memory_space<vmem>>[vector<16xi32>, vector<16xi32>], vector<16xf32>,
          %mul3A_613 = arith.constant 16 : i32
          %mul3A_614 = arith.muli %scan3A_573, %mul3A_613 : i32
          %swap3A_615 = arith.constant 5 : i32
          %swap3A_616 = arith.index_cast %swap3A_615 : i32 to index
          %swap3A_617 = arith.index_cast %mul3A_614 : i32 to index
          %swap3A_618 = tpu.vector_load %arg7[%swap3A_616, %swap3A_617] {strides = array<i32>} : memref<16x1024xf32, #tpu.memory_space<vmem>>, vector<16xf32>,
          tpu.vector_store %arg7[%swap3A_616, %swap3A_617], %gather3A_612 {strides = array<i32>} : memref<16x1024xf32, #tpu.memory_space<vmem>>, vector<16xf32>,
          %gather3A_619 = tpu.vector_load_idx %arg6[%add3A_578, %broadcast_in_dim3A_12] : memref<1024x16xf32, #tpu.memory_space<vmem>>[vector<16xi32>, vector<16xi32>], vector<16xf32>,
          %mul3A_620 = arith.constant 16 : i32
          %mul3A_621 = arith.muli %scan3A_573, %mul3A_620 : i32
          %swap3A_622 = arith.constant 6 : i32
          %swap3A_623 = arith.index_cast %swap3A_622 : i32 to index
          %swap3A_624 = arith.index_cast %mul3A_621 : i32 to index
          %swap3A_625 = tpu.vector_load %arg7[%swap3A_623, %swap3A_624] {strides = array<i32>} : memref<16x1024xf32, #tpu.memory_space<vmem>>, vector<16xf32>,
          tpu.vector_store %arg7[%swap3A_623, %swap3A_624], %gather3A_619 {strides = array<i32>} : memref<16x1024xf32, #tpu.memory_space<vmem>>, vector<16xf32>,
          %gather3A_626 = tpu.vector_load_idx %arg6[%add3A_578, %broadcast_in_dim3A_14] : memref<1024x16xf32, #tpu.memory_space<vmem>>[vector<16xi32>, vector<16xi32>], vector<16xf32>,
          %mul3A_627 = arith.constant 16 : i32
          %mul3A_628 = arith.muli %scan3A_573, %mul3A_627 : i32
          %swap3A_629 = arith.constant 7 : i32
          %swap3A_630 = arith.index_cast %swap3A_629 : i32 to index
          %swap3A_631 = arith.index_cast %mul3A_628 : i32 to index
          %swap3A_632 = tpu.vector_load %arg7[%swap3A_630, %swap3A_631] {strides = array<i32>} : memref<16x1024xf32, #tpu.memory_space<vmem>>, vector<16xf32>,
          tpu.vector_store %arg7[%swap3A_630, %swap3A_631], %gather3A_626 {strides = array<i32>} : memref<16x1024xf32, #tpu.memory_space<vmem>>, vector<16xf32>,
          %gather3A_633 = tpu.vector_load_idx %arg6[%add3A_578, %broadcast_in_dim3A_16] : memref<1024x16xf32, #tpu.memory_space<vmem>>[vector<16xi32>, vector<16xi32>], vector<16xf32>,
          %mul3A_634 = arith.constant 16 : i32
          %mul3A_635 = arith.muli %scan3A_573, %mul3A_634 : i32
          %swap3A_636 = arith.constant 8 : i32
          %swap3A_637 = arith.index_cast %swap3A_636 : i32 to index
          %swap3A_638 = arith.index_cast %mul3A_635 : i32 to index
          %swap3A_639 = tpu.vector_load %arg7[%swap3A_637, %swap3A_638] {strides = array<i32>} : memref<16x1024xf32, #tpu.memory_space<vmem>>, vector<16xf32>,
          tpu.vector_store %arg7[%swap3A_637, %swap3A_638], %gather3A_633 {strides = array<i32>} : memref<16x1024xf32, #tpu.memory_space<vmem>>, vector<16xf32>,
          %gather3A_640 = tpu.vector_load_idx %arg6[%add3A_578, %broadcast_in_dim3A_18] : memref<1024x16xf32, #tpu.memory_space<vmem>>[vector<16xi32>, vector<16xi32>], vector<16xf32>,
          %mul3A_641 = arith.constant 16 : i32
          %mul3A_642 = arith.muli %scan3A_573, %mul3A_641 : i32
          %swap3A_643 = arith.constant 9 : i32
          %swap3A_644 = arith.index_cast %swap3A_643 : i32 to index
          %swap3A_645 = arith.index_cast %mul3A_642 : i32 to index
          %swap3A_646 = tpu.vector_load %arg7[%swap3A_644, %swap3A_645] {strides = array<i32>} : memref<16x1024xf32, #tpu.memory_space<vmem>>, vector<16xf32>,
          tpu.vector_store %arg7[%swap3A_644, %swap3A_645], %gather3A_640 {strides = array<i32>} : memref<16x1024xf32, #tpu.memory_space<vmem>>, vector<16xf32>,
          %gather3A_647 = tpu.vector_load_idx %arg6[%add3A_578, %broadcast_in_dim3A_20] : memref<1024x16xf32, #tpu.memory_space<vmem>>[vector<16xi32>, vector<16xi32>], vector<16xf32>,
          %mul3A_648 = arith.constant 16 : i32
          %mul3A_649 = arith.muli %scan3A_573, %mul3A_648 : i32
          %swap3A_650 = arith.constant 10 : i32
          %swap3A_651 = arith.index_cast %swap3A_650 : i32 to index
          %swap3A_652 = arith.index_cast %mul3A_649 : i32 to index
          %swap3A_653 = tpu.vector_load %arg7[%swap3A_651, %swap3A_652] {strides = array<i32>} : memref<16x1024xf32, #tpu.memory_space<vmem>>, vector<16xf32>,
          tpu.vector_store %arg7[%swap3A_651, %swap3A_652], %gather3A_647 {strides = array<i32>} : memref<16x1024xf32, #tpu.memory_space<vmem>>, vector<16xf32>,
          %gather3A_654 = tpu.vector_load_idx %arg6[%add3A_578, %broadcast_in_dim3A_22] : memref<1024x16xf32, #tpu.memory_space<vmem>>[vector<16xi32>, vector<16xi32>], vector<16xf32>,
          %mul3A_655 = arith.constant 16 : i32
          %mul3A_656 = arith.muli %scan3A_573, %mul3A_655 : i32
          %swap3A_657 = arith.constant 11 : i32
          %swap3A_658 = arith.index_cast %swap3A_657 : i32 to index
          %swap3A_659 = arith.index_cast %mul3A_656 : i32 to index
          %swap3A_660 = tpu.vector_load %arg7[%swap3A_658, %swap3A_659] {strides = array<i32>} : memref<16x1024xf32, #tpu.memory_space<vmem>>, vector<16xf32>,
          tpu.vector_store %arg7[%swap3A_658, %swap3A_659], %gather3A_654 {strides = array<i32>} : memref<16x1024xf32, #tpu.memory_space<vmem>>, vector<16xf32>,
          %gather3A_661 = tpu.vector_load_idx %arg6[%add3A_578, %broadcast_in_dim3A_24] : memref<1024x16xf32, #tpu.memory_space<vmem>>[vector<16xi32>, vector<16xi32>], vector<16xf32>,
          %mul3A_662 = arith.constant 16 : i32
          %mul3A_663 = arith.muli %scan3A_573, %mul3A_662 : i32
          %swap3A_664 = arith.constant 12 : i32
          %swap3A_665 = arith.index_cast %swap3A_664 : i32 to index
          %swap3A_666 = arith.index_cast %mul3A_663 : i32 to index
          %swap3A_667 = tpu.vector_load %arg7[%swap3A_665, %swap3A_666] {strides = array<i32>} : memref<16x1024xf32, #tpu.memory_space<vmem>>, vector<16xf32>,
          tpu.vector_store %arg7[%swap3A_665, %swap3A_666], %gather3A_661 {strides = array<i32>} : memref<16x1024xf32, #tpu.memory_space<vmem>>, vector<16xf32>,
          %gather3A_668 = tpu.vector_load_idx %arg6[%add3A_578, %broadcast_in_dim3A_26] : memref<1024x16xf32, #tpu.memory_space<vmem>>[vector<16xi32>, vector<16xi32>], vector<16xf32>,
          %mul3A_669 = arith.constant 16 : i32
          %mul3A_670 = arith.muli %scan3A_573, %mul3A_669 : i32
          %swap3A_671 = arith.constant 13 : i32
          %swap3A_672 = arith.index_cast %swap3A_671 : i32 to index
          %swap3A_673 = arith.index_cast %mul3A_670 : i32 to index
          %swap3A_674 = tpu.vector_load %arg7[%swap3A_672, %swap3A_673] {strides = array<i32>} : memref<16x1024xf32, #tpu.memory_space<vmem>>, vector<16xf32>,
          tpu.vector_store %arg7[%swap3A_672, %swap3A_673], %gather3A_668 {strides = array<i32>} : memref<16x1024xf32, #tpu.memory_space<vmem>>, vector<16xf32>,
          %gather3A_675 = tpu.vector_load_idx %arg6[%add3A_578, %broadcast_in_dim3A_28] : memref<1024x16xf32, #tpu.memory_space<vmem>>[vector<16xi32>, vector<16xi32>], vector<16xf32>,
          %mul3A_676 = arith.constant 16 : i32
          %mul3A_677 = arith.muli %scan3A_573, %mul3A_676 : i32
          %swap3A_678 = arith.constant 14 : i32
          %swap3A_679 = arith.index_cast %swap3A_678 : i32 to index
          %swap3A_680 = arith.index_cast %mul3A_677 : i32 to index
          %swap3A_681 = tpu.vector_load %arg7[%swap3A_679, %swap3A_680] {strides = array<i32>} : memref<16x1024xf32, #tpu.memory_space<vmem>>, vector<16xf32>,
          tpu.vector_store %arg7[%swap3A_679, %swap3A_680], %gather3A_675 {strides = array<i32>} : memref<16x1024xf32, #tpu.memory_space<vmem>>, vector<16xf32>,
          %gather3A_682 = tpu.vector_load_idx %arg6[%add3A_578, %broadcast_in_dim3A_30] : memref<1024x16xf32, #tpu.memory_space<vmem>>[vector<16xi32>, vector<16xi32>], vector<16xf32>,
          %mul3A_683 = arith.constant 16 : i32
          %mul3A_684 = arith.muli %scan3A_573, %mul3A_683 : i32
          %swap3A_685 = arith.constant 15 : i32
          %swap3A_686 = arith.index_cast %swap3A_685 : i32 to index
          %swap3A_687 = arith.index_cast %mul3A_684 : i32 to index
          %swap3A_688 = tpu.vector_load %arg7[%swap3A_686, %swap3A_687] {strides = array<i32>} : memref<16x1024xf32, #tpu.memory_space<vmem>>, vector<16xf32>,
          tpu.vector_store %arg7[%swap3A_686, %swap3A_687], %gather3A_682 {strides = array<i32>} : memref<16x1024xf32, #tpu.memory_space<vmem>>, vector<16xf32>,
          %scan3A_689 = arith.constant 0 : i32
          scf.yield %scan3A_689 : i32
        }
        %scan3A_188 = arith.constant 64 : i32
        %dma_start3A_189 = arith.constant 0 : i32
        %dma_start3A_190 = arith.constant 0 : i32
        %dma_start3A_191 = arith.constant 0 : i32
        %dma_start3A_192 = tpu.memref_slice %arg7[%dma_start3A_189, %dma_start3A_191] : memref<16x1024xf32, #tpu.memory_space<vmem>> -> memref<1x1024xf32, #tpu.memory_space<vmem>>
        %dma_start3A_193 = tpu.memref_squeeze %dma_start3A_192 : memref<1x1024xf32, #tpu.memory_space<vmem>> -> memref<1024xf32, #tpu.memory_space<vmem>>
        %dma_start3A_194 = tpu.memref_slice %arg4[%dma_start3A_190, %mul3A_55] : memref<16x160000xf32, #tpu.memory_space<hbm>> -> memref<1x1024xf32, #tpu.memory_space<hbm>>
        %dma_start3A_195 = tpu.memref_squeeze %dma_start3A_194 : memref<1x1024xf32, #tpu.memory_space<hbm>> -> memref<1024xf32, #tpu.memory_space<hbm>>
        %dma_start3A_196 = tpu.memref_slice %arg4[%dma_start3A_190, %mul3A_55] : memref<16x160000xf32, #tpu.memory_space<hbm>> -> memref<1x1024xf32, #tpu.memory_space<hbm>>
        %dma_start3A_197 = tpu.memref_squeeze %dma_start3A_196 : memref<1x1024xf32, #tpu.memory_space<hbm>> -> memref<1024xf32, #tpu.memory_space<hbm>>
        %dma_start3A_198 = arith.constant 0 : i32
        %dma_start3A_199 = tpu.memref_slice %arg7[%dma_start3A_189, %dma_start3A_198] : memref<16x1024xf32, #tpu.memory_space<vmem>> -> memref<1x1024xf32, #tpu.memory_space<vmem>>
        %dma_start3A_200 = tpu.memref_squeeze %dma_start3A_199 : memref<1x1024xf32, #tpu.memory_space<vmem>> -> memref<1024xf32, #tpu.memory_space<vmem>>
        tpu.enqueue_dma source(%dma_start3A_200 : memref<1024xf32, #tpu.memory_space<vmem>>) target(%dma_start3A_197 : memref<1024xf32, #tpu.memory_space<hbm>>) target_semaphore(%arg9 : memref<!tpu.dma_semaphore, #tpu.memory_space<semaphore_mem>>)
        %dma_start3A_201 = arith.constant 1 : i32
        %dma_start3A_202 = arith.constant 1 : i32
        %dma_start3A_203 = arith.constant 0 : i32
        %dma_start3A_204 = tpu.memref_slice %arg7[%dma_start3A_201, %dma_start3A_203] : memref<16x1024xf32, #tpu.memory_space<vmem>> -> memref<1x1024xf32, #tpu.memory_space<vmem>>
        %dma_start3A_205 = tpu.memref_squeeze %dma_start3A_204 : memref<1x1024xf32, #tpu.memory_space<vmem>> -> memref<1024xf32, #tpu.memory_space<vmem>>
        %dma_start3A_206 = tpu.memref_slice %arg4[%dma_start3A_202, %mul3A_55] : memref<16x160000xf32, #tpu.memory_space<hbm>> -> memref<1x1024xf32, #tpu.memory_space<hbm>>
        %dma_start3A_207 = tpu.memref_squeeze %dma_start3A_206 : memref<1x1024xf32, #tpu.memory_space<hbm>> -> memref<1024xf32, #tpu.memory_space<hbm>>
        %dma_start3A_208 = tpu.memref_slice %arg4[%dma_start3A_202, %mul3A_55] : memref<16x160000xf32, #tpu.memory_space<hbm>> -> memref<1x1024xf32, #tpu.memory_space<hbm>>
        %dma_start3A_209 = tpu.memref_squeeze %dma_start3A_208 : memref<1x1024xf32, #tpu.memory_space<hbm>> -> memref<1024xf32, #tpu.memory_space<hbm>>
        %dma_start3A_210 = arith.constant 0 : i32
        %dma_start3A_211 = tpu.memref_slice %arg7[%dma_start3A_201, %dma_start3A_210] : memref<16x1024xf32, #tpu.memory_space<vmem>> -> memref<1x1024xf32, #tpu.memory_space<vmem>>
        %dma_start3A_212 = tpu.memref_squeeze %dma_start3A_211 : memref<1x1024xf32, #tpu.memory_space<vmem>> -> memref<1024xf32, #tpu.memory_space<vmem>>
        tpu.enqueue_dma source(%dma_start3A_212 : memref<1024xf32, #tpu.memory_space<vmem>>) target(%dma_start3A_209 : memref<1024xf32, #tpu.memory_space<hbm>>) target_semaphore(%arg9 : memref<!tpu.dma_semaphore, #tpu.memory_space<semaphore_mem>>)
        %dma_start3A_213 = arith.constant 2 : i32
        %dma_start3A_214 = arith.constant 2 : i32
        %dma_start3A_215 = arith.constant 0 : i32
        %dma_start3A_216 = tpu.memref_slice %arg7[%dma_start3A_213, %dma_start3A_215] : memref<16x1024xf32, #tpu.memory_space<vmem>> -> memref<1x1024xf32, #tpu.memory_space<vmem>>
        %dma_start3A_217 = tpu.memref_squeeze %dma_start3A_216 : memref<1x1024xf32, #tpu.memory_space<vmem>> -> memref<1024xf32, #tpu.memory_space<vmem>>
        %dma_start3A_218 = tpu.memref_slice %arg4[%dma_start3A_214, %mul3A_55] : memref<16x160000xf32, #tpu.memory_space<hbm>> -> memref<1x1024xf32, #tpu.memory_space<hbm>>
        %dma_start3A_219 = tpu.memref_squeeze %dma_start3A_218 : memref<1x1024xf32, #tpu.memory_space<hbm>> -> memref<1024xf32, #tpu.memory_space<hbm>>
        %dma_start3A_220 = tpu.memref_slice %arg4[%dma_start3A_214, %mul3A_55] : memref<16x160000xf32, #tpu.memory_space<hbm>> -> memref<1x1024xf32, #tpu.memory_space<hbm>>
        %dma_start3A_221 = tpu.memref_squeeze %dma_start3A_220 : memref<1x1024xf32, #tpu.memory_space<hbm>> -> memref<1024xf32, #tpu.memory_space<hbm>>
        %dma_start3A_222 = arith.constant 0 : i32
        %dma_start3A_223 = tpu.memref_slice %arg7[%dma_start3A_213, %dma_start3A_222] : memref<16x1024xf32, #tpu.memory_space<vmem>> -> memref<1x1024xf32, #tpu.memory_space<vmem>>
        %dma_start3A_224 = tpu.memref_squeeze %dma_start3A_223 : memref<1x1024xf32, #tpu.memory_space<vmem>> -> memref<1024xf32, #tpu.memory_space<vmem>>
        tpu.enqueue_dma source(%dma_start3A_224 : memref<1024xf32, #tpu.memory_space<vmem>>) target(%dma_start3A_221 : memref<1024xf32, #tpu.memory_space<hbm>>) target_semaphore(%arg9 : memref<!tpu.dma_semaphore, #tpu.memory_space<semaphore_mem>>)
        %dma_start3A_225 = arith.constant 3 : i32
        %dma_start3A_226 = arith.constant 3 : i32
        %dma_start3A_227 = arith.constant 0 : i32
        %dma_start3A_228 = tpu.memref_slice %arg7[%dma_start3A_225, %dma_start3A_227] : memref<16x1024xf32, #tpu.memory_space<vmem>> -> memref<1x1024xf32, #tpu.memory_space<vmem>>
        %dma_start3A_229 = tpu.memref_squeeze %dma_start3A_228 : memref<1x1024xf32, #tpu.memory_space<vmem>> -> memref<1024xf32, #tpu.memory_space<vmem>>
        %dma_start3A_230 = tpu.memref_slice %arg4[%dma_start3A_226, %mul3A_55] : memref<16x160000xf32, #tpu.memory_space<hbm>> -> memref<1x1024xf32, #tpu.memory_space<hbm>>
        %dma_start3A_231 = tpu.memref_squeeze %dma_start3A_230 : memref<1x1024xf32, #tpu.memory_space<hbm>> -> memref<1024xf32, #tpu.memory_space<hbm>>
        %dma_start3A_232 = tpu.memref_slice %arg4[%dma_start3A_226, %mul3A_55] : memref<16x160000xf32, #tpu.memory_space<hbm>> -> memref<1x1024xf32, #tpu.memory_space<hbm>>
        %dma_start3A_233 = tpu.memref_squeeze %dma_start3A_232 : memref<1x1024xf32, #tpu.memory_space<hbm>> -> memref<1024xf32, #tpu.memory_space<hbm>>
        %dma_start3A_234 = arith.constant 0 : i32
        %dma_start3A_235 = tpu.memref_slice %arg7[%dma_start3A_225, %dma_start3A_234] : memref<16x1024xf32, #tpu.memory_space<vmem>> -> memref<1x1024xf32, #tpu.memory_space<vmem>>
        %dma_start3A_236 = tpu.memref_squeeze %dma_start3A_235 : memref<1x1024xf32, #tpu.memory_space<vmem>> -> memref<1024xf32, #tpu.memory_space<vmem>>
        tpu.enqueue_dma source(%dma_start3A_236 : memref<1024xf32, #tpu.memory_space<vmem>>) target(%dma_start3A_233 : memref<1024xf32, #tpu.memory_space<hbm>>) target_semaphore(%arg9 : memref<!tpu.dma_semaphore, #tpu.memory_space<semaphore_mem>>)
        %dma_start3A_237 = arith.constant 4 : i32
        %dma_start3A_238 = arith.constant 4 : i32
        %dma_start3A_239 = arith.constant 0 : i32
        %dma_start3A_240 = tpu.memref_slice %arg7[%dma_start3A_237, %dma_start3A_239] : memref<16x1024xf32, #tpu.memory_space<vmem>> -> memref<1x1024xf32, #tpu.memory_space<vmem>>
        %dma_start3A_241 = tpu.memref_squeeze %dma_start3A_240 : memref<1x1024xf32, #tpu.memory_space<vmem>> -> memref<1024xf32, #tpu.memory_space<vmem>>
        %dma_start3A_242 = tpu.memref_slice %arg4[%dma_start3A_238, %mul3A_55] : memref<16x160000xf32, #tpu.memory_space<hbm>> -> memref<1x1024xf32, #tpu.memory_space<hbm>>
        %dma_start3A_243 = tpu.memref_squeeze %dma_start3A_242 : memref<1x1024xf32, #tpu.memory_space<hbm>> -> memref<1024xf32, #tpu.memory_space<hbm>>
        %dma_start3A_244 = tpu.memref_slice %arg4[%dma_start3A_238, %mul3A_55] : memref<16x160000xf32, #tpu.memory_space<hbm>> -> memref<1x1024xf32, #tpu.memory_space<hbm>>
        %dma_start3A_245 = tpu.memref_squeeze %dma_start3A_244 : memref<1x1024xf32, #tpu.memory_space<hbm>> -> memref<1024xf32, #tpu.memory_space<hbm>>
        %dma_start3A_246 = arith.constant 0 : i32
        %dma_start3A_247 = tpu.memref_slice %arg7[%dma_start3A_237, %dma_start3A_246] : memref<16x1024xf32, #tpu.memory_space<vmem>> -> memref<1x1024xf32, #tpu.memory_space<vmem>>
        %dma_start3A_248 = tpu.memref_squeeze %dma_start3A_247 : memref<1x1024xf32, #tpu.memory_space<vmem>> -> memref<1024xf32, #tpu.memory_space<vmem>>
        tpu.enqueue_dma source(%dma_start3A_248 : memref<1024xf32, #tpu.memory_space<vmem>>) target(%dma_start3A_245 : memref<1024xf32, #tpu.memory_space<hbm>>) target_semaphore(%arg9 : memref<!tpu.dma_semaphore, #tpu.memory_space<semaphore_mem>>)
        %dma_start3A_249 = arith.constant 5 : i32
        %dma_start3A_250 = arith.constant 5 : i32
        %dma_start3A_251 = arith.constant 0 : i32
        %dma_start3A_252 = tpu.memref_slice %arg7[%dma_start3A_249, %dma_start3A_251] : memref<16x1024xf32, #tpu.memory_space<vmem>> -> memref<1x1024xf32, #tpu.memory_space<vmem>>
        %dma_start3A_253 = tpu.memref_squeeze %dma_start3A_252 : memref<1x1024xf32, #tpu.memory_space<vmem>> -> memref<1024xf32, #tpu.memory_space<vmem>>
        %dma_start3A_254 = tpu.memref_slice %arg4[%dma_start3A_250, %mul3A_55] : memref<16x160000xf32, #tpu.memory_space<hbm>> -> memref<1x1024xf32, #tpu.memory_space<hbm>>
        %dma_start3A_255 = tpu.memref_squeeze %dma_start3A_254 : memref<1x1024xf32, #tpu.memory_space<hbm>> -> memref<1024xf32, #tpu.memory_space<hbm>>
        %dma_start3A_256 = tpu.memref_slice %arg4[%dma_start3A_250, %mul3A_55] : memref<16x160000xf32, #tpu.memory_space<hbm>> -> memref<1x1024xf32, #tpu.memory_space<hbm>>
        %dma_start3A_257 = tpu.memref_squeeze %dma_start3A_256 : memref<1x1024xf32, #tpu.memory_space<hbm>> -> memref<1024xf32, #tpu.memory_space<hbm>>
        %dma_start3A_258 = arith.constant 0 : i32
        %dma_start3A_259 = tpu.memref_slice %arg7[%dma_start3A_249, %dma_start3A_258] : memref<16x1024xf32, #tpu.memory_space<vmem>> -> memref<1x1024xf32, #tpu.memory_space<vmem>>
        %dma_start3A_260 = tpu.memref_squeeze %dma_start3A_259 : memref<1x1024xf32, #tpu.memory_space<vmem>> -> memref<1024xf32, #tpu.memory_space<vmem>>
        tpu.enqueue_dma source(%dma_start3A_260 : memref<1024xf32, #tpu.memory_space<vmem>>) target(%dma_start3A_257 : memref<1024xf32, #tpu.memory_space<hbm>>) target_semaphore(%arg9 : memref<!tpu.dma_semaphore, #tpu.memory_space<semaphore_mem>>)
        %dma_start3A_261 = arith.constant 6 : i32
        %dma_start3A_262 = arith.constant 6 : i32
        %dma_start3A_263 = arith.constant 0 : i32
        %dma_start3A_264 = tpu.memref_slice %arg7[%dma_start3A_261, %dma_start3A_263] : memref<16x1024xf32, #tpu.memory_space<vmem>> -> memref<1x1024xf32, #tpu.memory_space<vmem>>
        %dma_start3A_265 = tpu.memref_squeeze %dma_start3A_264 : memref<1x1024xf32, #tpu.memory_space<vmem>> -> memref<1024xf32, #tpu.memory_space<vmem>>
        %dma_start3A_266 = tpu.memref_slice %arg4[%dma_start3A_262, %mul3A_55] : memref<16x160000xf32, #tpu.memory_space<hbm>> -> memref<1x1024xf32, #tpu.memory_space<hbm>>
        %dma_start3A_267 = tpu.memref_squeeze %dma_start3A_266 : memref<1x1024xf32, #tpu.memory_space<hbm>> -> memref<1024xf32, #tpu.memory_space<hbm>>
        %dma_start3A_268 = tpu.memref_slice %arg4[%dma_start3A_262, %mul3A_55] : memref<16x160000xf32, #tpu.memory_space<hbm>> -> memref<1x1024xf32, #tpu.memory_space<hbm>>
        %dma_start3A_269 = tpu.memref_squeeze %dma_start3A_268 : memref<1x1024xf32, #tpu.memory_space<hbm>> -> memref<1024xf32, #tpu.memory_space<hbm>>
        %dma_start3A_270 = arith.constant 0 : i32
        %dma_start3A_271 = tpu.memref_slice %arg7[%dma_start3A_261, %dma_start3A_270] : memref<16x1024xf32, #tpu.memory_space<vmem>> -> memref<1x1024xf32, #tpu.memory_space<vmem>>
        %dma_start3A_272 = tpu.memref_squeeze %dma_start3A_271 : memref<1x1024xf32, #tpu.memory_space<vmem>> -> memref<1024xf32, #tpu.memory_space<vmem>>
        tpu.enqueue_dma source(%dma_start3A_272 : memref<1024xf32, #tpu.memory_space<vmem>>) target(%dma_start3A_269 : memref<1024xf32, #tpu.memory_space<hbm>>) target_semaphore(%arg9 : memref<!tpu.dma_semaphore, #tpu.memory_space<semaphore_mem>>)
        %dma_start3A_273 = arith.constant 7 : i32
        %dma_start3A_274 = arith.constant 7 : i32
        %dma_start3A_275 = arith.constant 0 : i32
        %dma_start3A_276 = tpu.memref_slice %arg7[%dma_start3A_273, %dma_start3A_275] : memref<16x1024xf32, #tpu.memory_space<vmem>> -> memref<1x1024xf32, #tpu.memory_space<vmem>>
        %dma_start3A_277 = tpu.memref_squeeze %dma_start3A_276 : memref<1x1024xf32, #tpu.memory_space<vmem>> -> memref<1024xf32, #tpu.memory_space<vmem>>
        %dma_start3A_278 = tpu.memref_slice %arg4[%dma_start3A_274, %mul3A_55] : memref<16x160000xf32, #tpu.memory_space<hbm>> -> memref<1x1024xf32, #tpu.memory_space<hbm>>
        %dma_start3A_279 = tpu.memref_squeeze %dma_start3A_278 : memref<1x1024xf32, #tpu.memory_space<hbm>> -> memref<1024xf32, #tpu.memory_space<hbm>>
        %dma_start3A_280 = tpu.memref_slice %arg4[%dma_start3A_274, %mul3A_55] : memref<16x160000xf32, #tpu.memory_space<hbm>> -> memref<1x1024xf32, #tpu.memory_space<hbm>>
        %dma_start3A_281 = tpu.memref_squeeze %dma_start3A_280 : memref<1x1024xf32, #tpu.memory_space<hbm>> -> memref<1024xf32, #tpu.memory_space<hbm>>
        %dma_start3A_282 = arith.constant 0 : i32
        %dma_start3A_283 = tpu.memref_slice %arg7[%dma_start3A_273, %dma_start3A_282] : memref<16x1024xf32, #tpu.memory_space<vmem>> -> memref<1x1024xf32, #tpu.memory_space<vmem>>
        %dma_start3A_284 = tpu.memref_squeeze %dma_start3A_283 : memref<1x1024xf32, #tpu.memory_space<vmem>> -> memref<1024xf32, #tpu.memory_space<vmem>>
        tpu.enqueue_dma source(%dma_start3A_284 : memref<1024xf32, #tpu.memory_space<vmem>>) target(%dma_start3A_281 : memref<1024xf32, #tpu.memory_space<hbm>>) target_semaphore(%arg9 : memref<!tpu.dma_semaphore, #tpu.memory_space<semaphore_mem>>)
        %dma_start3A_285 = arith.constant 8 : i32
        %dma_start3A_286 = arith.constant 8 : i32
        %dma_start3A_287 = arith.constant 0 : i32
        %dma_start3A_288 = tpu.memref_slice %arg7[%dma_start3A_285, %dma_start3A_287] : memref<16x1024xf32, #tpu.memory_space<vmem>> -> memref<1x1024xf32, #tpu.memory_space<vmem>>
        %dma_start3A_289 = tpu.memref_squeeze %dma_start3A_288 : memref<1x1024xf32, #tpu.memory_space<vmem>> -> memref<1024xf32, #tpu.memory_space<vmem>>
        %dma_start3A_290 = tpu.memref_slice %arg4[%dma_start3A_286, %mul3A_55] : memref<16x160000xf32, #tpu.memory_space<hbm>> -> memref<1x1024xf32, #tpu.memory_space<hbm>>
        %dma_start3A_291 = tpu.memref_squeeze %dma_start3A_290 : memref<1x1024xf32, #tpu.memory_space<hbm>> -> memref<1024xf32, #tpu.memory_space<hbm>>
        %dma_start3A_292 = tpu.memref_slice %arg4[%dma_start3A_286, %mul3A_55] : memref<16x160000xf32, #tpu.memory_space<hbm>> -> memref<1x1024xf32, #tpu.memory_space<hbm>>
        %dma_start3A_293 = tpu.memref_squeeze %dma_start3A_292 : memref<1x1024xf32, #tpu.memory_space<hbm>> -> memref<1024xf32, #tpu.memory_space<hbm>>
        %dma_start3A_294 = arith.constant 0 : i32
        %dma_start3A_295 = tpu.memref_slice %arg7[%dma_start3A_285, %dma_start3A_294] : memref<16x1024xf32, #tpu.memory_space<vmem>> -> memref<1x1024xf32, #tpu.memory_space<vmem>>
        %dma_start3A_296 = tpu.memref_squeeze %dma_start3A_295 : memref<1x1024xf32, #tpu.memory_space<vmem>> -> memref<1024xf32, #tpu.memory_space<vmem>>
        tpu.enqueue_dma source(%dma_start3A_296 : memref<1024xf32, #tpu.memory_space<vmem>>) target(%dma_start3A_293 : memref<1024xf32, #tpu.memory_space<hbm>>) target_semaphore(%arg9 : memref<!tpu.dma_semaphore, #tpu.memory_space<semaphore_mem>>)
        %dma_start3A_297 = arith.constant 9 : i32
        %dma_start3A_298 = arith.constant 9 : i32
        %dma_start3A_299 = arith.constant 0 : i32
        %dma_start3A_300 = tpu.memref_slice %arg7[%dma_start3A_297, %dma_start3A_299] : memref<16x1024xf32, #tpu.memory_space<vmem>> -> memref<1x1024xf32, #tpu.memory_space<vmem>>
        %dma_start3A_301 = tpu.memref_squeeze %dma_start3A_300 : memref<1x1024xf32, #tpu.memory_space<vmem>> -> memref<1024xf32, #tpu.memory_space<vmem>>
        %dma_start3A_302 = tpu.memref_slice %arg4[%dma_start3A_298, %mul3A_55] : memref<16x160000xf32, #tpu.memory_space<hbm>> -> memref<1x1024xf32, #tpu.memory_space<hbm>>
        %dma_start3A_303 = tpu.memref_squeeze %dma_start3A_302 : memref<1x1024xf32, #tpu.memory_space<hbm>> -> memref<1024xf32, #tpu.memory_space<hbm>>
        %dma_start3A_304 = tpu.memref_slice %arg4[%dma_start3A_298, %mul3A_55] : memref<16x160000xf32, #tpu.memory_space<hbm>> -> memref<1x1024xf32, #tpu.memory_space<hbm>>
        %dma_start3A_305 = tpu.memref_squeeze %dma_start3A_304 : memref<1x1024xf32, #tpu.memory_space<hbm>> -> memref<1024xf32, #tpu.memory_space<hbm>>
        %dma_start3A_306 = arith.constant 0 : i32
        %dma_start3A_307 = tpu.memref_slice %arg7[%dma_start3A_297, %dma_start3A_306] : memref<16x1024xf32, #tpu.memory_space<vmem>> -> memref<1x1024xf32, #tpu.memory_space<vmem>>
        %dma_start3A_308 = tpu.memref_squeeze %dma_start3A_307 : memref<1x1024xf32, #tpu.memory_space<vmem>> -> memref<1024xf32, #tpu.memory_space<vmem>>
        tpu.enqueue_dma source(%dma_start3A_308 : memref<1024xf32, #tpu.memory_space<vmem>>) target(%dma_start3A_305 : memref<1024xf32, #tpu.memory_space<hbm>>) target_semaphore(%arg9 : memref<!tpu.dma_semaphore, #tpu.memory_space<semaphore_mem>>)
        %dma_start3A_309 = arith.constant 10 : i32
        %dma_start3A_310 = arith.constant 10 : i32
        %dma_start3A_311 = arith.constant 0 : i32
        %dma_start3A_312 = tpu.memref_slice %arg7[%dma_start3A_309, %dma_start3A_311] : memref<16x1024xf32, #tpu.memory_space<vmem>> -> memref<1x1024xf32, #tpu.memory_space<vmem>>
        %dma_start3A_313 = tpu.memref_squeeze %dma_start3A_312 : memref<1x1024xf32, #tpu.memory_space<vmem>> -> memref<1024xf32, #tpu.memory_space<vmem>>
        %dma_start3A_314 = tpu.memref_slice %arg4[%dma_start3A_310, %mul3A_55] : memref<16x160000xf32, #tpu.memory_space<hbm>> -> memref<1x1024xf32, #tpu.memory_space<hbm>>
        %dma_start3A_315 = tpu.memref_squeeze %dma_start3A_314 : memref<1x1024xf32, #tpu.memory_space<hbm>> -> memref<1024xf32, #tpu.memory_space<hbm>>
        %dma_start3A_316 = tpu.memref_slice %arg4[%dma_start3A_310, %mul3A_55] : memref<16x160000xf32, #tpu.memory_space<hbm>> -> memref<1x1024xf32, #tpu.memory_space<hbm>>
        %dma_start3A_317 = tpu.memref_squeeze %dma_start3A_316 : memref<1x1024xf32, #tpu.memory_space<hbm>> -> memref<1024xf32, #tpu.memory_space<hbm>>
        %dma_start3A_318 = arith.constant 0 : i32
        %dma_start3A_319 = tpu.memref_slice %arg7[%dma_start3A_309, %dma_start3A_318] : memref<16x1024xf32, #tpu.memory_space<vmem>> -> memref<1x1024xf32, #tpu.memory_space<vmem>>
        %dma_start3A_320 = tpu.memref_squeeze %dma_start3A_319 : memref<1x1024xf32, #tpu.memory_space<vmem>> -> memref<1024xf32, #tpu.memory_space<vmem>>
        tpu.enqueue_dma source(%dma_start3A_320 : memref<1024xf32, #tpu.memory_space<vmem>>) target(%dma_start3A_317 : memref<1024xf32, #tpu.memory_space<hbm>>) target_semaphore(%arg9 : memref<!tpu.dma_semaphore, #tpu.memory_space<semaphore_mem>>)
        %dma_start3A_321 = arith.constant 11 : i32
        %dma_start3A_322 = arith.constant 11 : i32
        %dma_start3A_323 = arith.constant 0 : i32
        %dma_start3A_324 = tpu.memref_slice %arg7[%dma_start3A_321, %dma_start3A_323] : memref<16x1024xf32, #tpu.memory_space<vmem>> -> memref<1x1024xf32, #tpu.memory_space<vmem>>
        %dma_start3A_325 = tpu.memref_squeeze %dma_start3A_324 : memref<1x1024xf32, #tpu.memory_space<vmem>> -> memref<1024xf32, #tpu.memory_space<vmem>>
        %dma_start3A_326 = tpu.memref_slice %arg4[%dma_start3A_322, %mul3A_55] : memref<16x160000xf32, #tpu.memory_space<hbm>> -> memref<1x1024xf32, #tpu.memory_space<hbm>>
        %dma_start3A_327 = tpu.memref_squeeze %dma_start3A_326 : memref<1x1024xf32, #tpu.memory_space<hbm>> -> memref<1024xf32, #tpu.memory_space<hbm>>
        %dma_start3A_328 = tpu.memref_slice %arg4[%dma_start3A_322, %mul3A_55] : memref<16x160000xf32, #tpu.memory_space<hbm>> -> memref<1x1024xf32, #tpu.memory_space<hbm>>
        %dma_start3A_329 = tpu.memref_squeeze %dma_start3A_328 : memref<1x1024xf32, #tpu.memory_space<hbm>> -> memref<1024xf32, #tpu.memory_space<hbm>>
        %dma_start3A_330 = arith.constant 0 : i32
        %dma_start3A_331 = tpu.memref_slice %arg7[%dma_start3A_321, %dma_start3A_330] : memref<16x1024xf32, #tpu.memory_space<vmem>> -> memref<1x1024xf32, #tpu.memory_space<vmem>>
        %dma_start3A_332 = tpu.memref_squeeze %dma_start3A_331 : memref<1x1024xf32, #tpu.memory_space<vmem>> -> memref<1024xf32, #tpu.memory_space<vmem>>
        tpu.enqueue_dma source(%dma_start3A_332 : memref<1024xf32, #tpu.memory_space<vmem>>) target(%dma_start3A_329 : memref<1024xf32, #tpu.memory_space<hbm>>) target_semaphore(%arg9 : memref<!tpu.dma_semaphore, #tpu.memory_space<semaphore_mem>>)
        %dma_start3A_333 = arith.constant 12 : i32
        %dma_start3A_334 = arith.constant 12 : i32
        %dma_start3A_335 = arith.constant 0 : i32
        %dma_start3A_336 = tpu.memref_slice %arg7[%dma_start3A_333, %dma_start3A_335] : memref<16x1024xf32, #tpu.memory_space<vmem>> -> memref<1x1024xf32, #tpu.memory_space<vmem>>
        %dma_start3A_337 = tpu.memref_squeeze %dma_start3A_336 : memref<1x1024xf32, #tpu.memory_space<vmem>> -> memref<1024xf32, #tpu.memory_space<vmem>>
        %dma_start3A_338 = tpu.memref_slice %arg4[%dma_start3A_334, %mul3A_55] : memref<16x160000xf32, #tpu.memory_space<hbm>> -> memref<1x1024xf32, #tpu.memory_space<hbm>>
        %dma_start3A_339 = tpu.memref_squeeze %dma_start3A_338 : memref<1x1024xf32, #tpu.memory_space<hbm>> -> memref<1024xf32, #tpu.memory_space<hbm>>
        %dma_start3A_340 = tpu.memref_slice %arg4[%dma_start3A_334, %mul3A_55] : memref<16x160000xf32, #tpu.memory_space<hbm>> -> memref<1x1024xf32, #tpu.memory_space<hbm>>
        %dma_start3A_341 = tpu.memref_squeeze %dma_start3A_340 : memref<1x1024xf32, #tpu.memory_space<hbm>> -> memref<1024xf32, #tpu.memory_space<hbm>>
        %dma_start3A_342 = arith.constant 0 : i32
        %dma_start3A_343 = tpu.memref_slice %arg7[%dma_start3A_333, %dma_start3A_342] : memref<16x1024xf32, #tpu.memory_space<vmem>> -> memref<1x1024xf32, #tpu.memory_space<vmem>>
        %dma_start3A_344 = tpu.memref_squeeze %dma_start3A_343 : memref<1x1024xf32, #tpu.memory_space<vmem>> -> memref<1024xf32, #tpu.memory_space<vmem>>
        tpu.enqueue_dma source(%dma_start3A_344 : memref<1024xf32, #tpu.memory_space<vmem>>) target(%dma_start3A_341 : memref<1024xf32, #tpu.memory_space<hbm>>) target_semaphore(%arg9 : memref<!tpu.dma_semaphore, #tpu.memory_space<semaphore_mem>>)
        %dma_start3A_345 = arith.constant 13 : i32
        %dma_start3A_346 = arith.constant 13 : i32
        %dma_start3A_347 = arith.constant 0 : i32
        %dma_start3A_348 = tpu.memref_slice %arg7[%dma_start3A_345, %dma_start3A_347] : memref<16x1024xf32, #tpu.memory_space<vmem>> -> memref<1x1024xf32, #tpu.memory_space<vmem>>
        %dma_start3A_349 = tpu.memref_squeeze %dma_start3A_348 : memref<1x1024xf32, #tpu.memory_space<vmem>> -> memref<1024xf32, #tpu.memory_space<vmem>>
        %dma_start3A_350 = tpu.memref_slice %arg4[%dma_start3A_346, %mul3A_55] : memref<16x160000xf32, #tpu.memory_space<hbm>> -> memref<1x1024xf32, #tpu.memory_space<hbm>>
        %dma_start3A_351 = tpu.memref_squeeze %dma_start3A_350 : memref<1x1024xf32, #tpu.memory_space<hbm>> -> memref<1024xf32, #tpu.memory_space<hbm>>
        %dma_start3A_352 = tpu.memref_slice %arg4[%dma_start3A_346, %mul3A_55] : memref<16x160000xf32, #tpu.memory_space<hbm>> -> memref<1x1024xf32, #tpu.memory_space<hbm>>
        %dma_start3A_353 = tpu.memref_squeeze %dma_start3A_352 : memref<1x1024xf32, #tpu.memory_space<hbm>> -> memref<1024xf32, #tpu.memory_space<hbm>>
        %dma_start3A_354 = arith.constant 0 : i32
        %dma_start3A_355 = tpu.memref_slice %arg7[%dma_start3A_345, %dma_start3A_354] : memref<16x1024xf32, #tpu.memory_space<vmem>> -> memref<1x1024xf32, #tpu.memory_space<vmem>>
        %dma_start3A_356 = tpu.memref_squeeze %dma_start3A_355 : memref<1x1024xf32, #tpu.memory_space<vmem>> -> memref<1024xf32, #tpu.memory_space<vmem>>
        tpu.enqueue_dma source(%dma_start3A_356 : memref<1024xf32, #tpu.memory_space<vmem>>) target(%dma_start3A_353 : memref<1024xf32, #tpu.memory_space<hbm>>) target_semaphore(%arg9 : memref<!tpu.dma_semaphore, #tpu.memory_space<semaphore_mem>>)
        %dma_start3A_357 = arith.constant 14 : i32
        %dma_start3A_358 = arith.constant 14 : i32
        %dma_start3A_359 = arith.constant 0 : i32
        %dma_start3A_360 = tpu.memref_slice %arg7[%dma_start3A_357, %dma_start3A_359] : memref<16x1024xf32, #tpu.memory_space<vmem>> -> memref<1x1024xf32, #tpu.memory_space<vmem>>
        %dma_start3A_361 = tpu.memref_squeeze %dma_start3A_360 : memref<1x1024xf32, #tpu.memory_space<vmem>> -> memref<1024xf32, #tpu.memory_space<vmem>>
        %dma_start3A_362 = tpu.memref_slice %arg4[%dma_start3A_358, %mul3A_55] : memref<16x160000xf32, #tpu.memory_space<hbm>> -> memref<1x1024xf32, #tpu.memory_space<hbm>>
        %dma_start3A_363 = tpu.memref_squeeze %dma_start3A_362 : memref<1x1024xf32, #tpu.memory_space<hbm>> -> memref<1024xf32, #tpu.memory_space<hbm>>
        %dma_start3A_364 = tpu.memref_slice %arg4[%dma_start3A_358, %mul3A_55] : memref<16x160000xf32, #tpu.memory_space<hbm>> -> memref<1x1024xf32, #tpu.memory_space<hbm>>
        %dma_start3A_365 = tpu.memref_squeeze %dma_start3A_364 : memref<1x1024xf32, #tpu.memory_space<hbm>> -> memref<1024xf32, #tpu.memory_space<hbm>>
        %dma_start3A_366 = arith.constant 0 : i32
        %dma_start3A_367 = tpu.memref_slice %arg7[%dma_start3A_357, %dma_start3A_366] : memref<16x1024xf32, #tpu.memory_space<vmem>> -> memref<1x1024xf32, #tpu.memory_space<vmem>>
        %dma_start3A_368 = tpu.memref_squeeze %dma_start3A_367 : memref<1x1024xf32, #tpu.memory_space<vmem>> -> memref<1024xf32, #tpu.memory_space<vmem>>
        tpu.enqueue_dma source(%dma_start3A_368 : memref<1024xf32, #tpu.memory_space<vmem>>) target(%dma_start3A_365 : memref<1024xf32, #tpu.memory_space<hbm>>) target_semaphore(%arg9 : memref<!tpu.dma_semaphore, #tpu.memory_space<semaphore_mem>>)
        %dma_start3A_369 = arith.constant 15 : i32
        %dma_start3A_370 = arith.constant 15 : i32
        %dma_start3A_371 = arith.constant 0 : i32
        %dma_start3A_372 = tpu.memref_slice %arg7[%dma_start3A_369, %dma_start3A_371] : memref<16x1024xf32, #tpu.memory_space<vmem>> -> memref<1x1024xf32, #tpu.memory_space<vmem>>
        %dma_start3A_373 = tpu.memref_squeeze %dma_start3A_372 : memref<1x1024xf32, #tpu.memory_space<vmem>> -> memref<1024xf32, #tpu.memory_space<vmem>>
        %dma_start3A_374 = tpu.memref_slice %arg4[%dma_start3A_370, %mul3A_55] : memref<16x160000xf32, #tpu.memory_space<hbm>> -> memref<1x1024xf32, #tpu.memory_space<hbm>>
        %dma_start3A_375 = tpu.memref_squeeze %dma_start3A_374 : memref<1x1024xf32, #tpu.memory_space<hbm>> -> memref<1024xf32, #tpu.memory_space<hbm>>
        %dma_start3A_376 = tpu.memref_slice %arg4[%dma_start3A_370, %mul3A_55] : memref<16x160000xf32, #tpu.memory_space<hbm>> -> memref<1x1024xf32, #tpu.memory_space<hbm>>
        %dma_start3A_377 = tpu.memref_squeeze %dma_start3A_376 : memref<1x1024xf32, #tpu.memory_space<hbm>> -> memref<1024xf32, #tpu.memory_space<hbm>>
        %dma_start3A_378 = arith.constant 0 : i32
        %dma_start3A_379 = tpu.memref_slice %arg7[%dma_start3A_369, %dma_start3A_378] : memref<16x1024xf32, #tpu.memory_space<vmem>> -> memref<1x1024xf32, #tpu.memory_space<vmem>>
        %dma_start3A_380 = tpu.memref_squeeze %dma_start3A_379 : memref<1x1024xf32, #tpu.memory_space<vmem>> -> memref<1024xf32, #tpu.memory_space<vmem>>
        tpu.enqueue_dma source(%dma_start3A_380 : memref<1024xf32, #tpu.memory_space<vmem>>) target(%dma_start3A_377 : memref<1024xf32, #tpu.memory_space<hbm>>) target_semaphore(%arg9 : memref<!tpu.dma_semaphore, #tpu.memory_space<semaphore_mem>>)
        %dma_wait3A_381 = arith.constant 0 : i32
        %dma_wait3A_382 = arith.constant 0 : i32
        %dma_wait3A_383 = arith.constant 0 : i32
        %dma_wait3A_384 = tpu.memref_slice %arg7[%dma_wait3A_381, %dma_wait3A_383] : memref<16x1024xf32, #tpu.memory_space<vmem>> -> memref<1x1024xf32, #tpu.memory_space<vmem>>
        %dma_wait3A_385 = tpu.memref_squeeze %dma_wait3A_384 : memref<1x1024xf32, #tpu.memory_space<vmem>> -> memref<1024xf32, #tpu.memory_space<vmem>>
        %dma_wait3A_386 = tpu.memref_slice %arg4[%dma_wait3A_382, %mul3A_55] : memref<16x160000xf32, #tpu.memory_space<hbm>> -> memref<1x1024xf32, #tpu.memory_space<hbm>>
        %dma_wait3A_387 = tpu.memref_squeeze %dma_wait3A_386 : memref<1x1024xf32, #tpu.memory_space<hbm>> -> memref<1024xf32, #tpu.memory_space<hbm>>
        %dma_wait3A_388 = tpu.memref_slice %arg4[%dma_wait3A_382, %mul3A_55] : memref<16x160000xf32, #tpu.memory_space<hbm>> -> memref<1x1024xf32, #tpu.memory_space<hbm>>
        %dma_wait3A_389 = tpu.memref_squeeze %dma_wait3A_388 : memref<1x1024xf32, #tpu.memory_space<hbm>> -> memref<1024xf32, #tpu.memory_space<hbm>>
        %dma_wait3A_390 = arith.constant 0 : i32
        %dma_wait3A_391 = tpu.memref_slice %arg7[%dma_wait3A_381, %dma_wait3A_390] : memref<16x1024xf32, #tpu.memory_space<vmem>> -> memref<1x1024xf32, #tpu.memory_space<vmem>>
        %dma_wait3A_392 = tpu.memref_squeeze %dma_wait3A_391 : memref<1x1024xf32, #tpu.memory_space<vmem>> -> memref<1024xf32, #tpu.memory_space<vmem>>
        tpu.wait_dma2 semaphore(%arg9 : memref<!tpu.dma_semaphore, #tpu.memory_space<semaphore_mem>>) src(%dma_wait3A_392 : memref<1024xf32, #tpu.memory_space<vmem>>) dst(%dma_wait3A_389 : memref<1024xf32, #tpu.memory_space<hbm>>)
        %dma_wait3A_393 = arith.constant 1 : i32
        %dma_wait3A_394 = arith.constant 1 : i32
        %dma_wait3A_395 = arith.constant 0 : i32
        %dma_wait3A_396 = tpu.memref_slice %arg7[%dma_wait3A_393, %dma_wait3A_395] : memref<16x1024xf32, #tpu.memory_space<vmem>> -> memref<1x1024xf32, #tpu.memory_space<vmem>>
        %dma_wait3A_397 = tpu.memref_squeeze %dma_wait3A_396 : memref<1x1024xf32, #tpu.memory_space<vmem>> -> memref<1024xf32, #tpu.memory_space<vmem>>
        %dma_wait3A_398 = tpu.memref_slice %arg4[%dma_wait3A_394, %mul3A_55] : memref<16x160000xf32, #tpu.memory_space<hbm>> -> memref<1x1024xf32, #tpu.memory_space<hbm>>
        %dma_wait3A_399 = tpu.memref_squeeze %dma_wait3A_398 : memref<1x1024xf32, #tpu.memory_space<hbm>> -> memref<1024xf32, #tpu.memory_space<hbm>>
        %dma_wait3A_400 = tpu.memref_slice %arg4[%dma_wait3A_394, %mul3A_55] : memref<16x160000xf32, #tpu.memory_space<hbm>> -> memref<1x1024xf32, #tpu.memory_space<hbm>>
        %dma_wait3A_401 = tpu.memref_squeeze %dma_wait3A_400 : memref<1x1024xf32, #tpu.memory_space<hbm>> -> memref<1024xf32, #tpu.memory_space<hbm>>
        %dma_wait3A_402 = arith.constant 0 : i32
        %dma_wait3A_403 = tpu.memref_slice %arg7[%dma_wait3A_393, %dma_wait3A_402] : memref<16x1024xf32, #tpu.memory_space<vmem>> -> memref<1x1024xf32, #tpu.memory_space<vmem>>
        %dma_wait3A_404 = tpu.memref_squeeze %dma_wait3A_403 : memref<1x1024xf32, #tpu.memory_space<vmem>> -> memref<1024xf32, #tpu.memory_space<vmem>>
        tpu.wait_dma2 semaphore(%arg9 : memref<!tpu.dma_semaphore, #tpu.memory_space<semaphore_mem>>) src(%dma_wait3A_404 : memref<1024xf32, #tpu.memory_space<vmem>>) dst(%dma_wait3A_401 : memref<1024xf32, #tpu.memory_space<hbm>>)
        %dma_wait3A_405 = arith.constant 2 : i32
        %dma_wait3A_406 = arith.constant 2 : i32
        %dma_wait3A_407 = arith.constant 0 : i32
        %dma_wait3A_408 = tpu.memref_slice %arg7[%dma_wait3A_405, %dma_wait3A_407] : memref<16x1024xf32, #tpu.memory_space<vmem>> -> memref<1x1024xf32, #tpu.memory_space<vmem>>
        %dma_wait3A_409 = tpu.memref_squeeze %dma_wait3A_408 : memref<1x1024xf32, #tpu.memory_space<vmem>> -> memref<1024xf32, #tpu.memory_space<vmem>>
        %dma_wait3A_410 = tpu.memref_slice %arg4[%dma_wait3A_406, %mul3A_55] : memref<16x160000xf32, #tpu.memory_space<hbm>> -> memref<1x1024xf32, #tpu.memory_space<hbm>>
        %dma_wait3A_411 = tpu.memref_squeeze %dma_wait3A_410 : memref<1x1024xf32, #tpu.memory_space<hbm>> -> memref<1024xf32, #tpu.memory_space<hbm>>
        %dma_wait3A_412 = tpu.memref_slice %arg4[%dma_wait3A_406, %mul3A_55] : memref<16x160000xf32, #tpu.memory_space<hbm>> -> memref<1x1024xf32, #tpu.memory_space<hbm>>
        %dma_wait3A_413 = tpu.memref_squeeze %dma_wait3A_412 : memref<1x1024xf32, #tpu.memory_space<hbm>> -> memref<1024xf32, #tpu.memory_space<hbm>>
        %dma_wait3A_414 = arith.constant 0 : i32
        %dma_wait3A_415 = tpu.memref_slice %arg7[%dma_wait3A_405, %dma_wait3A_414] : memref<16x1024xf32, #tpu.memory_space<vmem>> -> memref<1x1024xf32, #tpu.memory_space<vmem>>
        %dma_wait3A_416 = tpu.memref_squeeze %dma_wait3A_415 : memref<1x1024xf32, #tpu.memory_space<vmem>> -> memref<1024xf32, #tpu.memory_space<vmem>>
        tpu.wait_dma2 semaphore(%arg9 : memref<!tpu.dma_semaphore, #tpu.memory_space<semaphore_mem>>) src(%dma_wait3A_416 : memref<1024xf32, #tpu.memory_space<vmem>>) dst(%dma_wait3A_413 : memref<1024xf32, #tpu.memory_space<hbm>>)
        %dma_wait3A_417 = arith.constant 3 : i32
        %dma_wait3A_418 = arith.constant 3 : i32
        %dma_wait3A_419 = arith.constant 0 : i32
        %dma_wait3A_420 = tpu.memref_slice %arg7[%dma_wait3A_417, %dma_wait3A_419] : memref<16x1024xf32, #tpu.memory_space<vmem>> -> memref<1x1024xf32, #tpu.memory_space<vmem>>
        %dma_wait3A_421 = tpu.memref_squeeze %dma_wait3A_420 : memref<1x1024xf32, #tpu.memory_space<vmem>> -> memref<1024xf32, #tpu.memory_space<vmem>>
        %dma_wait3A_422 = tpu.memref_slice %arg4[%dma_wait3A_418, %mul3A_55] : memref<16x160000xf32, #tpu.memory_space<hbm>> -> memref<1x1024xf32, #tpu.memory_space<hbm>>
        %dma_wait3A_423 = tpu.memref_squeeze %dma_wait3A_422 : memref<1x1024xf32, #tpu.memory_space<hbm>> -> memref<1024xf32, #tpu.memory_space<hbm>>
        %dma_wait3A_424 = tpu.memref_slice %arg4[%dma_wait3A_418, %mul3A_55] : memref<16x160000xf32, #tpu.memory_space<hbm>> -> memref<1x1024xf32, #tpu.memory_space<hbm>>
        %dma_wait3A_425 = tpu.memref_squeeze %dma_wait3A_424 : memref<1x1024xf32, #tpu.memory_space<hbm>> -> memref<1024xf32, #tpu.memory_space<hbm>>
        %dma_wait3A_426 = arith.constant 0 : i32
        %dma_wait3A_427 = tpu.memref_slice %arg7[%dma_wait3A_417, %dma_wait3A_426] : memref<16x1024xf32, #tpu.memory_space<vmem>> -> memref<1x1024xf32, #tpu.memory_space<vmem>>
        %dma_wait3A_428 = tpu.memref_squeeze %dma_wait3A_427 : memref<1x1024xf32, #tpu.memory_space<vmem>> -> memref<1024xf32, #tpu.memory_space<vmem>>
        tpu.wait_dma2 semaphore(%arg9 : memref<!tpu.dma_semaphore, #tpu.memory_space<semaphore_mem>>) src(%dma_wait3A_428 : memref<1024xf32, #tpu.memory_space<vmem>>) dst(%dma_wait3A_425 : memref<1024xf32, #tpu.memory_space<hbm>>)
        %dma_wait3A_429 = arith.constant 4 : i32
        %dma_wait3A_430 = arith.constant 4 : i32
        %dma_wait3A_431 = arith.constant 0 : i32
        %dma_wait3A_432 = tpu.memref_slice %arg7[%dma_wait3A_429, %dma_wait3A_431] : memref<16x1024xf32, #tpu.memory_space<vmem>> -> memref<1x1024xf32, #tpu.memory_space<vmem>>
        %dma_wait3A_433 = tpu.memref_squeeze %dma_wait3A_432 : memref<1x1024xf32, #tpu.memory_space<vmem>> -> memref<1024xf32, #tpu.memory_space<vmem>>
        %dma_wait3A_434 = tpu.memref_slice %arg4[%dma_wait3A_430, %mul3A_55] : memref<16x160000xf32, #tpu.memory_space<hbm>> -> memref<1x1024xf32, #tpu.memory_space<hbm>>
        %dma_wait3A_435 = tpu.memref_squeeze %dma_wait3A_434 : memref<1x1024xf32, #tpu.memory_space<hbm>> -> memref<1024xf32, #tpu.memory_space<hbm>>
        %dma_wait3A_436 = tpu.memref_slice %arg4[%dma_wait3A_430, %mul3A_55] : memref<16x160000xf32, #tpu.memory_space<hbm>> -> memref<1x1024xf32, #tpu.memory_space<hbm>>
        %dma_wait3A_437 = tpu.memref_squeeze %dma_wait3A_436 : memref<1x1024xf32, #tpu.memory_space<hbm>> -> memref<1024xf32, #tpu.memory_space<hbm>>
        %dma_wait3A_438 = arith.constant 0 : i32
        %dma_wait3A_439 = tpu.memref_slice %arg7[%dma_wait3A_429, %dma_wait3A_438] : memref<16x1024xf32, #tpu.memory_space<vmem>> -> memref<1x1024xf32, #tpu.memory_space<vmem>>
        %dma_wait3A_440 = tpu.memref_squeeze %dma_wait3A_439 : memref<1x1024xf32, #tpu.memory_space<vmem>> -> memref<1024xf32, #tpu.memory_space<vmem>>
        tpu.wait_dma2 semaphore(%arg9 : memref<!tpu.dma_semaphore, #tpu.memory_space<semaphore_mem>>) src(%dma_wait3A_440 : memref<1024xf32, #tpu.memory_space<vmem>>) dst(%dma_wait3A_437 : memref<1024xf32, #tpu.memory_space<hbm>>)
        %dma_wait3A_441 = arith.constant 5 : i32
        %dma_wait3A_442 = arith.constant 5 : i32
        %dma_wait3A_443 = arith.constant 0 : i32
        %dma_wait3A_444 = tpu.memref_slice %arg7[%dma_wait3A_441, %dma_wait3A_443] : memref<16x1024xf32, #tpu.memory_space<vmem>> -> memref<1x1024xf32, #tpu.memory_space<vmem>>
        %dma_wait3A_445 = tpu.memref_squeeze %dma_wait3A_444 : memref<1x1024xf32, #tpu.memory_space<vmem>> -> memref<1024xf32, #tpu.memory_space<vmem>>
        %dma_wait3A_446 = tpu.memref_slice %arg4[%dma_wait3A_442, %mul3A_55] : memref<16x160000xf32, #tpu.memory_space<hbm>> -> memref<1x1024xf32, #tpu.memory_space<hbm>>
        %dma_wait3A_447 = tpu.memref_squeeze %dma_wait3A_446 : memref<1x1024xf32, #tpu.memory_space<hbm>> -> memref<1024xf32, #tpu.memory_space<hbm>>
        %dma_wait3A_448 = tpu.memref_slice %arg4[%dma_wait3A_442, %mul3A_55] : memref<16x160000xf32, #tpu.memory_space<hbm>> -> memref<1x1024xf32, #tpu.memory_space<hbm>>
        %dma_wait3A_449 = tpu.memref_squeeze %dma_wait3A_448 : memref<1x1024xf32, #tpu.memory_space<hbm>> -> memref<1024xf32, #tpu.memory_space<hbm>>
        %dma_wait3A_450 = arith.constant 0 : i32
        %dma_wait3A_451 = tpu.memref_slice %arg7[%dma_wait3A_441, %dma_wait3A_450] : memref<16x1024xf32, #tpu.memory_space<vmem>> -> memref<1x1024xf32, #tpu.memory_space<vmem>>
        %dma_wait3A_452 = tpu.memref_squeeze %dma_wait3A_451 : memref<1x1024xf32, #tpu.memory_space<vmem>> -> memref<1024xf32, #tpu.memory_space<vmem>>
        tpu.wait_dma2 semaphore(%arg9 : memref<!tpu.dma_semaphore, #tpu.memory_space<semaphore_mem>>) src(%dma_wait3A_452 : memref<1024xf32, #tpu.memory_space<vmem>>) dst(%dma_wait3A_449 : memref<1024xf32, #tpu.memory_space<hbm>>)
        %dma_wait3A_453 = arith.constant 6 : i32
        %dma_wait3A_454 = arith.constant 6 : i32
        %dma_wait3A_455 = arith.constant 0 : i32
        %dma_wait3A_456 = tpu.memref_slice %arg7[%dma_wait3A_453, %dma_wait3A_455] : memref<16x1024xf32, #tpu.memory_space<vmem>> -> memref<1x1024xf32, #tpu.memory_space<vmem>>
        %dma_wait3A_457 = tpu.memref_squeeze %dma_wait3A_456 : memref<1x1024xf32, #tpu.memory_space<vmem>> -> memref<1024xf32, #tpu.memory_space<vmem>>
        %dma_wait3A_458 = tpu.memref_slice %arg4[%dma_wait3A_454, %mul3A_55] : memref<16x160000xf32, #tpu.memory_space<hbm>> -> memref<1x1024xf32, #tpu.memory_space<hbm>>
        %dma_wait3A_459 = tpu.memref_squeeze %dma_wait3A_458 : memref<1x1024xf32, #tpu.memory_space<hbm>> -> memref<1024xf32, #tpu.memory_space<hbm>>
        %dma_wait3A_460 = tpu.memref_slice %arg4[%dma_wait3A_454, %mul3A_55] : memref<16x160000xf32, #tpu.memory_space<hbm>> -> memref<1x1024xf32, #tpu.memory_space<hbm>>
        %dma_wait3A_461 = tpu.memref_squeeze %dma_wait3A_460 : memref<1x1024xf32, #tpu.memory_space<hbm>> -> memref<1024xf32, #tpu.memory_space<hbm>>
        %dma_wait3A_462 = arith.constant 0 : i32
        %dma_wait3A_463 = tpu.memref_slice %arg7[%dma_wait3A_453, %dma_wait3A_462] : memref<16x1024xf32, #tpu.memory_space<vmem>> -> memref<1x1024xf32, #tpu.memory_space<vmem>>
        %dma_wait3A_464 = tpu.memref_squeeze %dma_wait3A_463 : memref<1x1024xf32, #tpu.memory_space<vmem>> -> memref<1024xf32, #tpu.memory_space<vmem>>
        tpu.wait_dma2 semaphore(%arg9 : memref<!tpu.dma_semaphore, #tpu.memory_space<semaphore_mem>>) src(%dma_wait3A_464 : memref<1024xf32, #tpu.memory_space<vmem>>) dst(%dma_wait3A_461 : memref<1024xf32, #tpu.memory_space<hbm>>)
        %dma_wait3A_465 = arith.constant 7 : i32
        %dma_wait3A_466 = arith.constant 7 : i32
        %dma_wait3A_467 = arith.constant 0 : i32
        %dma_wait3A_468 = tpu.memref_slice %arg7[%dma_wait3A_465, %dma_wait3A_467] : memref<16x1024xf32, #tpu.memory_space<vmem>> -> memref<1x1024xf32, #tpu.memory_space<vmem>>
        %dma_wait3A_469 = tpu.memref_squeeze %dma_wait3A_468 : memref<1x1024xf32, #tpu.memory_space<vmem>> -> memref<1024xf32, #tpu.memory_space<vmem>>
        %dma_wait3A_470 = tpu.memref_slice %arg4[%dma_wait3A_466, %mul3A_55] : memref<16x160000xf32, #tpu.memory_space<hbm>> -> memref<1x1024xf32, #tpu.memory_space<hbm>>
        %dma_wait3A_471 = tpu.memref_squeeze %dma_wait3A_470 : memref<1x1024xf32, #tpu.memory_space<hbm>> -> memref<1024xf32, #tpu.memory_space<hbm>>
        %dma_wait3A_472 = tpu.memref_slice %arg4[%dma_wait3A_466, %mul3A_55] : memref<16x160000xf32, #tpu.memory_space<hbm>> -> memref<1x1024xf32, #tpu.memory_space<hbm>>
        %dma_wait3A_473 = tpu.memref_squeeze %dma_wait3A_472 : memref<1x1024xf32, #tpu.memory_space<hbm>> -> memref<1024xf32, #tpu.memory_space<hbm>>
        %dma_wait3A_474 = arith.constant 0 : i32
        %dma_wait3A_475 = tpu.memref_slice %arg7[%dma_wait3A_465, %dma_wait3A_474] : memref<16x1024xf32, #tpu.memory_space<vmem>> -> memref<1x1024xf32, #tpu.memory_space<vmem>>
        %dma_wait3A_476 = tpu.memref_squeeze %dma_wait3A_475 : memref<1x1024xf32, #tpu.memory_space<vmem>> -> memref<1024xf32, #tpu.memory_space<vmem>>
        tpu.wait_dma2 semaphore(%arg9 : memref<!tpu.dma_semaphore, #tpu.memory_space<semaphore_mem>>) src(%dma_wait3A_476 : memref<1024xf32, #tpu.memory_space<vmem>>) dst(%dma_wait3A_473 : memref<1024xf32, #tpu.memory_space<hbm>>)
        %dma_wait3A_477 = arith.constant 8 : i32
        %dma_wait3A_478 = arith.constant 8 : i32
        %dma_wait3A_479 = arith.constant 0 : i32
        %dma_wait3A_480 = tpu.memref_slice %arg7[%dma_wait3A_477, %dma_wait3A_479] : memref<16x1024xf32, #tpu.memory_space<vmem>> -> memref<1x1024xf32, #tpu.memory_space<vmem>>
        %dma_wait3A_481 = tpu.memref_squeeze %dma_wait3A_480 : memref<1x1024xf32, #tpu.memory_space<vmem>> -> memref<1024xf32, #tpu.memory_space<vmem>>
        %dma_wait3A_482 = tpu.memref_slice %arg4[%dma_wait3A_478, %mul3A_55] : memref<16x160000xf32, #tpu.memory_space<hbm>> -> memref<1x1024xf32, #tpu.memory_space<hbm>>
        %dma_wait3A_483 = tpu.memref_squeeze %dma_wait3A_482 : memref<1x1024xf32, #tpu.memory_space<hbm>> -> memref<1024xf32, #tpu.memory_space<hbm>>
        %dma_wait3A_484 = tpu.memref_slice %arg4[%dma_wait3A_478, %mul3A_55] : memref<16x160000xf32, #tpu.memory_space<hbm>> -> memref<1x1024xf32, #tpu.memory_space<hbm>>
        %dma_wait3A_485 = tpu.memref_squeeze %dma_wait3A_484 : memref<1x1024xf32, #tpu.memory_space<hbm>> -> memref<1024xf32, #tpu.memory_space<hbm>>
        %dma_wait3A_486 = arith.constant 0 : i32
        %dma_wait3A_487 = tpu.memref_slice %arg7[%dma_wait3A_477, %dma_wait3A_486] : memref<16x1024xf32, #tpu.memory_space<vmem>> -> memref<1x1024xf32, #tpu.memory_space<vmem>>
        %dma_wait3A_488 = tpu.memref_squeeze %dma_wait3A_487 : memref<1x1024xf32, #tpu.memory_space<vmem>> -> memref<1024xf32, #tpu.memory_space<vmem>>
        tpu.wait_dma2 semaphore(%arg9 : memref<!tpu.dma_semaphore, #tpu.memory_space<semaphore_mem>>) src(%dma_wait3A_488 : memref<1024xf32, #tpu.memory_space<vmem>>) dst(%dma_wait3A_485 : memref<1024xf32, #tpu.memory_space<hbm>>)
        %dma_wait3A_489 = arith.constant 9 : i32
        %dma_wait3A_490 = arith.constant 9 : i32
        %dma_wait3A_491 = arith.constant 0 : i32
        %dma_wait3A_492 = tpu.memref_slice %arg7[%dma_wait3A_489, %dma_wait3A_491] : memref<16x1024xf32, #tpu.memory_space<vmem>> -> memref<1x1024xf32, #tpu.memory_space<vmem>>
        %dma_wait3A_493 = tpu.memref_squeeze %dma_wait3A_492 : memref<1x1024xf32, #tpu.memory_space<vmem>> -> memref<1024xf32, #tpu.memory_space<vmem>>
        %dma_wait3A_494 = tpu.memref_slice %arg4[%dma_wait3A_490, %mul3A_55] : memref<16x160000xf32, #tpu.memory_space<hbm>> -> memref<1x1024xf32, #tpu.memory_space<hbm>>
        %dma_wait3A_495 = tpu.memref_squeeze %dma_wait3A_494 : memref<1x1024xf32, #tpu.memory_space<hbm>> -> memref<1024xf32, #tpu.memory_space<hbm>>
        %dma_wait3A_496 = tpu.memref_slice %arg4[%dma_wait3A_490, %mul3A_55] : memref<16x160000xf32, #tpu.memory_space<hbm>> -> memref<1x1024xf32, #tpu.memory_space<hbm>>
        %dma_wait3A_497 = tpu.memref_squeeze %dma_wait3A_496 : memref<1x1024xf32, #tpu.memory_space<hbm>> -> memref<1024xf32, #tpu.memory_space<hbm>>
        %dma_wait3A_498 = arith.constant 0 : i32
        %dma_wait3A_499 = tpu.memref_slice %arg7[%dma_wait3A_489, %dma_wait3A_498] : memref<16x1024xf32, #tpu.memory_space<vmem>> -> memref<1x1024xf32, #tpu.memory_space<vmem>>
        %dma_wait3A_500 = tpu.memref_squeeze %dma_wait3A_499 : memref<1x1024xf32, #tpu.memory_space<vmem>> -> memref<1024xf32, #tpu.memory_space<vmem>>
        tpu.wait_dma2 semaphore(%arg9 : memref<!tpu.dma_semaphore, #tpu.memory_space<semaphore_mem>>) src(%dma_wait3A_500 : memref<1024xf32, #tpu.memory_space<vmem>>) dst(%dma_wait3A_497 : memref<1024xf32, #tpu.memory_space<hbm>>)
        %dma_wait3A_501 = arith.constant 10 : i32
        %dma_wait3A_502 = arith.constant 10 : i32
        %dma_wait3A_503 = arith.constant 0 : i32
        %dma_wait3A_504 = tpu.memref_slice %arg7[%dma_wait3A_501, %dma_wait3A_503] : memref<16x1024xf32, #tpu.memory_space<vmem>> -> memref<1x1024xf32, #tpu.memory_space<vmem>>
        %dma_wait3A_505 = tpu.memref_squeeze %dma_wait3A_504 : memref<1x1024xf32, #tpu.memory_space<vmem>> -> memref<1024xf32, #tpu.memory_space<vmem>>
        %dma_wait3A_506 = tpu.memref_slice %arg4[%dma_wait3A_502, %mul3A_55] : memref<16x160000xf32, #tpu.memory_space<hbm>> -> memref<1x1024xf32, #tpu.memory_space<hbm>>
        %dma_wait3A_507 = tpu.memref_squeeze %dma_wait3A_506 : memref<1x1024xf32, #tpu.memory_space<hbm>> -> memref<1024xf32, #tpu.memory_space<hbm>>
        %dma_wait3A_508 = tpu.memref_slice %arg4[%dma_wait3A_502, %mul3A_55] : memref<16x160000xf32, #tpu.memory_space<hbm>> -> memref<1x1024xf32, #tpu.memory_space<hbm>>
        %dma_wait3A_509 = tpu.memref_squeeze %dma_wait3A_508 : memref<1x1024xf32, #tpu.memory_space<hbm>> -> memref<1024xf32, #tpu.memory_space<hbm>>
        %dma_wait3A_510 = arith.constant 0 : i32
        %dma_wait3A_511 = tpu.memref_slice %arg7[%dma_wait3A_501, %dma_wait3A_510] : memref<16x1024xf32, #tpu.memory_space<vmem>> -> memref<1x1024xf32, #tpu.memory_space<vmem>>
        %dma_wait3A_512 = tpu.memref_squeeze %dma_wait3A_511 : memref<1x1024xf32, #tpu.memory_space<vmem>> -> memref<1024xf32, #tpu.memory_space<vmem>>
        tpu.wait_dma2 semaphore(%arg9 : memref<!tpu.dma_semaphore, #tpu.memory_space<semaphore_mem>>) src(%dma_wait3A_512 : memref<1024xf32, #tpu.memory_space<vmem>>) dst(%dma_wait3A_509 : memref<1024xf32, #tpu.memory_space<hbm>>)
        %dma_wait3A_513 = arith.constant 11 : i32
        %dma_wait3A_514 = arith.constant 11 : i32
        %dma_wait3A_515 = arith.constant 0 : i32
        %dma_wait3A_516 = tpu.memref_slice %arg7[%dma_wait3A_513, %dma_wait3A_515] : memref<16x1024xf32, #tpu.memory_space<vmem>> -> memref<1x1024xf32, #tpu.memory_space<vmem>>
        %dma_wait3A_517 = tpu.memref_squeeze %dma_wait3A_516 : memref<1x1024xf32, #tpu.memory_space<vmem>> -> memref<1024xf32, #tpu.memory_space<vmem>>
        %dma_wait3A_518 = tpu.memref_slice %arg4[%dma_wait3A_514, %mul3A_55] : memref<16x160000xf32, #tpu.memory_space<hbm>> -> memref<1x1024xf32, #tpu.memory_space<hbm>>
        %dma_wait3A_519 = tpu.memref_squeeze %dma_wait3A_518 : memref<1x1024xf32, #tpu.memory_space<hbm>> -> memref<1024xf32, #tpu.memory_space<hbm>>
        %dma_wait3A_520 = tpu.memref_slice %arg4[%dma_wait3A_514, %mul3A_55] : memref<16x160000xf32, #tpu.memory_space<hbm>> -> memref<1x1024xf32, #tpu.memory_space<hbm>>
        %dma_wait3A_521 = tpu.memref_squeeze %dma_wait3A_520 : memref<1x1024xf32, #tpu.memory_space<hbm>> -> memref<1024xf32, #tpu.memory_space<hbm>>
        %dma_wait3A_522 = arith.constant 0 : i32
        %dma_wait3A_523 = tpu.memref_slice %arg7[%dma_wait3A_513, %dma_wait3A_522] : memref<16x1024xf32, #tpu.memory_space<vmem>> -> memref<1x1024xf32, #tpu.memory_space<vmem>>
        %dma_wait3A_524 = tpu.memref_squeeze %dma_wait3A_523 : memref<1x1024xf32, #tpu.memory_space<vmem>> -> memref<1024xf32, #tpu.memory_space<vmem>>
        tpu.wait_dma2 semaphore(%arg9 : memref<!tpu.dma_semaphore, #tpu.memory_space<semaphore_mem>>) src(%dma_wait3A_524 : memref<1024xf32, #tpu.memory_space<vmem>>) dst(%dma_wait3A_521 : memref<1024xf32, #tpu.memory_space<hbm>>)
        %dma_wait3A_525 = arith.constant 12 : i32
        %dma_wait3A_526 = arith.constant 12 : i32
        %dma_wait3A_527 = arith.constant 0 : i32
        %dma_wait3A_528 = tpu.memref_slice %arg7[%dma_wait3A_525, %dma_wait3A_527] : memref<16x1024xf32, #tpu.memory_space<vmem>> -> memref<1x1024xf32, #tpu.memory_space<vmem>>
        %dma_wait3A_529 = tpu.memref_squeeze %dma_wait3A_528 : memref<1x1024xf32, #tpu.memory_space<vmem>> -> memref<1024xf32, #tpu.memory_space<vmem>>
        %dma_wait3A_530 = tpu.memref_slice %arg4[%dma_wait3A_526, %mul3A_55] : memref<16x160000xf32, #tpu.memory_space<hbm>> -> memref<1x1024xf32, #tpu.memory_space<hbm>>
        %dma_wait3A_531 = tpu.memref_squeeze %dma_wait3A_530 : memref<1x1024xf32, #tpu.memory_space<hbm>> -> memref<1024xf32, #tpu.memory_space<hbm>>
        %dma_wait3A_532 = tpu.memref_slice %arg4[%dma_wait3A_526, %mul3A_55] : memref<16x160000xf32, #tpu.memory_space<hbm>> -> memref<1x1024xf32, #tpu.memory_space<hbm>>
        %dma_wait3A_533 = tpu.memref_squeeze %dma_wait3A_532 : memref<1x1024xf32, #tpu.memory_space<hbm>> -> memref<1024xf32, #tpu.memory_space<hbm>>
        %dma_wait3A_534 = arith.constant 0 : i32
        %dma_wait3A_535 = tpu.memref_slice %arg7[%dma_wait3A_525, %dma_wait3A_534] : memref<16x1024xf32, #tpu.memory_space<vmem>> -> memref<1x1024xf32, #tpu.memory_space<vmem>>
        %dma_wait3A_536 = tpu.memref_squeeze %dma_wait3A_535 : memref<1x1024xf32, #tpu.memory_space<vmem>> -> memref<1024xf32, #tpu.memory_space<vmem>>
        tpu.wait_dma2 semaphore(%arg9 : memref<!tpu.dma_semaphore, #tpu.memory_space<semaphore_mem>>) src(%dma_wait3A_536 : memref<1024xf32, #tpu.memory_space<vmem>>) dst(%dma_wait3A_533 : memref<1024xf32, #tpu.memory_space<hbm>>)
        %dma_wait3A_537 = arith.constant 13 : i32
        %dma_wait3A_538 = arith.constant 13 : i32
        %dma_wait3A_539 = arith.constant 0 : i32
        %dma_wait3A_540 = tpu.memref_slice %arg7[%dma_wait3A_537, %dma_wait3A_539] : memref<16x1024xf32, #tpu.memory_space<vmem>> -> memref<1x1024xf32, #tpu.memory_space<vmem>>
        %dma_wait3A_541 = tpu.memref_squeeze %dma_wait3A_540 : memref<1x1024xf32, #tpu.memory_space<vmem>> -> memref<1024xf32, #tpu.memory_space<vmem>>
        %dma_wait3A_542 = tpu.memref_slice %arg4[%dma_wait3A_538, %mul3A_55] : memref<16x160000xf32, #tpu.memory_space<hbm>> -> memref<1x1024xf32, #tpu.memory_space<hbm>>
        %dma_wait3A_543 = tpu.memref_squeeze %dma_wait3A_542 : memref<1x1024xf32, #tpu.memory_space<hbm>> -> memref<1024xf32, #tpu.memory_space<hbm>>
        %dma_wait3A_544 = tpu.memref_slice %arg4[%dma_wait3A_538, %mul3A_55] : memref<16x160000xf32, #tpu.memory_space<hbm>> -> memref<1x1024xf32, #tpu.memory_space<hbm>>
        %dma_wait3A_545 = tpu.memref_squeeze %dma_wait3A_544 : memref<1x1024xf32, #tpu.memory_space<hbm>> -> memref<1024xf32, #tpu.memory_space<hbm>>
        %dma_wait3A_546 = arith.constant 0 : i32
        %dma_wait3A_547 = tpu.memref_slice %arg7[%dma_wait3A_537, %dma_wait3A_546] : memref<16x1024xf32, #tpu.memory_space<vmem>> -> memref<1x1024xf32, #tpu.memory_space<vmem>>
        %dma_wait3A_548 = tpu.memref_squeeze %dma_wait3A_547 : memref<1x1024xf32, #tpu.memory_space<vmem>> -> memref<1024xf32, #tpu.memory_space<vmem>>
        tpu.wait_dma2 semaphore(%arg9 : memref<!tpu.dma_semaphore, #tpu.memory_space<semaphore_mem>>) src(%dma_wait3A_548 : memref<1024xf32, #tpu.memory_space<vmem>>) dst(%dma_wait3A_545 : memref<1024xf32, #tpu.memory_space<hbm>>)
        %dma_wait3A_549 = arith.constant 14 : i32
        %dma_wait3A_550 = arith.constant 14 : i32
        %dma_wait3A_551 = arith.constant 0 : i32
        %dma_wait3A_552 = tpu.memref_slice %arg7[%dma_wait3A_549, %dma_wait3A_551] : memref<16x1024xf32, #tpu.memory_space<vmem>> -> memref<1x1024xf32, #tpu.memory_space<vmem>>
        %dma_wait3A_553 = tpu.memref_squeeze %dma_wait3A_552 : memref<1x1024xf32, #tpu.memory_space<vmem>> -> memref<1024xf32, #tpu.memory_space<vmem>>
        %dma_wait3A_554 = tpu.memref_slice %arg4[%dma_wait3A_550, %mul3A_55] : memref<16x160000xf32, #tpu.memory_space<hbm>> -> memref<1x1024xf32, #tpu.memory_space<hbm>>
        %dma_wait3A_555 = tpu.memref_squeeze %dma_wait3A_554 : memref<1x1024xf32, #tpu.memory_space<hbm>> -> memref<1024xf32, #tpu.memory_space<hbm>>
        %dma_wait3A_556 = tpu.memref_slice %arg4[%dma_wait3A_550, %mul3A_55] : memref<16x160000xf32, #tpu.memory_space<hbm>> -> memref<1x1024xf32, #tpu.memory_space<hbm>>
        %dma_wait3A_557 = tpu.memref_squeeze %dma_wait3A_556 : memref<1x1024xf32, #tpu.memory_space<hbm>> -> memref<1024xf32, #tpu.memory_space<hbm>>
        %dma_wait3A_558 = arith.constant 0 : i32
        %dma_wait3A_559 = tpu.memref_slice %arg7[%dma_wait3A_549, %dma_wait3A_558] : memref<16x1024xf32, #tpu.memory_space<vmem>> -> memref<1x1024xf32, #tpu.memory_space<vmem>>
        %dma_wait3A_560 = tpu.memref_squeeze %dma_wait3A_559 : memref<1x1024xf32, #tpu.memory_space<vmem>> -> memref<1024xf32, #tpu.memory_space<vmem>>
        tpu.wait_dma2 semaphore(%arg9 : memref<!tpu.dma_semaphore, #tpu.memory_space<semaphore_mem>>) src(%dma_wait3A_560 : memref<1024xf32, #tpu.memory_space<vmem>>) dst(%dma_wait3A_557 : memref<1024xf32, #tpu.memory_space<hbm>>)
        %dma_wait3A_561 = arith.constant 15 : i32
        %dma_wait3A_562 = arith.constant 15 : i32
        %dma_wait3A_563 = arith.constant 0 : i32
        %dma_wait3A_564 = tpu.memref_slice %arg7[%dma_wait3A_561, %dma_wait3A_563] : memref<16x1024xf32, #tpu.memory_space<vmem>> -> memref<1x1024xf32, #tpu.memory_space<vmem>>
        %dma_wait3A_565 = tpu.memref_squeeze %dma_wait3A_564 : memref<1x1024xf32, #tpu.memory_space<vmem>> -> memref<1024xf32, #tpu.memory_space<vmem>>
        %dma_wait3A_566 = tpu.memref_slice %arg4[%dma_wait3A_562, %mul3A_55] : memref<16x160000xf32, #tpu.memory_space<hbm>> -> memref<1x1024xf32, #tpu.memory_space<hbm>>
        %dma_wait3A_567 = tpu.memref_squeeze %dma_wait3A_566 : memref<1x1024xf32, #tpu.memory_space<hbm>> -> memref<1024xf32, #tpu.memory_space<hbm>>
        %dma_wait3A_568 = tpu.memref_slice %arg4[%dma_wait3A_562, %mul3A_55] : memref<16x160000xf32, #tpu.memory_space<hbm>> -> memref<1x1024xf32, #tpu.memory_space<hbm>>
        %dma_wait3A_569 = tpu.memref_squeeze %dma_wait3A_568 : memref<1x1024xf32, #tpu.memory_space<hbm>> -> memref<1024xf32, #tpu.memory_space<hbm>>
        %dma_wait3A_570 = arith.constant 0 : i32
        %dma_wait3A_571 = tpu.memref_slice %arg7[%dma_wait3A_561, %dma_wait3A_570] : memref<16x1024xf32, #tpu.memory_space<vmem>> -> memref<1x1024xf32, #tpu.memory_space<vmem>>
        %dma_wait3A_572 = tpu.memref_squeeze %dma_wait3A_571 : memref<1x1024xf32, #tpu.memory_space<vmem>> -> memref<1024xf32, #tpu.memory_space<vmem>>
        tpu.wait_dma2 semaphore(%arg9 : memref<!tpu.dma_semaphore, #tpu.memory_space<semaphore_mem>>) src(%dma_wait3A_572 : memref<1024xf32, #tpu.memory_space<vmem>>) dst(%dma_wait3A_569 : memref<1024xf32, #tpu.memory_space<hbm>>)
      } else {
      }
      %eq3A = arith.constant 156 : i32
      %eq3A_49 = arith.cmpi eq, %add3A_46, %eq3A : i32
      %convert_element_type3A_50 = arith.extui %eq3A_49 : i1 to i32
      %cond3A_51 = arith.constant 0 : i32
      %cond3A_52 = arith.cmpi ne, %convert_element_type3A_50, %cond3A_51 : i32
      scf.if %cond3A_52 {
        %mul3A_54 = arith.constant 1024 : i32
        %mul3A_55 = arith.muli %add3A_46, %mul3A_54 : i32
        "tpu.region"() ({
          %run_scoped3A = tpu.sem_alloc : memref<!tpu.dma_semaphore, #tpu.memory_space<semaphore_mem>>
          %dma_start3A_477 = arith.constant 0 : i32
          %dma_start3A_478 = tpu.memref_slice %arg5[%dma_start3A_477] : memref<1024xi32, #tpu.memory_space<vmem>> -> memref<256xi32, #tpu.memory_space<vmem>>
          %dma_start3A_479 = tpu.memref_slice %arg3[%mul3A_55] : memref<160000xi32, #tpu.memory_space<hbm>> -> memref<256xi32, #tpu.memory_space<hbm>>
          %dma_start3A_480 = arith.constant 0 : i32
          %dma_start3A_481 = tpu.memref_slice %arg5[%dma_start3A_480] : memref<1024xi32, #tpu.memory_space<vmem>> -> memref<256xi32, #tpu.memory_space<vmem>>
          %dma_start3A_482 = tpu.memref_slice %arg3[%mul3A_55] : memref<160000xi32, #tpu.memory_space<hbm>> -> memref<256xi32, #tpu.memory_space<hbm>>
          tpu.enqueue_dma source(%dma_start3A_482 : memref<256xi32, #tpu.memory_space<hbm>>) target(%dma_start3A_481 : memref<256xi32, #tpu.memory_space<vmem>>) target_semaphore(%run_scoped3A : memref<!tpu.dma_semaphore, #tpu.memory_space<semaphore_mem>>)
          %dma_wait3A_483 = arith.constant 0 : i32
          %dma_wait3A_484 = tpu.memref_slice %arg5[%dma_wait3A_483] : memref<1024xi32, #tpu.memory_space<vmem>> -> memref<256xi32, #tpu.memory_space<vmem>>
          %dma_wait3A_485 = tpu.memref_slice %arg3[%mul3A_55] : memref<160000xi32, #tpu.memory_space<hbm>> -> memref<256xi32, #tpu.memory_space<hbm>>
          %dma_wait3A_486 = arith.constant 0 : i32
          %dma_wait3A_487 = tpu.memref_slice %arg5[%dma_wait3A_486] : memref<1024xi32, #tpu.memory_space<vmem>> -> memref<256xi32, #tpu.memory_space<vmem>>
          %dma_wait3A_488 = tpu.memref_slice %arg3[%mul3A_55] : memref<160000xi32, #tpu.memory_space<hbm>> -> memref<256xi32, #tpu.memory_space<hbm>>
          tpu.wait_dma2 semaphore(%run_scoped3A : memref<!tpu.dma_semaphore, #tpu.memory_space<semaphore_mem>>) src(%dma_wait3A_488 : memref<256xi32, #tpu.memory_space<hbm>>) dst(%dma_wait3A_487 : memref<256xi32, #tpu.memory_space<vmem>>)
          tpu.yield
        }) : () -> ()
        %dma_start3A = arith.constant 0 : i32
        %dma_start3A_56 = arith.constant 0 : i32
        %dma_start3A_57 = tpu.memref_slice %arg6[%dma_start3A, %dma_start3A_56] : memref<1024x16xf32, #tpu.memory_space<vmem>> -> memref<128x16xf32, #tpu.memory_space<vmem>>
        %dma_start3A_58 = arith.constant 0 : i32
        %dma_start3A_59 = tpu.memref_slice %arg5[%dma_start3A_58] : memref<1024xi32, #tpu.memory_space<vmem>> -> memref<128xi32, #tpu.memory_space<vmem>>
        %dma_start3A_60 = arith.constant 0 : i32
        %dma_start3A_61 = arith.constant 0 : i32
        %dma_start3A_62 = tpu.memref_slice %arg8[%dma_start3A_60, %dma_start3A_61] : memref<10000x16xf32, #tpu.memory_space<vmem_shared>> -> memref<10000x16xf32, #tpu.memory_space<vmem_shared>>
        tpu.enqueue_indirect_dma source(%dma_start3A_62 : memref<10000x16xf32, #tpu.memory_space<vmem_shared>>) target(%dma_start3A_57 : memref<128x16xf32, #tpu.memory_space<vmem>>) offsets(%dma_start3A_59 : memref<128xi32, #tpu.memory_space<vmem>>) semaphore(%arg9 : memref<!tpu.dma_semaphore, #tpu.memory_space<semaphore_mem>>)
        %dma_start3A_63 = arith.constant 128 : i32
        %dma_start3A_64 = arith.constant 0 : i32
        %dma_start3A_65 = tpu.memref_slice %arg6[%dma_start3A_63, %dma_start3A_64] : memref<1024x16xf32, #tpu.memory_space<vmem>> -> memref<128x16xf32, #tpu.memory_space<vmem>>
        %dma_start3A_66 = arith.constant 128 : i32
        %dma_start3A_67 = tpu.memref_slice %arg5[%dma_start3A_66] : memref<1024xi32, #tpu.memory_space<vmem>> -> memref<128xi32, #tpu.memory_space<vmem>>
        %dma_start3A_68 = arith.constant 0 : i32
        %dma_start3A_69 = arith.constant 0 : i32
        %dma_start3A_70 = tpu.memref_slice %arg8[%dma_start3A_68, %dma_start3A_69] : memref<10000x16xf32, #tpu.memory_space<vmem_shared>> -> memref<10000x16xf32, #tpu.memory_space<vmem_shared>>
        tpu.enqueue_indirect_dma source(%dma_start3A_70 : memref<10000x16xf32, #tpu.memory_space<vmem_shared>>) target(%dma_start3A_65 : memref<128x16xf32, #tpu.memory_space<vmem>>) offsets(%dma_start3A_67 : memref<128xi32, #tpu.memory_space<vmem>>) semaphore(%arg9 : memref<!tpu.dma_semaphore, #tpu.memory_space<semaphore_mem>>)
        %dma_wait3A = arith.constant 0 : i32
        %dma_wait3A_71 = arith.constant 0 : i32
        %dma_wait3A_72 = tpu.memref_slice %arg6[%dma_wait3A, %dma_wait3A_71] : memref<1024x16xf32, #tpu.memory_space<vmem>> -> memref<128x16xf32, #tpu.memory_space<vmem>>
        %dma_wait3A_73 = arith.constant 0 : i32
        %dma_wait3A_74 = tpu.memref_slice %arg5[%dma_wait3A_73] : memref<1024xi32, #tpu.memory_space<vmem>> -> memref<128xi32, #tpu.memory_space<vmem>>
        %dma_wait3A_75 = arith.constant 0 : i32
        %dma_wait3A_76 = arith.constant 0 : i32
        %dma_wait3A_77 = tpu.memref_slice %arg8[%dma_wait3A_75, %dma_wait3A_76] : memref<10000x16xf32, #tpu.memory_space<vmem_shared>> -> memref<10000x16xf32, #tpu.memory_space<vmem_shared>>
        tpu.wait_indirect_dma semaphore(%arg9 : memref<!tpu.dma_semaphore, #tpu.memory_space<semaphore_mem>>) src(%dma_wait3A_77 : memref<10000x16xf32, #tpu.memory_space<vmem_shared>>) dst(%dma_wait3A_72 : memref<128x16xf32, #tpu.memory_space<vmem>>)
        %dma_wait3A_78 = arith.constant 128 : i32
        %dma_wait3A_79 = arith.constant 0 : i32
        %dma_wait3A_80 = tpu.memref_slice %arg6[%dma_wait3A_78, %dma_wait3A_79] : memref<1024x16xf32, #tpu.memory_space<vmem>> -> memref<128x16xf32, #tpu.memory_space<vmem>>
        %dma_wait3A_81 = arith.constant 128 : i32
        %dma_wait3A_82 = tpu.memref_slice %arg5[%dma_wait3A_81] : memref<1024xi32, #tpu.memory_space<vmem>> -> memref<128xi32, #tpu.memory_space<vmem>>
        %dma_wait3A_83 = arith.constant 0 : i32
        %dma_wait3A_84 = arith.constant 0 : i32
        %dma_wait3A_85 = tpu.memref_slice %arg8[%dma_wait3A_83, %dma_wait3A_84] : memref<10000x16xf32, #tpu.memory_space<vmem_shared>> -> memref<10000x16xf32, #tpu.memory_space<vmem_shared>>
        tpu.wait_indirect_dma semaphore(%arg9 : memref<!tpu.dma_semaphore, #tpu.memory_space<semaphore_mem>>) src(%dma_wait3A_85 : memref<10000x16xf32, #tpu.memory_space<vmem_shared>>) dst(%dma_wait3A_80 : memref<128x16xf32, #tpu.memory_space<vmem>>)
        %scan3A_86 = arith.constant 0 : i32
        %scan3A_87 = arith.constant 0 : i32
        %scan3A_88 = arith.constant 16 : i32
        %scan3A_89 = arith.addi %scan3A_87, %scan3A_88 : i32
        %scan3A_90 = arith.constant 1 : i32
        %scan3A_91 = scf.for %scan3A_477 = %scan3A_87 to %scan3A_89 step %scan3A_90 iter_args(%scan3A_478 = %scan3A_86) -> (i32)  : i32 {
          %mul3A_479 = arith.constant 16 : i32
          %mul3A_480 = arith.muli %scan3A_477, %mul3A_479 : i32
          %add3A_481 = vector.broadcast %mul3A_480 : i32 to vector<16xi32>
          %add3A_482 = arith.addi %iota3A, %add3A_481 : vector<16xi32>
          %gather3A = tpu.vector_load_idx %arg6[%add3A_482, %broadcast_in_dim3A_0] : memref<1024x16xf32, #tpu.memory_space<vmem>>[vector<16xi32>, vector<16xi32>], vector<16xf32>,
          %mul3A_483 = arith.constant 16 : i32
          %mul3A_484 = arith.muli %scan3A_477, %mul3A_483 : i32
          %swap3A = arith.constant 0 : i32
          %swap3A_485 = arith.index_cast %swap3A : i32 to index
          %swap3A_486 = arith.index_cast %mul3A_484 : i32 to index
          %swap3A_487 = tpu.vector_load %arg7[%swap3A_485, %swap3A_486] {strides = array<i32>} : memref<16x1024xf32, #tpu.memory_space<vmem>>, vector<16xf32>,
          tpu.vector_store %arg7[%swap3A_485, %swap3A_486], %gather3A {strides = array<i32>} : memref<16x1024xf32, #tpu.memory_space<vmem>>, vector<16xf32>,
          %gather3A_488 = tpu.vector_load_idx %arg6[%add3A_482, %broadcast_in_dim3A_2] : memref<1024x16xf32, #tpu.memory_space<vmem>>[vector<16xi32>, vector<16xi32>], vector<16xf32>,
          %mul3A_489 = arith.constant 16 : i32
          %mul3A_490 = arith.muli %scan3A_477, %mul3A_489 : i32
          %swap3A_491 = arith.constant 1 : i32
          %swap3A_492 = arith.index_cast %swap3A_491 : i32 to index
          %swap3A_493 = arith.index_cast %mul3A_490 : i32 to index
          %swap3A_494 = tpu.vector_load %arg7[%swap3A_492, %swap3A_493] {strides = array<i32>} : memref<16x1024xf32, #tpu.memory_space<vmem>>, vector<16xf32>,
          tpu.vector_store %arg7[%swap3A_492, %swap3A_493], %gather3A_488 {strides = array<i32>} : memref<16x1024xf32, #tpu.memory_space<vmem>>, vector<16xf32>,
          %gather3A_495 = tpu.vector_load_idx %arg6[%add3A_482, %broadcast_in_dim3A_4] : memref<1024x16xf32, #tpu.memory_space<vmem>>[vector<16xi32>, vector<16xi32>], vector<16xf32>,
          %mul3A_496 = arith.constant 16 : i32
          %mul3A_497 = arith.muli %scan3A_477, %mul3A_496 : i32
          %swap3A_498 = arith.constant 2 : i32
          %swap3A_499 = arith.index_cast %swap3A_498 : i32 to index
          %swap3A_500 = arith.index_cast %mul3A_497 : i32 to index
          %swap3A_501 = tpu.vector_load %arg7[%swap3A_499, %swap3A_500] {strides = array<i32>} : memref<16x1024xf32, #tpu.memory_space<vmem>>, vector<16xf32>,
          tpu.vector_store %arg7[%swap3A_499, %swap3A_500], %gather3A_495 {strides = array<i32>} : memref<16x1024xf32, #tpu.memory_space<vmem>>, vector<16xf32>,
          %gather3A_502 = tpu.vector_load_idx %arg6[%add3A_482, %broadcast_in_dim3A_6] : memref<1024x16xf32, #tpu.memory_space<vmem>>[vector<16xi32>, vector<16xi32>], vector<16xf32>,
          %mul3A_503 = arith.constant 16 : i32
          %mul3A_504 = arith.muli %scan3A_477, %mul3A_503 : i32
          %swap3A_505 = arith.constant 3 : i32
          %swap3A_506 = arith.index_cast %swap3A_505 : i32 to index
          %swap3A_507 = arith.index_cast %mul3A_504 : i32 to index
          %swap3A_508 = tpu.vector_load %arg7[%swap3A_506, %swap3A_507] {strides = array<i32>} : memref<16x1024xf32, #tpu.memory_space<vmem>>, vector<16xf32>,
          tpu.vector_store %arg7[%swap3A_506, %swap3A_507], %gather3A_502 {strides = array<i32>} : memref<16x1024xf32, #tpu.memory_space<vmem>>, vector<16xf32>,
          %gather3A_509 = tpu.vector_load_idx %arg6[%add3A_482, %broadcast_in_dim3A_8] : memref<1024x16xf32, #tpu.memory_space<vmem>>[vector<16xi32>, vector<16xi32>], vector<16xf32>,
          %mul3A_510 = arith.constant 16 : i32
          %mul3A_511 = arith.muli %scan3A_477, %mul3A_510 : i32
          %swap3A_512 = arith.constant 4 : i32
          %swap3A_513 = arith.index_cast %swap3A_512 : i32 to index
          %swap3A_514 = arith.index_cast %mul3A_511 : i32 to index
          %swap3A_515 = tpu.vector_load %arg7[%swap3A_513, %swap3A_514] {strides = array<i32>} : memref<16x1024xf32, #tpu.memory_space<vmem>>, vector<16xf32>,
          tpu.vector_store %arg7[%swap3A_513, %swap3A_514], %gather3A_509 {strides = array<i32>} : memref<16x1024xf32, #tpu.memory_space<vmem>>, vector<16xf32>,
          %gather3A_516 = tpu.vector_load_idx %arg6[%add3A_482, %broadcast_in_dim3A_10] : memref<1024x16xf32, #tpu.memory_space<vmem>>[vector<16xi32>, vector<16xi32>], vector<16xf32>,
          %mul3A_517 = arith.constant 16 : i32
          %mul3A_518 = arith.muli %scan3A_477, %mul3A_517 : i32
          %swap3A_519 = arith.constant 5 : i32
          %swap3A_520 = arith.index_cast %swap3A_519 : i32 to index
          %swap3A_521 = arith.index_cast %mul3A_518 : i32 to index
          %swap3A_522 = tpu.vector_load %arg7[%swap3A_520, %swap3A_521] {strides = array<i32>} : memref<16x1024xf32, #tpu.memory_space<vmem>>, vector<16xf32>,
          tpu.vector_store %arg7[%swap3A_520, %swap3A_521], %gather3A_516 {strides = array<i32>} : memref<16x1024xf32, #tpu.memory_space<vmem>>, vector<16xf32>,
          %gather3A_523 = tpu.vector_load_idx %arg6[%add3A_482, %broadcast_in_dim3A_12] : memref<1024x16xf32, #tpu.memory_space<vmem>>[vector<16xi32>, vector<16xi32>], vector<16xf32>,
          %mul3A_524 = arith.constant 16 : i32
          %mul3A_525 = arith.muli %scan3A_477, %mul3A_524 : i32
          %swap3A_526 = arith.constant 6 : i32
          %swap3A_527 = arith.index_cast %swap3A_526 : i32 to index
          %swap3A_528 = arith.index_cast %mul3A_525 : i32 to index
          %swap3A_529 = tpu.vector_load %arg7[%swap3A_527, %swap3A_528] {strides = array<i32>} : memref<16x1024xf32, #tpu.memory_space<vmem>>, vector<16xf32>,
          tpu.vector_store %arg7[%swap3A_527, %swap3A_528], %gather3A_523 {strides = array<i32>} : memref<16x1024xf32, #tpu.memory_space<vmem>>, vector<16xf32>,
          %gather3A_530 = tpu.vector_load_idx %arg6[%add3A_482, %broadcast_in_dim3A_14] : memref<1024x16xf32, #tpu.memory_space<vmem>>[vector<16xi32>, vector<16xi32>], vector<16xf32>,
          %mul3A_531 = arith.constant 16 : i32
          %mul3A_532 = arith.muli %scan3A_477, %mul3A_531 : i32
          %swap3A_533 = arith.constant 7 : i32
          %swap3A_534 = arith.index_cast %swap3A_533 : i32 to index
          %swap3A_535 = arith.index_cast %mul3A_532 : i32 to index
          %swap3A_536 = tpu.vector_load %arg7[%swap3A_534, %swap3A_535] {strides = array<i32>} : memref<16x1024xf32, #tpu.memory_space<vmem>>, vector<16xf32>,
          tpu.vector_store %arg7[%swap3A_534, %swap3A_535], %gather3A_530 {strides = array<i32>} : memref<16x1024xf32, #tpu.memory_space<vmem>>, vector<16xf32>,
          %gather3A_537 = tpu.vector_load_idx %arg6[%add3A_482, %broadcast_in_dim3A_16] : memref<1024x16xf32, #tpu.memory_space<vmem>>[vector<16xi32>, vector<16xi32>], vector<16xf32>,
          %mul3A_538 = arith.constant 16 : i32
          %mul3A_539 = arith.muli %scan3A_477, %mul3A_538 : i32
          %swap3A_540 = arith.constant 8 : i32
          %swap3A_541 = arith.index_cast %swap3A_540 : i32 to index
          %swap3A_542 = arith.index_cast %mul3A_539 : i32 to index
          %swap3A_543 = tpu.vector_load %arg7[%swap3A_541, %swap3A_542] {strides = array<i32>} : memref<16x1024xf32, #tpu.memory_space<vmem>>, vector<16xf32>,
          tpu.vector_store %arg7[%swap3A_541, %swap3A_542], %gather3A_537 {strides = array<i32>} : memref<16x1024xf32, #tpu.memory_space<vmem>>, vector<16xf32>,
          %gather3A_544 = tpu.vector_load_idx %arg6[%add3A_482, %broadcast_in_dim3A_18] : memref<1024x16xf32, #tpu.memory_space<vmem>>[vector<16xi32>, vector<16xi32>], vector<16xf32>,
          %mul3A_545 = arith.constant 16 : i32
          %mul3A_546 = arith.muli %scan3A_477, %mul3A_545 : i32
          %swap3A_547 = arith.constant 9 : i32
          %swap3A_548 = arith.index_cast %swap3A_547 : i32 to index
          %swap3A_549 = arith.index_cast %mul3A_546 : i32 to index
          %swap3A_550 = tpu.vector_load %arg7[%swap3A_548, %swap3A_549] {strides = array<i32>} : memref<16x1024xf32, #tpu.memory_space<vmem>>, vector<16xf32>,
          tpu.vector_store %arg7[%swap3A_548, %swap3A_549], %gather3A_544 {strides = array<i32>} : memref<16x1024xf32, #tpu.memory_space<vmem>>, vector<16xf32>,
          %gather3A_551 = tpu.vector_load_idx %arg6[%add3A_482, %broadcast_in_dim3A_20] : memref<1024x16xf32, #tpu.memory_space<vmem>>[vector<16xi32>, vector<16xi32>], vector<16xf32>,
          %mul3A_552 = arith.constant 16 : i32
          %mul3A_553 = arith.muli %scan3A_477, %mul3A_552 : i32
          %swap3A_554 = arith.constant 10 : i32
          %swap3A_555 = arith.index_cast %swap3A_554 : i32 to index
          %swap3A_556 = arith.index_cast %mul3A_553 : i32 to index
          %swap3A_557 = tpu.vector_load %arg7[%swap3A_555, %swap3A_556] {strides = array<i32>} : memref<16x1024xf32, #tpu.memory_space<vmem>>, vector<16xf32>,
          tpu.vector_store %arg7[%swap3A_555, %swap3A_556], %gather3A_551 {strides = array<i32>} : memref<16x1024xf32, #tpu.memory_space<vmem>>, vector<16xf32>,
          %gather3A_558 = tpu.vector_load_idx %arg6[%add3A_482, %broadcast_in_dim3A_22] : memref<1024x16xf32, #tpu.memory_space<vmem>>[vector<16xi32>, vector<16xi32>], vector<16xf32>,
          %mul3A_559 = arith.constant 16 : i32
          %mul3A_560 = arith.muli %scan3A_477, %mul3A_559 : i32
          %swap3A_561 = arith.constant 11 : i32
          %swap3A_562 = arith.index_cast %swap3A_561 : i32 to index
          %swap3A_563 = arith.index_cast %mul3A_560 : i32 to index
          %swap3A_564 = tpu.vector_load %arg7[%swap3A_562, %swap3A_563] {strides = array<i32>} : memref<16x1024xf32, #tpu.memory_space<vmem>>, vector<16xf32>,
          tpu.vector_store %arg7[%swap3A_562, %swap3A_563], %gather3A_558 {strides = array<i32>} : memref<16x1024xf32, #tpu.memory_space<vmem>>, vector<16xf32>,
          %gather3A_565 = tpu.vector_load_idx %arg6[%add3A_482, %broadcast_in_dim3A_24] : memref<1024x16xf32, #tpu.memory_space<vmem>>[vector<16xi32>, vector<16xi32>], vector<16xf32>,
          %mul3A_566 = arith.constant 16 : i32
          %mul3A_567 = arith.muli %scan3A_477, %mul3A_566 : i32
          %swap3A_568 = arith.constant 12 : i32
          %swap3A_569 = arith.index_cast %swap3A_568 : i32 to index
          %swap3A_570 = arith.index_cast %mul3A_567 : i32 to index
          %swap3A_571 = tpu.vector_load %arg7[%swap3A_569, %swap3A_570] {strides = array<i32>} : memref<16x1024xf32, #tpu.memory_space<vmem>>, vector<16xf32>,
          tpu.vector_store %arg7[%swap3A_569, %swap3A_570], %gather3A_565 {strides = array<i32>} : memref<16x1024xf32, #tpu.memory_space<vmem>>, vector<16xf32>,
          %gather3A_572 = tpu.vector_load_idx %arg6[%add3A_482, %broadcast_in_dim3A_26] : memref<1024x16xf32, #tpu.memory_space<vmem>>[vector<16xi32>, vector<16xi32>], vector<16xf32>,
          %mul3A_573 = arith.constant 16 : i32
          %mul3A_574 = arith.muli %scan3A_477, %mul3A_573 : i32
          %swap3A_575 = arith.constant 13 : i32
          %swap3A_576 = arith.index_cast %swap3A_575 : i32 to index
          %swap3A_577 = arith.index_cast %mul3A_574 : i32 to index
          %swap3A_578 = tpu.vector_load %arg7[%swap3A_576, %swap3A_577] {strides = array<i32>} : memref<16x1024xf32, #tpu.memory_space<vmem>>, vector<16xf32>,
          tpu.vector_store %arg7[%swap3A_576, %swap3A_577], %gather3A_572 {strides = array<i32>} : memref<16x1024xf32, #tpu.memory_space<vmem>>, vector<16xf32>,
          %gather3A_579 = tpu.vector_load_idx %arg6[%add3A_482, %broadcast_in_dim3A_28] : memref<1024x16xf32, #tpu.memory_space<vmem>>[vector<16xi32>, vector<16xi32>], vector<16xf32>,
          %mul3A_580 = arith.constant 16 : i32
          %mul3A_581 = arith.muli %scan3A_477, %mul3A_580 : i32
          %swap3A_582 = arith.constant 14 : i32
          %swap3A_583 = arith.index_cast %swap3A_582 : i32 to index
          %swap3A_584 = arith.index_cast %mul3A_581 : i32 to index
          %swap3A_585 = tpu.vector_load %arg7[%swap3A_583, %swap3A_584] {strides = array<i32>} : memref<16x1024xf32, #tpu.memory_space<vmem>>, vector<16xf32>,
          tpu.vector_store %arg7[%swap3A_583, %swap3A_584], %gather3A_579 {strides = array<i32>} : memref<16x1024xf32, #tpu.memory_space<vmem>>, vector<16xf32>,
          %gather3A_586 = tpu.vector_load_idx %arg6[%add3A_482, %broadcast_in_dim3A_30] : memref<1024x16xf32, #tpu.memory_space<vmem>>[vector<16xi32>, vector<16xi32>], vector<16xf32>,
          %mul3A_587 = arith.constant 16 : i32
          %mul3A_588 = arith.muli %scan3A_477, %mul3A_587 : i32
          %swap3A_589 = arith.constant 15 : i32
          %swap3A_590 = arith.index_cast %swap3A_589 : i32 to index
          %swap3A_591 = arith.index_cast %mul3A_588 : i32 to index
          %swap3A_592 = tpu.vector_load %arg7[%swap3A_590, %swap3A_591] {strides = array<i32>} : memref<16x1024xf32, #tpu.memory_space<vmem>>, vector<16xf32>,
          tpu.vector_store %arg7[%swap3A_590, %swap3A_591], %gather3A_586 {strides = array<i32>} : memref<16x1024xf32, #tpu.memory_space<vmem>>, vector<16xf32>,
          %scan3A_593 = arith.constant 0 : i32
          scf.yield %scan3A_593 : i32
        }
        %scan3A_92 = arith.constant 16 : i32
        %dma_start3A_93 = arith.constant 0 : i32
        %dma_start3A_94 = arith.constant 0 : i32
        %dma_start3A_95 = arith.constant 0 : i32
        %dma_start3A_96 = tpu.memref_slice %arg7[%dma_start3A_93, %dma_start3A_95] : memref<16x1024xf32, #tpu.memory_space<vmem>> -> memref<1x256xf32, #tpu.memory_space<vmem>>
        %dma_start3A_97 = tpu.memref_squeeze %dma_start3A_96 : memref<1x256xf32, #tpu.memory_space<vmem>> -> memref<256xf32, #tpu.memory_space<vmem>>
        %dma_start3A_98 = tpu.memref_slice %arg4[%dma_start3A_94, %mul3A_55] : memref<16x160000xf32, #tpu.memory_space<hbm>> -> memref<1x256xf32, #tpu.memory_space<hbm>>
        %dma_start3A_99 = tpu.memref_squeeze %dma_start3A_98 : memref<1x256xf32, #tpu.memory_space<hbm>> -> memref<256xf32, #tpu.memory_space<hbm>>
        %dma_start3A_100 = tpu.memref_slice %arg4[%dma_start3A_94, %mul3A_55] : memref<16x160000xf32, #tpu.memory_space<hbm>> -> memref<1x256xf32, #tpu.memory_space<hbm>>
        %dma_start3A_101 = tpu.memref_squeeze %dma_start3A_100 : memref<1x256xf32, #tpu.memory_space<hbm>> -> memref<256xf32, #tpu.memory_space<hbm>>
        %dma_start3A_102 = arith.constant 0 : i32
        %dma_start3A_103 = tpu.memref_slice %arg7[%dma_start3A_93, %dma_start3A_102] : memref<16x1024xf32, #tpu.memory_space<vmem>> -> memref<1x256xf32, #tpu.memory_space<vmem>>
        %dma_start3A_104 = tpu.memref_squeeze %dma_start3A_103 : memref<1x256xf32, #tpu.memory_space<vmem>> -> memref<256xf32, #tpu.memory_space<vmem>>
        tpu.enqueue_dma source(%dma_start3A_104 : memref<256xf32, #tpu.memory_space<vmem>>) target(%dma_start3A_101 : memref<256xf32, #tpu.memory_space<hbm>>) target_semaphore(%arg9 : memref<!tpu.dma_semaphore, #tpu.memory_space<semaphore_mem>>)
        %dma_start3A_105 = arith.constant 1 : i32
        %dma_start3A_106 = arith.constant 1 : i32
        %dma_start3A_107 = arith.constant 0 : i32
        %dma_start3A_108 = tpu.memref_slice %arg7[%dma_start3A_105, %dma_start3A_107] : memref<16x1024xf32, #tpu.memory_space<vmem>> -> memref<1x256xf32, #tpu.memory_space<vmem>>
        %dma_start3A_109 = tpu.memref_squeeze %dma_start3A_108 : memref<1x256xf32, #tpu.memory_space<vmem>> -> memref<256xf32, #tpu.memory_space<vmem>>
        %dma_start3A_110 = tpu.memref_slice %arg4[%dma_start3A_106, %mul3A_55] : memref<16x160000xf32, #tpu.memory_space<hbm>> -> memref<1x256xf32, #tpu.memory_space<hbm>>
        %dma_start3A_111 = tpu.memref_squeeze %dma_start3A_110 : memref<1x256xf32, #tpu.memory_space<hbm>> -> memref<256xf32, #tpu.memory_space<hbm>>
        %dma_start3A_112 = tpu.memref_slice %arg4[%dma_start3A_106, %mul3A_55] : memref<16x160000xf32, #tpu.memory_space<hbm>> -> memref<1x256xf32, #tpu.memory_space<hbm>>
        %dma_start3A_113 = tpu.memref_squeeze %dma_start3A_112 : memref<1x256xf32, #tpu.memory_space<hbm>> -> memref<256xf32, #tpu.memory_space<hbm>>
        %dma_start3A_114 = arith.constant 0 : i32
        %dma_start3A_115 = tpu.memref_slice %arg7[%dma_start3A_105, %dma_start3A_114] : memref<16x1024xf32, #tpu.memory_space<vmem>> -> memref<1x256xf32, #tpu.memory_space<vmem>>
        %dma_start3A_116 = tpu.memref_squeeze %dma_start3A_115 : memref<1x256xf32, #tpu.memory_space<vmem>> -> memref<256xf32, #tpu.memory_space<vmem>>
        tpu.enqueue_dma source(%dma_start3A_116 : memref<256xf32, #tpu.memory_space<vmem>>) target(%dma_start3A_113 : memref<256xf32, #tpu.memory_space<hbm>>) target_semaphore(%arg9 : memref<!tpu.dma_semaphore, #tpu.memory_space<semaphore_mem>>)
        %dma_start3A_117 = arith.constant 2 : i32
        %dma_start3A_118 = arith.constant 2 : i32
        %dma_start3A_119 = arith.constant 0 : i32
        %dma_start3A_120 = tpu.memref_slice %arg7[%dma_start3A_117, %dma_start3A_119] : memref<16x1024xf32, #tpu.memory_space<vmem>> -> memref<1x256xf32, #tpu.memory_space<vmem>>
        %dma_start3A_121 = tpu.memref_squeeze %dma_start3A_120 : memref<1x256xf32, #tpu.memory_space<vmem>> -> memref<256xf32, #tpu.memory_space<vmem>>
        %dma_start3A_122 = tpu.memref_slice %arg4[%dma_start3A_118, %mul3A_55] : memref<16x160000xf32, #tpu.memory_space<hbm>> -> memref<1x256xf32, #tpu.memory_space<hbm>>
        %dma_start3A_123 = tpu.memref_squeeze %dma_start3A_122 : memref<1x256xf32, #tpu.memory_space<hbm>> -> memref<256xf32, #tpu.memory_space<hbm>>
        %dma_start3A_124 = tpu.memref_slice %arg4[%dma_start3A_118, %mul3A_55] : memref<16x160000xf32, #tpu.memory_space<hbm>> -> memref<1x256xf32, #tpu.memory_space<hbm>>
        %dma_start3A_125 = tpu.memref_squeeze %dma_start3A_124 : memref<1x256xf32, #tpu.memory_space<hbm>> -> memref<256xf32, #tpu.memory_space<hbm>>
        %dma_start3A_126 = arith.constant 0 : i32
        %dma_start3A_127 = tpu.memref_slice %arg7[%dma_start3A_117, %dma_start3A_126] : memref<16x1024xf32, #tpu.memory_space<vmem>> -> memref<1x256xf32, #tpu.memory_space<vmem>>
        %dma_start3A_128 = tpu.memref_squeeze %dma_start3A_127 : memref<1x256xf32, #tpu.memory_space<vmem>> -> memref<256xf32, #tpu.memory_space<vmem>>
        tpu.enqueue_dma source(%dma_start3A_128 : memref<256xf32, #tpu.memory_space<vmem>>) target(%dma_start3A_125 : memref<256xf32, #tpu.memory_space<hbm>>) target_semaphore(%arg9 : memref<!tpu.dma_semaphore, #tpu.memory_space<semaphore_mem>>)
        %dma_start3A_129 = arith.constant 3 : i32
        %dma_start3A_130 = arith.constant 3 : i32
        %dma_start3A_131 = arith.constant 0 : i32
        %dma_start3A_132 = tpu.memref_slice %arg7[%dma_start3A_129, %dma_start3A_131] : memref<16x1024xf32, #tpu.memory_space<vmem>> -> memref<1x256xf32, #tpu.memory_space<vmem>>
        %dma_start3A_133 = tpu.memref_squeeze %dma_start3A_132 : memref<1x256xf32, #tpu.memory_space<vmem>> -> memref<256xf32, #tpu.memory_space<vmem>>
        %dma_start3A_134 = tpu.memref_slice %arg4[%dma_start3A_130, %mul3A_55] : memref<16x160000xf32, #tpu.memory_space<hbm>> -> memref<1x256xf32, #tpu.memory_space<hbm>>
        %dma_start3A_135 = tpu.memref_squeeze %dma_start3A_134 : memref<1x256xf32, #tpu.memory_space<hbm>> -> memref<256xf32, #tpu.memory_space<hbm>>
        %dma_start3A_136 = tpu.memref_slice %arg4[%dma_start3A_130, %mul3A_55] : memref<16x160000xf32, #tpu.memory_space<hbm>> -> memref<1x256xf32, #tpu.memory_space<hbm>>
        %dma_start3A_137 = tpu.memref_squeeze %dma_start3A_136 : memref<1x256xf32, #tpu.memory_space<hbm>> -> memref<256xf32, #tpu.memory_space<hbm>>
        %dma_start3A_138 = arith.constant 0 : i32
        %dma_start3A_139 = tpu.memref_slice %arg7[%dma_start3A_129, %dma_start3A_138] : memref<16x1024xf32, #tpu.memory_space<vmem>> -> memref<1x256xf32, #tpu.memory_space<vmem>>
        %dma_start3A_140 = tpu.memref_squeeze %dma_start3A_139 : memref<1x256xf32, #tpu.memory_space<vmem>> -> memref<256xf32, #tpu.memory_space<vmem>>
        tpu.enqueue_dma source(%dma_start3A_140 : memref<256xf32, #tpu.memory_space<vmem>>) target(%dma_start3A_137 : memref<256xf32, #tpu.memory_space<hbm>>) target_semaphore(%arg9 : memref<!tpu.dma_semaphore, #tpu.memory_space<semaphore_mem>>)
        %dma_start3A_141 = arith.constant 4 : i32
        %dma_start3A_142 = arith.constant 4 : i32
        %dma_start3A_143 = arith.constant 0 : i32
        %dma_start3A_144 = tpu.memref_slice %arg7[%dma_start3A_141, %dma_start3A_143] : memref<16x1024xf32, #tpu.memory_space<vmem>> -> memref<1x256xf32, #tpu.memory_space<vmem>>
        %dma_start3A_145 = tpu.memref_squeeze %dma_start3A_144 : memref<1x256xf32, #tpu.memory_space<vmem>> -> memref<256xf32, #tpu.memory_space<vmem>>
        %dma_start3A_146 = tpu.memref_slice %arg4[%dma_start3A_142, %mul3A_55] : memref<16x160000xf32, #tpu.memory_space<hbm>> -> memref<1x256xf32, #tpu.memory_space<hbm>>
        %dma_start3A_147 = tpu.memref_squeeze %dma_start3A_146 : memref<1x256xf32, #tpu.memory_space<hbm>> -> memref<256xf32, #tpu.memory_space<hbm>>
        %dma_start3A_148 = tpu.memref_slice %arg4[%dma_start3A_142, %mul3A_55] : memref<16x160000xf32, #tpu.memory_space<hbm>> -> memref<1x256xf32, #tpu.memory_space<hbm>>
        %dma_start3A_149 = tpu.memref_squeeze %dma_start3A_148 : memref<1x256xf32, #tpu.memory_space<hbm>> -> memref<256xf32, #tpu.memory_space<hbm>>
        %dma_start3A_150 = arith.constant 0 : i32
        %dma_start3A_151 = tpu.memref_slice %arg7[%dma_start3A_141, %dma_start3A_150] : memref<16x1024xf32, #tpu.memory_space<vmem>> -> memref<1x256xf32, #tpu.memory_space<vmem>>
        %dma_start3A_152 = tpu.memref_squeeze %dma_start3A_151 : memref<1x256xf32, #tpu.memory_space<vmem>> -> memref<256xf32, #tpu.memory_space<vmem>>
        tpu.enqueue_dma source(%dma_start3A_152 : memref<256xf32, #tpu.memory_space<vmem>>) target(%dma_start3A_149 : memref<256xf32, #tpu.memory_space<hbm>>) target_semaphore(%arg9 : memref<!tpu.dma_semaphore, #tpu.memory_space<semaphore_mem>>)
        %dma_start3A_153 = arith.constant 5 : i32
        %dma_start3A_154 = arith.constant 5 : i32
        %dma_start3A_155 = arith.constant 0 : i32
        %dma_start3A_156 = tpu.memref_slice %arg7[%dma_start3A_153, %dma_start3A_155] : memref<16x1024xf32, #tpu.memory_space<vmem>> -> memref<1x256xf32, #tpu.memory_space<vmem>>
        %dma_start3A_157 = tpu.memref_squeeze %dma_start3A_156 : memref<1x256xf32, #tpu.memory_space<vmem>> -> memref<256xf32, #tpu.memory_space<vmem>>
        %dma_start3A_158 = tpu.memref_slice %arg4[%dma_start3A_154, %mul3A_55] : memref<16x160000xf32, #tpu.memory_space<hbm>> -> memref<1x256xf32, #tpu.memory_space<hbm>>
        %dma_start3A_159 = tpu.memref_squeeze %dma_start3A_158 : memref<1x256xf32, #tpu.memory_space<hbm>> -> memref<256xf32, #tpu.memory_space<hbm>>
        %dma_start3A_160 = tpu.memref_slice %arg4[%dma_start3A_154, %mul3A_55] : memref<16x160000xf32, #tpu.memory_space<hbm>> -> memref<1x256xf32, #tpu.memory_space<hbm>>
        %dma_start3A_161 = tpu.memref_squeeze %dma_start3A_160 : memref<1x256xf32, #tpu.memory_space<hbm>> -> memref<256xf32, #tpu.memory_space<hbm>>
        %dma_start3A_162 = arith.constant 0 : i32
        %dma_start3A_163 = tpu.memref_slice %arg7[%dma_start3A_153, %dma_start3A_162] : memref<16x1024xf32, #tpu.memory_space<vmem>> -> memref<1x256xf32, #tpu.memory_space<vmem>>
        %dma_start3A_164 = tpu.memref_squeeze %dma_start3A_163 : memref<1x256xf32, #tpu.memory_space<vmem>> -> memref<256xf32, #tpu.memory_space<vmem>>
        tpu.enqueue_dma source(%dma_start3A_164 : memref<256xf32, #tpu.memory_space<vmem>>) target(%dma_start3A_161 : memref<256xf32, #tpu.memory_space<hbm>>) target_semaphore(%arg9 : memref<!tpu.dma_semaphore, #tpu.memory_space<semaphore_mem>>)
        %dma_start3A_165 = arith.constant 6 : i32
        %dma_start3A_166 = arith.constant 6 : i32
        %dma_start3A_167 = arith.constant 0 : i32
        %dma_start3A_168 = tpu.memref_slice %arg7[%dma_start3A_165, %dma_start3A_167] : memref<16x1024xf32, #tpu.memory_space<vmem>> -> memref<1x256xf32, #tpu.memory_space<vmem>>
        %dma_start3A_169 = tpu.memref_squeeze %dma_start3A_168 : memref<1x256xf32, #tpu.memory_space<vmem>> -> memref<256xf32, #tpu.memory_space<vmem>>
        %dma_start3A_170 = tpu.memref_slice %arg4[%dma_start3A_166, %mul3A_55] : memref<16x160000xf32, #tpu.memory_space<hbm>> -> memref<1x256xf32, #tpu.memory_space<hbm>>
        %dma_start3A_171 = tpu.memref_squeeze %dma_start3A_170 : memref<1x256xf32, #tpu.memory_space<hbm>> -> memref<256xf32, #tpu.memory_space<hbm>>
        %dma_start3A_172 = tpu.memref_slice %arg4[%dma_start3A_166, %mul3A_55] : memref<16x160000xf32, #tpu.memory_space<hbm>> -> memref<1x256xf32, #tpu.memory_space<hbm>>
        %dma_start3A_173 = tpu.memref_squeeze %dma_start3A_172 : memref<1x256xf32, #tpu.memory_space<hbm>> -> memref<256xf32, #tpu.memory_space<hbm>>
        %dma_start3A_174 = arith.constant 0 : i32
        %dma_start3A_175 = tpu.memref_slice %arg7[%dma_start3A_165, %dma_start3A_174] : memref<16x1024xf32, #tpu.memory_space<vmem>> -> memref<1x256xf32, #tpu.memory_space<vmem>>
        %dma_start3A_176 = tpu.memref_squeeze %dma_start3A_175 : memref<1x256xf32, #tpu.memory_space<vmem>> -> memref<256xf32, #tpu.memory_space<vmem>>
        tpu.enqueue_dma source(%dma_start3A_176 : memref<256xf32, #tpu.memory_space<vmem>>) target(%dma_start3A_173 : memref<256xf32, #tpu.memory_space<hbm>>) target_semaphore(%arg9 : memref<!tpu.dma_semaphore, #tpu.memory_space<semaphore_mem>>)
        %dma_start3A_177 = arith.constant 7 : i32
        %dma_start3A_178 = arith.constant 7 : i32
        %dma_start3A_179 = arith.constant 0 : i32
        %dma_start3A_180 = tpu.memref_slice %arg7[%dma_start3A_177, %dma_start3A_179] : memref<16x1024xf32, #tpu.memory_space<vmem>> -> memref<1x256xf32, #tpu.memory_space<vmem>>
        %dma_start3A_181 = tpu.memref_squeeze %dma_start3A_180 : memref<1x256xf32, #tpu.memory_space<vmem>> -> memref<256xf32, #tpu.memory_space<vmem>>
        %dma_start3A_182 = tpu.memref_slice %arg4[%dma_start3A_178, %mul3A_55] : memref<16x160000xf32, #tpu.memory_space<hbm>> -> memref<1x256xf32, #tpu.memory_space<hbm>>
        %dma_start3A_183 = tpu.memref_squeeze %dma_start3A_182 : memref<1x256xf32, #tpu.memory_space<hbm>> -> memref<256xf32, #tpu.memory_space<hbm>>
        %dma_start3A_184 = tpu.memref_slice %arg4[%dma_start3A_178, %mul3A_55] : memref<16x160000xf32, #tpu.memory_space<hbm>> -> memref<1x256xf32, #tpu.memory_space<hbm>>
        %dma_start3A_185 = tpu.memref_squeeze %dma_start3A_184 : memref<1x256xf32, #tpu.memory_space<hbm>> -> memref<256xf32, #tpu.memory_space<hbm>>
        %dma_start3A_186 = arith.constant 0 : i32
        %dma_start3A_187 = tpu.memref_slice %arg7[%dma_start3A_177, %dma_start3A_186] : memref<16x1024xf32, #tpu.memory_space<vmem>> -> memref<1x256xf32, #tpu.memory_space<vmem>>
        %dma_start3A_188 = tpu.memref_squeeze %dma_start3A_187 : memref<1x256xf32, #tpu.memory_space<vmem>> -> memref<256xf32, #tpu.memory_space<vmem>>
        tpu.enqueue_dma source(%dma_start3A_188 : memref<256xf32, #tpu.memory_space<vmem>>) target(%dma_start3A_185 : memref<256xf32, #tpu.memory_space<hbm>>) target_semaphore(%arg9 : memref<!tpu.dma_semaphore, #tpu.memory_space<semaphore_mem>>)
        %dma_start3A_189 = arith.constant 8 : i32
        %dma_start3A_190 = arith.constant 8 : i32
        %dma_start3A_191 = arith.constant 0 : i32
        %dma_start3A_192 = tpu.memref_slice %arg7[%dma_start3A_189, %dma_start3A_191] : memref<16x1024xf32, #tpu.memory_space<vmem>> -> memref<1x256xf32, #tpu.memory_space<vmem>>
        %dma_start3A_193 = tpu.memref_squeeze %dma_start3A_192 : memref<1x256xf32, #tpu.memory_space<vmem>> -> memref<256xf32, #tpu.memory_space<vmem>>
        %dma_start3A_194 = tpu.memref_slice %arg4[%dma_start3A_190, %mul3A_55] : memref<16x160000xf32, #tpu.memory_space<hbm>> -> memref<1x256xf32, #tpu.memory_space<hbm>>
        %dma_start3A_195 = tpu.memref_squeeze %dma_start3A_194 : memref<1x256xf32, #tpu.memory_space<hbm>> -> memref<256xf32, #tpu.memory_space<hbm>>
        %dma_start3A_196 = tpu.memref_slice %arg4[%dma_start3A_190, %mul3A_55] : memref<16x160000xf32, #tpu.memory_space<hbm>> -> memref<1x256xf32, #tpu.memory_space<hbm>>
        %dma_start3A_197 = tpu.memref_squeeze %dma_start3A_196 : memref<1x256xf32, #tpu.memory_space<hbm>> -> memref<256xf32, #tpu.memory_space<hbm>>
        %dma_start3A_198 = arith.constant 0 : i32
        %dma_start3A_199 = tpu.memref_slice %arg7[%dma_start3A_189, %dma_start3A_198] : memref<16x1024xf32, #tpu.memory_space<vmem>> -> memref<1x256xf32, #tpu.memory_space<vmem>>
        %dma_start3A_200 = tpu.memref_squeeze %dma_start3A_199 : memref<1x256xf32, #tpu.memory_space<vmem>> -> memref<256xf32, #tpu.memory_space<vmem>>
        tpu.enqueue_dma source(%dma_start3A_200 : memref<256xf32, #tpu.memory_space<vmem>>) target(%dma_start3A_197 : memref<256xf32, #tpu.memory_space<hbm>>) target_semaphore(%arg9 : memref<!tpu.dma_semaphore, #tpu.memory_space<semaphore_mem>>)
        %dma_start3A_201 = arith.constant 9 : i32
        %dma_start3A_202 = arith.constant 9 : i32
        %dma_start3A_203 = arith.constant 0 : i32
        %dma_start3A_204 = tpu.memref_slice %arg7[%dma_start3A_201, %dma_start3A_203] : memref<16x1024xf32, #tpu.memory_space<vmem>> -> memref<1x256xf32, #tpu.memory_space<vmem>>
        %dma_start3A_205 = tpu.memref_squeeze %dma_start3A_204 : memref<1x256xf32, #tpu.memory_space<vmem>> -> memref<256xf32, #tpu.memory_space<vmem>>
        %dma_start3A_206 = tpu.memref_slice %arg4[%dma_start3A_202, %mul3A_55] : memref<16x160000xf32, #tpu.memory_space<hbm>> -> memref<1x256xf32, #tpu.memory_space<hbm>>
        %dma_start3A_207 = tpu.memref_squeeze %dma_start3A_206 : memref<1x256xf32, #tpu.memory_space<hbm>> -> memref<256xf32, #tpu.memory_space<hbm>>
        %dma_start3A_208 = tpu.memref_slice %arg4[%dma_start3A_202, %mul3A_55] : memref<16x160000xf32, #tpu.memory_space<hbm>> -> memref<1x256xf32, #tpu.memory_space<hbm>>
        %dma_start3A_209 = tpu.memref_squeeze %dma_start3A_208 : memref<1x256xf32, #tpu.memory_space<hbm>> -> memref<256xf32, #tpu.memory_space<hbm>>
        %dma_start3A_210 = arith.constant 0 : i32
        %dma_start3A_211 = tpu.memref_slice %arg7[%dma_start3A_201, %dma_start3A_210] : memref<16x1024xf32, #tpu.memory_space<vmem>> -> memref<1x256xf32, #tpu.memory_space<vmem>>
        %dma_start3A_212 = tpu.memref_squeeze %dma_start3A_211 : memref<1x256xf32, #tpu.memory_space<vmem>> -> memref<256xf32, #tpu.memory_space<vmem>>
        tpu.enqueue_dma source(%dma_start3A_212 : memref<256xf32, #tpu.memory_space<vmem>>) target(%dma_start3A_209 : memref<256xf32, #tpu.memory_space<hbm>>) target_semaphore(%arg9 : memref<!tpu.dma_semaphore, #tpu.memory_space<semaphore_mem>>)
        %dma_start3A_213 = arith.constant 10 : i32
        %dma_start3A_214 = arith.constant 10 : i32
        %dma_start3A_215 = arith.constant 0 : i32
        %dma_start3A_216 = tpu.memref_slice %arg7[%dma_start3A_213, %dma_start3A_215] : memref<16x1024xf32, #tpu.memory_space<vmem>> -> memref<1x256xf32, #tpu.memory_space<vmem>>
        %dma_start3A_217 = tpu.memref_squeeze %dma_start3A_216 : memref<1x256xf32, #tpu.memory_space<vmem>> -> memref<256xf32, #tpu.memory_space<vmem>>
        %dma_start3A_218 = tpu.memref_slice %arg4[%dma_start3A_214, %mul3A_55] : memref<16x160000xf32, #tpu.memory_space<hbm>> -> memref<1x256xf32, #tpu.memory_space<hbm>>
        %dma_start3A_219 = tpu.memref_squeeze %dma_start3A_218 : memref<1x256xf32, #tpu.memory_space<hbm>> -> memref<256xf32, #tpu.memory_space<hbm>>
        %dma_start3A_220 = tpu.memref_slice %arg4[%dma_start3A_214, %mul3A_55] : memref<16x160000xf32, #tpu.memory_space<hbm>> -> memref<1x256xf32, #tpu.memory_space<hbm>>
        %dma_start3A_221 = tpu.memref_squeeze %dma_start3A_220 : memref<1x256xf32, #tpu.memory_space<hbm>> -> memref<256xf32, #tpu.memory_space<hbm>>
        %dma_start3A_222 = arith.constant 0 : i32
        %dma_start3A_223 = tpu.memref_slice %arg7[%dma_start3A_213, %dma_start3A_222] : memref<16x1024xf32, #tpu.memory_space<vmem>> -> memref<1x256xf32, #tpu.memory_space<vmem>>
        %dma_start3A_224 = tpu.memref_squeeze %dma_start3A_223 : memref<1x256xf32, #tpu.memory_space<vmem>> -> memref<256xf32, #tpu.memory_space<vmem>>
        tpu.enqueue_dma source(%dma_start3A_224 : memref<256xf32, #tpu.memory_space<vmem>>) target(%dma_start3A_221 : memref<256xf32, #tpu.memory_space<hbm>>) target_semaphore(%arg9 : memref<!tpu.dma_semaphore, #tpu.memory_space<semaphore_mem>>)
        %dma_start3A_225 = arith.constant 11 : i32
        %dma_start3A_226 = arith.constant 11 : i32
        %dma_start3A_227 = arith.constant 0 : i32
        %dma_start3A_228 = tpu.memref_slice %arg7[%dma_start3A_225, %dma_start3A_227] : memref<16x1024xf32, #tpu.memory_space<vmem>> -> memref<1x256xf32, #tpu.memory_space<vmem>>
        %dma_start3A_229 = tpu.memref_squeeze %dma_start3A_228 : memref<1x256xf32, #tpu.memory_space<vmem>> -> memref<256xf32, #tpu.memory_space<vmem>>
        %dma_start3A_230 = tpu.memref_slice %arg4[%dma_start3A_226, %mul3A_55] : memref<16x160000xf32, #tpu.memory_space<hbm>> -> memref<1x256xf32, #tpu.memory_space<hbm>>
        %dma_start3A_231 = tpu.memref_squeeze %dma_start3A_230 : memref<1x256xf32, #tpu.memory_space<hbm>> -> memref<256xf32, #tpu.memory_space<hbm>>
        %dma_start3A_232 = tpu.memref_slice %arg4[%dma_start3A_226, %mul3A_55] : memref<16x160000xf32, #tpu.memory_space<hbm>> -> memref<1x256xf32, #tpu.memory_space<hbm>>
        %dma_start3A_233 = tpu.memref_squeeze %dma_start3A_232 : memref<1x256xf32, #tpu.memory_space<hbm>> -> memref<256xf32, #tpu.memory_space<hbm>>
        %dma_start3A_234 = arith.constant 0 : i32
        %dma_start3A_235 = tpu.memref_slice %arg7[%dma_start3A_225, %dma_start3A_234] : memref<16x1024xf32, #tpu.memory_space<vmem>> -> memref<1x256xf32, #tpu.memory_space<vmem>>
        %dma_start3A_236 = tpu.memref_squeeze %dma_start3A_235 : memref<1x256xf32, #tpu.memory_space<vmem>> -> memref<256xf32, #tpu.memory_space<vmem>>
        tpu.enqueue_dma source(%dma_start3A_236 : memref<256xf32, #tpu.memory_space<vmem>>) target(%dma_start3A_233 : memref<256xf32, #tpu.memory_space<hbm>>) target_semaphore(%arg9 : memref<!tpu.dma_semaphore, #tpu.memory_space<semaphore_mem>>)
        %dma_start3A_237 = arith.constant 12 : i32
        %dma_start3A_238 = arith.constant 12 : i32
        %dma_start3A_239 = arith.constant 0 : i32
        %dma_start3A_240 = tpu.memref_slice %arg7[%dma_start3A_237, %dma_start3A_239] : memref<16x1024xf32, #tpu.memory_space<vmem>> -> memref<1x256xf32, #tpu.memory_space<vmem>>
        %dma_start3A_241 = tpu.memref_squeeze %dma_start3A_240 : memref<1x256xf32, #tpu.memory_space<vmem>> -> memref<256xf32, #tpu.memory_space<vmem>>
        %dma_start3A_242 = tpu.memref_slice %arg4[%dma_start3A_238, %mul3A_55] : memref<16x160000xf32, #tpu.memory_space<hbm>> -> memref<1x256xf32, #tpu.memory_space<hbm>>
        %dma_start3A_243 = tpu.memref_squeeze %dma_start3A_242 : memref<1x256xf32, #tpu.memory_space<hbm>> -> memref<256xf32, #tpu.memory_space<hbm>>
        %dma_start3A_244 = tpu.memref_slice %arg4[%dma_start3A_238, %mul3A_55] : memref<16x160000xf32, #tpu.memory_space<hbm>> -> memref<1x256xf32, #tpu.memory_space<hbm>>
        %dma_start3A_245 = tpu.memref_squeeze %dma_start3A_244 : memref<1x256xf32, #tpu.memory_space<hbm>> -> memref<256xf32, #tpu.memory_space<hbm>>
        %dma_start3A_246 = arith.constant 0 : i32
        %dma_start3A_247 = tpu.memref_slice %arg7[%dma_start3A_237, %dma_start3A_246] : memref<16x1024xf32, #tpu.memory_space<vmem>> -> memref<1x256xf32, #tpu.memory_space<vmem>>
        %dma_start3A_248 = tpu.memref_squeeze %dma_start3A_247 : memref<1x256xf32, #tpu.memory_space<vmem>> -> memref<256xf32, #tpu.memory_space<vmem>>
        tpu.enqueue_dma source(%dma_start3A_248 : memref<256xf32, #tpu.memory_space<vmem>>) target(%dma_start3A_245 : memref<256xf32, #tpu.memory_space<hbm>>) target_semaphore(%arg9 : memref<!tpu.dma_semaphore, #tpu.memory_space<semaphore_mem>>)
        %dma_start3A_249 = arith.constant 13 : i32
        %dma_start3A_250 = arith.constant 13 : i32
        %dma_start3A_251 = arith.constant 0 : i32
        %dma_start3A_252 = tpu.memref_slice %arg7[%dma_start3A_249, %dma_start3A_251] : memref<16x1024xf32, #tpu.memory_space<vmem>> -> memref<1x256xf32, #tpu.memory_space<vmem>>
        %dma_start3A_253 = tpu.memref_squeeze %dma_start3A_252 : memref<1x256xf32, #tpu.memory_space<vmem>> -> memref<256xf32, #tpu.memory_space<vmem>>
        %dma_start3A_254 = tpu.memref_slice %arg4[%dma_start3A_250, %mul3A_55] : memref<16x160000xf32, #tpu.memory_space<hbm>> -> memref<1x256xf32, #tpu.memory_space<hbm>>
        %dma_start3A_255 = tpu.memref_squeeze %dma_start3A_254 : memref<1x256xf32, #tpu.memory_space<hbm>> -> memref<256xf32, #tpu.memory_space<hbm>>
        %dma_start3A_256 = tpu.memref_slice %arg4[%dma_start3A_250, %mul3A_55] : memref<16x160000xf32, #tpu.memory_space<hbm>> -> memref<1x256xf32, #tpu.memory_space<hbm>>
        %dma_start3A_257 = tpu.memref_squeeze %dma_start3A_256 : memref<1x256xf32, #tpu.memory_space<hbm>> -> memref<256xf32, #tpu.memory_space<hbm>>
        %dma_start3A_258 = arith.constant 0 : i32
        %dma_start3A_259 = tpu.memref_slice %arg7[%dma_start3A_249, %dma_start3A_258] : memref<16x1024xf32, #tpu.memory_space<vmem>> -> memref<1x256xf32, #tpu.memory_space<vmem>>
        %dma_start3A_260 = tpu.memref_squeeze %dma_start3A_259 : memref<1x256xf32, #tpu.memory_space<vmem>> -> memref<256xf32, #tpu.memory_space<vmem>>
        tpu.enqueue_dma source(%dma_start3A_260 : memref<256xf32, #tpu.memory_space<vmem>>) target(%dma_start3A_257 : memref<256xf32, #tpu.memory_space<hbm>>) target_semaphore(%arg9 : memref<!tpu.dma_semaphore, #tpu.memory_space<semaphore_mem>>)
        %dma_start3A_261 = arith.constant 14 : i32
        %dma_start3A_262 = arith.constant 14 : i32
        %dma_start3A_263 = arith.constant 0 : i32
        %dma_start3A_264 = tpu.memref_slice %arg7[%dma_start3A_261, %dma_start3A_263] : memref<16x1024xf32, #tpu.memory_space<vmem>> -> memref<1x256xf32, #tpu.memory_space<vmem>>
        %dma_start3A_265 = tpu.memref_squeeze %dma_start3A_264 : memref<1x256xf32, #tpu.memory_space<vmem>> -> memref<256xf32, #tpu.memory_space<vmem>>
        %dma_start3A_266 = tpu.memref_slice %arg4[%dma_start3A_262, %mul3A_55] : memref<16x160000xf32, #tpu.memory_space<hbm>> -> memref<1x256xf32, #tpu.memory_space<hbm>>
        %dma_start3A_267 = tpu.memref_squeeze %dma_start3A_266 : memref<1x256xf32, #tpu.memory_space<hbm>> -> memref<256xf32, #tpu.memory_space<hbm>>
        %dma_start3A_268 = tpu.memref_slice %arg4[%dma_start3A_262, %mul3A_55] : memref<16x160000xf32, #tpu.memory_space<hbm>> -> memref<1x256xf32, #tpu.memory_space<hbm>>
        %dma_start3A_269 = tpu.memref_squeeze %dma_start3A_268 : memref<1x256xf32, #tpu.memory_space<hbm>> -> memref<256xf32, #tpu.memory_space<hbm>>
        %dma_start3A_270 = arith.constant 0 : i32
        %dma_start3A_271 = tpu.memref_slice %arg7[%dma_start3A_261, %dma_start3A_270] : memref<16x1024xf32, #tpu.memory_space<vmem>> -> memref<1x256xf32, #tpu.memory_space<vmem>>
        %dma_start3A_272 = tpu.memref_squeeze %dma_start3A_271 : memref<1x256xf32, #tpu.memory_space<vmem>> -> memref<256xf32, #tpu.memory_space<vmem>>
        tpu.enqueue_dma source(%dma_start3A_272 : memref<256xf32, #tpu.memory_space<vmem>>) target(%dma_start3A_269 : memref<256xf32, #tpu.memory_space<hbm>>) target_semaphore(%arg9 : memref<!tpu.dma_semaphore, #tpu.memory_space<semaphore_mem>>)
        %dma_start3A_273 = arith.constant 15 : i32
        %dma_start3A_274 = arith.constant 15 : i32
        %dma_start3A_275 = arith.constant 0 : i32
        %dma_start3A_276 = tpu.memref_slice %arg7[%dma_start3A_273, %dma_start3A_275] : memref<16x1024xf32, #tpu.memory_space<vmem>> -> memref<1x256xf32, #tpu.memory_space<vmem>>
        %dma_start3A_277 = tpu.memref_squeeze %dma_start3A_276 : memref<1x256xf32, #tpu.memory_space<vmem>> -> memref<256xf32, #tpu.memory_space<vmem>>
        %dma_start3A_278 = tpu.memref_slice %arg4[%dma_start3A_274, %mul3A_55] : memref<16x160000xf32, #tpu.memory_space<hbm>> -> memref<1x256xf32, #tpu.memory_space<hbm>>
        %dma_start3A_279 = tpu.memref_squeeze %dma_start3A_278 : memref<1x256xf32, #tpu.memory_space<hbm>> -> memref<256xf32, #tpu.memory_space<hbm>>
        %dma_start3A_280 = tpu.memref_slice %arg4[%dma_start3A_274, %mul3A_55] : memref<16x160000xf32, #tpu.memory_space<hbm>> -> memref<1x256xf32, #tpu.memory_space<hbm>>
        %dma_start3A_281 = tpu.memref_squeeze %dma_start3A_280 : memref<1x256xf32, #tpu.memory_space<hbm>> -> memref<256xf32, #tpu.memory_space<hbm>>
        %dma_start3A_282 = arith.constant 0 : i32
        %dma_start3A_283 = tpu.memref_slice %arg7[%dma_start3A_273, %dma_start3A_282] : memref<16x1024xf32, #tpu.memory_space<vmem>> -> memref<1x256xf32, #tpu.memory_space<vmem>>
        %dma_start3A_284 = tpu.memref_squeeze %dma_start3A_283 : memref<1x256xf32, #tpu.memory_space<vmem>> -> memref<256xf32, #tpu.memory_space<vmem>>
        tpu.enqueue_dma source(%dma_start3A_284 : memref<256xf32, #tpu.memory_space<vmem>>) target(%dma_start3A_281 : memref<256xf32, #tpu.memory_space<hbm>>) target_semaphore(%arg9 : memref<!tpu.dma_semaphore, #tpu.memory_space<semaphore_mem>>)
        %dma_wait3A_285 = arith.constant 0 : i32
        %dma_wait3A_286 = arith.constant 0 : i32
        %dma_wait3A_287 = arith.constant 0 : i32
        %dma_wait3A_288 = tpu.memref_slice %arg7[%dma_wait3A_285, %dma_wait3A_287] : memref<16x1024xf32, #tpu.memory_space<vmem>> -> memref<1x256xf32, #tpu.memory_space<vmem>>
        %dma_wait3A_289 = tpu.memref_squeeze %dma_wait3A_288 : memref<1x256xf32, #tpu.memory_space<vmem>> -> memref<256xf32, #tpu.memory_space<vmem>>
        %dma_wait3A_290 = tpu.memref_slice %arg4[%dma_wait3A_286, %mul3A_55] : memref<16x160000xf32, #tpu.memory_space<hbm>> -> memref<1x256xf32, #tpu.memory_space<hbm>>
        %dma_wait3A_291 = tpu.memref_squeeze %dma_wait3A_290 : memref<1x256xf32, #tpu.memory_space<hbm>> -> memref<256xf32, #tpu.memory_space<hbm>>
        %dma_wait3A_292 = tpu.memref_slice %arg4[%dma_wait3A_286, %mul3A_55] : memref<16x160000xf32, #tpu.memory_space<hbm>> -> memref<1x256xf32, #tpu.memory_space<hbm>>
        %dma_wait3A_293 = tpu.memref_squeeze %dma_wait3A_292 : memref<1x256xf32, #tpu.memory_space<hbm>> -> memref<256xf32, #tpu.memory_space<hbm>>
        %dma_wait3A_294 = arith.constant 0 : i32
        %dma_wait3A_295 = tpu.memref_slice %arg7[%dma_wait3A_285, %dma_wait3A_294] : memref<16x1024xf32, #tpu.memory_space<vmem>> -> memref<1x256xf32, #tpu.memory_space<vmem>>
        %dma_wait3A_296 = tpu.memref_squeeze %dma_wait3A_295 : memref<1x256xf32, #tpu.memory_space<vmem>> -> memref<256xf32, #tpu.memory_space<vmem>>
        tpu.wait_dma2 semaphore(%arg9 : memref<!tpu.dma_semaphore, #tpu.memory_space<semaphore_mem>>) src(%dma_wait3A_296 : memref<256xf32, #tpu.memory_space<vmem>>) dst(%dma_wait3A_293 : memref<256xf32, #tpu.memory_space<hbm>>)
        %dma_wait3A_297 = arith.constant 1 : i32
        %dma_wait3A_298 = arith.constant 1 : i32
        %dma_wait3A_299 = arith.constant 0 : i32
        %dma_wait3A_300 = tpu.memref_slice %arg7[%dma_wait3A_297, %dma_wait3A_299] : memref<16x1024xf32, #tpu.memory_space<vmem>> -> memref<1x256xf32, #tpu.memory_space<vmem>>
        %dma_wait3A_301 = tpu.memref_squeeze %dma_wait3A_300 : memref<1x256xf32, #tpu.memory_space<vmem>> -> memref<256xf32, #tpu.memory_space<vmem>>
        %dma_wait3A_302 = tpu.memref_slice %arg4[%dma_wait3A_298, %mul3A_55] : memref<16x160000xf32, #tpu.memory_space<hbm>> -> memref<1x256xf32, #tpu.memory_space<hbm>>
        %dma_wait3A_303 = tpu.memref_squeeze %dma_wait3A_302 : memref<1x256xf32, #tpu.memory_space<hbm>> -> memref<256xf32, #tpu.memory_space<hbm>>
        %dma_wait3A_304 = tpu.memref_slice %arg4[%dma_wait3A_298, %mul3A_55] : memref<16x160000xf32, #tpu.memory_space<hbm>> -> memref<1x256xf32, #tpu.memory_space<hbm>>
        %dma_wait3A_305 = tpu.memref_squeeze %dma_wait3A_304 : memref<1x256xf32, #tpu.memory_space<hbm>> -> memref<256xf32, #tpu.memory_space<hbm>>
        %dma_wait3A_306 = arith.constant 0 : i32
        %dma_wait3A_307 = tpu.memref_slice %arg7[%dma_wait3A_297, %dma_wait3A_306] : memref<16x1024xf32, #tpu.memory_space<vmem>> -> memref<1x256xf32, #tpu.memory_space<vmem>>
        %dma_wait3A_308 = tpu.memref_squeeze %dma_wait3A_307 : memref<1x256xf32, #tpu.memory_space<vmem>> -> memref<256xf32, #tpu.memory_space<vmem>>
        tpu.wait_dma2 semaphore(%arg9 : memref<!tpu.dma_semaphore, #tpu.memory_space<semaphore_mem>>) src(%dma_wait3A_308 : memref<256xf32, #tpu.memory_space<vmem>>) dst(%dma_wait3A_305 : memref<256xf32, #tpu.memory_space<hbm>>)
        %dma_wait3A_309 = arith.constant 2 : i32
        %dma_wait3A_310 = arith.constant 2 : i32
        %dma_wait3A_311 = arith.constant 0 : i32
        %dma_wait3A_312 = tpu.memref_slice %arg7[%dma_wait3A_309, %dma_wait3A_311] : memref<16x1024xf32, #tpu.memory_space<vmem>> -> memref<1x256xf32, #tpu.memory_space<vmem>>
        %dma_wait3A_313 = tpu.memref_squeeze %dma_wait3A_312 : memref<1x256xf32, #tpu.memory_space<vmem>> -> memref<256xf32, #tpu.memory_space<vmem>>
        %dma_wait3A_314 = tpu.memref_slice %arg4[%dma_wait3A_310, %mul3A_55] : memref<16x160000xf32, #tpu.memory_space<hbm>> -> memref<1x256xf32, #tpu.memory_space<hbm>>
        %dma_wait3A_315 = tpu.memref_squeeze %dma_wait3A_314 : memref<1x256xf32, #tpu.memory_space<hbm>> -> memref<256xf32, #tpu.memory_space<hbm>>
        %dma_wait3A_316 = tpu.memref_slice %arg4[%dma_wait3A_310, %mul3A_55] : memref<16x160000xf32, #tpu.memory_space<hbm>> -> memref<1x256xf32, #tpu.memory_space<hbm>>
        %dma_wait3A_317 = tpu.memref_squeeze %dma_wait3A_316 : memref<1x256xf32, #tpu.memory_space<hbm>> -> memref<256xf32, #tpu.memory_space<hbm>>
        %dma_wait3A_318 = arith.constant 0 : i32
        %dma_wait3A_319 = tpu.memref_slice %arg7[%dma_wait3A_309, %dma_wait3A_318] : memref<16x1024xf32, #tpu.memory_space<vmem>> -> memref<1x256xf32, #tpu.memory_space<vmem>>
        %dma_wait3A_320 = tpu.memref_squeeze %dma_wait3A_319 : memref<1x256xf32, #tpu.memory_space<vmem>> -> memref<256xf32, #tpu.memory_space<vmem>>
        tpu.wait_dma2 semaphore(%arg9 : memref<!tpu.dma_semaphore, #tpu.memory_space<semaphore_mem>>) src(%dma_wait3A_320 : memref<256xf32, #tpu.memory_space<vmem>>) dst(%dma_wait3A_317 : memref<256xf32, #tpu.memory_space<hbm>>)
        %dma_wait3A_321 = arith.constant 3 : i32
        %dma_wait3A_322 = arith.constant 3 : i32
        %dma_wait3A_323 = arith.constant 0 : i32
        %dma_wait3A_324 = tpu.memref_slice %arg7[%dma_wait3A_321, %dma_wait3A_323] : memref<16x1024xf32, #tpu.memory_space<vmem>> -> memref<1x256xf32, #tpu.memory_space<vmem>>
        %dma_wait3A_325 = tpu.memref_squeeze %dma_wait3A_324 : memref<1x256xf32, #tpu.memory_space<vmem>> -> memref<256xf32, #tpu.memory_space<vmem>>
        %dma_wait3A_326 = tpu.memref_slice %arg4[%dma_wait3A_322, %mul3A_55] : memref<16x160000xf32, #tpu.memory_space<hbm>> -> memref<1x256xf32, #tpu.memory_space<hbm>>
        %dma_wait3A_327 = tpu.memref_squeeze %dma_wait3A_326 : memref<1x256xf32, #tpu.memory_space<hbm>> -> memref<256xf32, #tpu.memory_space<hbm>>
        %dma_wait3A_328 = tpu.memref_slice %arg4[%dma_wait3A_322, %mul3A_55] : memref<16x160000xf32, #tpu.memory_space<hbm>> -> memref<1x256xf32, #tpu.memory_space<hbm>>
        %dma_wait3A_329 = tpu.memref_squeeze %dma_wait3A_328 : memref<1x256xf32, #tpu.memory_space<hbm>> -> memref<256xf32, #tpu.memory_space<hbm>>
        %dma_wait3A_330 = arith.constant 0 : i32
        %dma_wait3A_331 = tpu.memref_slice %arg7[%dma_wait3A_321, %dma_wait3A_330] : memref<16x1024xf32, #tpu.memory_space<vmem>> -> memref<1x256xf32, #tpu.memory_space<vmem>>
        %dma_wait3A_332 = tpu.memref_squeeze %dma_wait3A_331 : memref<1x256xf32, #tpu.memory_space<vmem>> -> memref<256xf32, #tpu.memory_space<vmem>>
        tpu.wait_dma2 semaphore(%arg9 : memref<!tpu.dma_semaphore, #tpu.memory_space<semaphore_mem>>) src(%dma_wait3A_332 : memref<256xf32, #tpu.memory_space<vmem>>) dst(%dma_wait3A_329 : memref<256xf32, #tpu.memory_space<hbm>>)
        %dma_wait3A_333 = arith.constant 4 : i32
        %dma_wait3A_334 = arith.constant 4 : i32
        %dma_wait3A_335 = arith.constant 0 : i32
        %dma_wait3A_336 = tpu.memref_slice %arg7[%dma_wait3A_333, %dma_wait3A_335] : memref<16x1024xf32, #tpu.memory_space<vmem>> -> memref<1x256xf32, #tpu.memory_space<vmem>>
        %dma_wait3A_337 = tpu.memref_squeeze %dma_wait3A_336 : memref<1x256xf32, #tpu.memory_space<vmem>> -> memref<256xf32, #tpu.memory_space<vmem>>
        %dma_wait3A_338 = tpu.memref_slice %arg4[%dma_wait3A_334, %mul3A_55] : memref<16x160000xf32, #tpu.memory_space<hbm>> -> memref<1x256xf32, #tpu.memory_space<hbm>>
        %dma_wait3A_339 = tpu.memref_squeeze %dma_wait3A_338 : memref<1x256xf32, #tpu.memory_space<hbm>> -> memref<256xf32, #tpu.memory_space<hbm>>
        %dma_wait3A_340 = tpu.memref_slice %arg4[%dma_wait3A_334, %mul3A_55] : memref<16x160000xf32, #tpu.memory_space<hbm>> -> memref<1x256xf32, #tpu.memory_space<hbm>>
        %dma_wait3A_341 = tpu.memref_squeeze %dma_wait3A_340 : memref<1x256xf32, #tpu.memory_space<hbm>> -> memref<256xf32, #tpu.memory_space<hbm>>
        %dma_wait3A_342 = arith.constant 0 : i32
        %dma_wait3A_343 = tpu.memref_slice %arg7[%dma_wait3A_333, %dma_wait3A_342] : memref<16x1024xf32, #tpu.memory_space<vmem>> -> memref<1x256xf32, #tpu.memory_space<vmem>>
        %dma_wait3A_344 = tpu.memref_squeeze %dma_wait3A_343 : memref<1x256xf32, #tpu.memory_space<vmem>> -> memref<256xf32, #tpu.memory_space<vmem>>
        tpu.wait_dma2 semaphore(%arg9 : memref<!tpu.dma_semaphore, #tpu.memory_space<semaphore_mem>>) src(%dma_wait3A_344 : memref<256xf32, #tpu.memory_space<vmem>>) dst(%dma_wait3A_341 : memref<256xf32, #tpu.memory_space<hbm>>)
        %dma_wait3A_345 = arith.constant 5 : i32
        %dma_wait3A_346 = arith.constant 5 : i32
        %dma_wait3A_347 = arith.constant 0 : i32
        %dma_wait3A_348 = tpu.memref_slice %arg7[%dma_wait3A_345, %dma_wait3A_347] : memref<16x1024xf32, #tpu.memory_space<vmem>> -> memref<1x256xf32, #tpu.memory_space<vmem>>
        %dma_wait3A_349 = tpu.memref_squeeze %dma_wait3A_348 : memref<1x256xf32, #tpu.memory_space<vmem>> -> memref<256xf32, #tpu.memory_space<vmem>>
        %dma_wait3A_350 = tpu.memref_slice %arg4[%dma_wait3A_346, %mul3A_55] : memref<16x160000xf32, #tpu.memory_space<hbm>> -> memref<1x256xf32, #tpu.memory_space<hbm>>
        %dma_wait3A_351 = tpu.memref_squeeze %dma_wait3A_350 : memref<1x256xf32, #tpu.memory_space<hbm>> -> memref<256xf32, #tpu.memory_space<hbm>>
        %dma_wait3A_352 = tpu.memref_slice %arg4[%dma_wait3A_346, %mul3A_55] : memref<16x160000xf32, #tpu.memory_space<hbm>> -> memref<1x256xf32, #tpu.memory_space<hbm>>
        %dma_wait3A_353 = tpu.memref_squeeze %dma_wait3A_352 : memref<1x256xf32, #tpu.memory_space<hbm>> -> memref<256xf32, #tpu.memory_space<hbm>>
        %dma_wait3A_354 = arith.constant 0 : i32
        %dma_wait3A_355 = tpu.memref_slice %arg7[%dma_wait3A_345, %dma_wait3A_354] : memref<16x1024xf32, #tpu.memory_space<vmem>> -> memref<1x256xf32, #tpu.memory_space<vmem>>
        %dma_wait3A_356 = tpu.memref_squeeze %dma_wait3A_355 : memref<1x256xf32, #tpu.memory_space<vmem>> -> memref<256xf32, #tpu.memory_space<vmem>>
        tpu.wait_dma2 semaphore(%arg9 : memref<!tpu.dma_semaphore, #tpu.memory_space<semaphore_mem>>) src(%dma_wait3A_356 : memref<256xf32, #tpu.memory_space<vmem>>) dst(%dma_wait3A_353 : memref<256xf32, #tpu.memory_space<hbm>>)
        %dma_wait3A_357 = arith.constant 6 : i32
        %dma_wait3A_358 = arith.constant 6 : i32
        %dma_wait3A_359 = arith.constant 0 : i32
        %dma_wait3A_360 = tpu.memref_slice %arg7[%dma_wait3A_357, %dma_wait3A_359] : memref<16x1024xf32, #tpu.memory_space<vmem>> -> memref<1x256xf32, #tpu.memory_space<vmem>>
        %dma_wait3A_361 = tpu.memref_squeeze %dma_wait3A_360 : memref<1x256xf32, #tpu.memory_space<vmem>> -> memref<256xf32, #tpu.memory_space<vmem>>
        %dma_wait3A_362 = tpu.memref_slice %arg4[%dma_wait3A_358, %mul3A_55] : memref<16x160000xf32, #tpu.memory_space<hbm>> -> memref<1x256xf32, #tpu.memory_space<hbm>>
        %dma_wait3A_363 = tpu.memref_squeeze %dma_wait3A_362 : memref<1x256xf32, #tpu.memory_space<hbm>> -> memref<256xf32, #tpu.memory_space<hbm>>
        %dma_wait3A_364 = tpu.memref_slice %arg4[%dma_wait3A_358, %mul3A_55] : memref<16x160000xf32, #tpu.memory_space<hbm>> -> memref<1x256xf32, #tpu.memory_space<hbm>>
        %dma_wait3A_365 = tpu.memref_squeeze %dma_wait3A_364 : memref<1x256xf32, #tpu.memory_space<hbm>> -> memref<256xf32, #tpu.memory_space<hbm>>
        %dma_wait3A_366 = arith.constant 0 : i32
        %dma_wait3A_367 = tpu.memref_slice %arg7[%dma_wait3A_357, %dma_wait3A_366] : memref<16x1024xf32, #tpu.memory_space<vmem>> -> memref<1x256xf32, #tpu.memory_space<vmem>>
        %dma_wait3A_368 = tpu.memref_squeeze %dma_wait3A_367 : memref<1x256xf32, #tpu.memory_space<vmem>> -> memref<256xf32, #tpu.memory_space<vmem>>
        tpu.wait_dma2 semaphore(%arg9 : memref<!tpu.dma_semaphore, #tpu.memory_space<semaphore_mem>>) src(%dma_wait3A_368 : memref<256xf32, #tpu.memory_space<vmem>>) dst(%dma_wait3A_365 : memref<256xf32, #tpu.memory_space<hbm>>)
        %dma_wait3A_369 = arith.constant 7 : i32
        %dma_wait3A_370 = arith.constant 7 : i32
        %dma_wait3A_371 = arith.constant 0 : i32
        %dma_wait3A_372 = tpu.memref_slice %arg7[%dma_wait3A_369, %dma_wait3A_371] : memref<16x1024xf32, #tpu.memory_space<vmem>> -> memref<1x256xf32, #tpu.memory_space<vmem>>
        %dma_wait3A_373 = tpu.memref_squeeze %dma_wait3A_372 : memref<1x256xf32, #tpu.memory_space<vmem>> -> memref<256xf32, #tpu.memory_space<vmem>>
        %dma_wait3A_374 = tpu.memref_slice %arg4[%dma_wait3A_370, %mul3A_55] : memref<16x160000xf32, #tpu.memory_space<hbm>> -> memref<1x256xf32, #tpu.memory_space<hbm>>
        %dma_wait3A_375 = tpu.memref_squeeze %dma_wait3A_374 : memref<1x256xf32, #tpu.memory_space<hbm>> -> memref<256xf32, #tpu.memory_space<hbm>>
        %dma_wait3A_376 = tpu.memref_slice %arg4[%dma_wait3A_370, %mul3A_55] : memref<16x160000xf32, #tpu.memory_space<hbm>> -> memref<1x256xf32, #tpu.memory_space<hbm>>
        %dma_wait3A_377 = tpu.memref_squeeze %dma_wait3A_376 : memref<1x256xf32, #tpu.memory_space<hbm>> -> memref<256xf32, #tpu.memory_space<hbm>>
        %dma_wait3A_378 = arith.constant 0 : i32
        %dma_wait3A_379 = tpu.memref_slice %arg7[%dma_wait3A_369, %dma_wait3A_378] : memref<16x1024xf32, #tpu.memory_space<vmem>> -> memref<1x256xf32, #tpu.memory_space<vmem>>
        %dma_wait3A_380 = tpu.memref_squeeze %dma_wait3A_379 : memref<1x256xf32, #tpu.memory_space<vmem>> -> memref<256xf32, #tpu.memory_space<vmem>>
        tpu.wait_dma2 semaphore(%arg9 : memref<!tpu.dma_semaphore, #tpu.memory_space<semaphore_mem>>) src(%dma_wait3A_380 : memref<256xf32, #tpu.memory_space<vmem>>) dst(%dma_wait3A_377 : memref<256xf32, #tpu.memory_space<hbm>>)
        %dma_wait3A_381 = arith.constant 8 : i32
        %dma_wait3A_382 = arith.constant 8 : i32
        %dma_wait3A_383 = arith.constant 0 : i32
        %dma_wait3A_384 = tpu.memref_slice %arg7[%dma_wait3A_381, %dma_wait3A_383] : memref<16x1024xf32, #tpu.memory_space<vmem>> -> memref<1x256xf32, #tpu.memory_space<vmem>>
        %dma_wait3A_385 = tpu.memref_squeeze %dma_wait3A_384 : memref<1x256xf32, #tpu.memory_space<vmem>> -> memref<256xf32, #tpu.memory_space<vmem>>
        %dma_wait3A_386 = tpu.memref_slice %arg4[%dma_wait3A_382, %mul3A_55] : memref<16x160000xf32, #tpu.memory_space<hbm>> -> memref<1x256xf32, #tpu.memory_space<hbm>>
        %dma_wait3A_387 = tpu.memref_squeeze %dma_wait3A_386 : memref<1x256xf32, #tpu.memory_space<hbm>> -> memref<256xf32, #tpu.memory_space<hbm>>
        %dma_wait3A_388 = tpu.memref_slice %arg4[%dma_wait3A_382, %mul3A_55] : memref<16x160000xf32, #tpu.memory_space<hbm>> -> memref<1x256xf32, #tpu.memory_space<hbm>>
        %dma_wait3A_389 = tpu.memref_squeeze %dma_wait3A_388 : memref<1x256xf32, #tpu.memory_space<hbm>> -> memref<256xf32, #tpu.memory_space<hbm>>
        %dma_wait3A_390 = arith.constant 0 : i32
        %dma_wait3A_391 = tpu.memref_slice %arg7[%dma_wait3A_381, %dma_wait3A_390] : memref<16x1024xf32, #tpu.memory_space<vmem>> -> memref<1x256xf32, #tpu.memory_space<vmem>>
        %dma_wait3A_392 = tpu.memref_squeeze %dma_wait3A_391 : memref<1x256xf32, #tpu.memory_space<vmem>> -> memref<256xf32, #tpu.memory_space<vmem>>
        tpu.wait_dma2 semaphore(%arg9 : memref<!tpu.dma_semaphore, #tpu.memory_space<semaphore_mem>>) src(%dma_wait3A_392 : memref<256xf32, #tpu.memory_space<vmem>>) dst(%dma_wait3A_389 : memref<256xf32, #tpu.memory_space<hbm>>)
        %dma_wait3A_393 = arith.constant 9 : i32
        %dma_wait3A_394 = arith.constant 9 : i32
        %dma_wait3A_395 = arith.constant 0 : i32
        %dma_wait3A_396 = tpu.memref_slice %arg7[%dma_wait3A_393, %dma_wait3A_395] : memref<16x1024xf32, #tpu.memory_space<vmem>> -> memref<1x256xf32, #tpu.memory_space<vmem>>
        %dma_wait3A_397 = tpu.memref_squeeze %dma_wait3A_396 : memref<1x256xf32, #tpu.memory_space<vmem>> -> memref<256xf32, #tpu.memory_space<vmem>>
        %dma_wait3A_398 = tpu.memref_slice %arg4[%dma_wait3A_394, %mul3A_55] : memref<16x160000xf32, #tpu.memory_space<hbm>> -> memref<1x256xf32, #tpu.memory_space<hbm>>
        %dma_wait3A_399 = tpu.memref_squeeze %dma_wait3A_398 : memref<1x256xf32, #tpu.memory_space<hbm>> -> memref<256xf32, #tpu.memory_space<hbm>>
        %dma_wait3A_400 = tpu.memref_slice %arg4[%dma_wait3A_394, %mul3A_55] : memref<16x160000xf32, #tpu.memory_space<hbm>> -> memref<1x256xf32, #tpu.memory_space<hbm>>
        %dma_wait3A_401 = tpu.memref_squeeze %dma_wait3A_400 : memref<1x256xf32, #tpu.memory_space<hbm>> -> memref<256xf32, #tpu.memory_space<hbm>>
        %dma_wait3A_402 = arith.constant 0 : i32
        %dma_wait3A_403 = tpu.memref_slice %arg7[%dma_wait3A_393, %dma_wait3A_402] : memref<16x1024xf32, #tpu.memory_space<vmem>> -> memref<1x256xf32, #tpu.memory_space<vmem>>
        %dma_wait3A_404 = tpu.memref_squeeze %dma_wait3A_403 : memref<1x256xf32, #tpu.memory_space<vmem>> -> memref<256xf32, #tpu.memory_space<vmem>>
        tpu.wait_dma2 semaphore(%arg9 : memref<!tpu.dma_semaphore, #tpu.memory_space<semaphore_mem>>) src(%dma_wait3A_404 : memref<256xf32, #tpu.memory_space<vmem>>) dst(%dma_wait3A_401 : memref<256xf32, #tpu.memory_space<hbm>>)
        %dma_wait3A_405 = arith.constant 10 : i32
        %dma_wait3A_406 = arith.constant 10 : i32
        %dma_wait3A_407 = arith.constant 0 : i32
        %dma_wait3A_408 = tpu.memref_slice %arg7[%dma_wait3A_405, %dma_wait3A_407] : memref<16x1024xf32, #tpu.memory_space<vmem>> -> memref<1x256xf32, #tpu.memory_space<vmem>>
        %dma_wait3A_409 = tpu.memref_squeeze %dma_wait3A_408 : memref<1x256xf32, #tpu.memory_space<vmem>> -> memref<256xf32, #tpu.memory_space<vmem>>
        %dma_wait3A_410 = tpu.memref_slice %arg4[%dma_wait3A_406, %mul3A_55] : memref<16x160000xf32, #tpu.memory_space<hbm>> -> memref<1x256xf32, #tpu.memory_space<hbm>>
        %dma_wait3A_411 = tpu.memref_squeeze %dma_wait3A_410 : memref<1x256xf32, #tpu.memory_space<hbm>> -> memref<256xf32, #tpu.memory_space<hbm>>
        %dma_wait3A_412 = tpu.memref_slice %arg4[%dma_wait3A_406, %mul3A_55] : memref<16x160000xf32, #tpu.memory_space<hbm>> -> memref<1x256xf32, #tpu.memory_space<hbm>>
        %dma_wait3A_413 = tpu.memref_squeeze %dma_wait3A_412 : memref<1x256xf32, #tpu.memory_space<hbm>> -> memref<256xf32, #tpu.memory_space<hbm>>
        %dma_wait3A_414 = arith.constant 0 : i32
        %dma_wait3A_415 = tpu.memref_slice %arg7[%dma_wait3A_405, %dma_wait3A_414] : memref<16x1024xf32, #tpu.memory_space<vmem>> -> memref<1x256xf32, #tpu.memory_space<vmem>>
        %dma_wait3A_416 = tpu.memref_squeeze %dma_wait3A_415 : memref<1x256xf32, #tpu.memory_space<vmem>> -> memref<256xf32, #tpu.memory_space<vmem>>
        tpu.wait_dma2 semaphore(%arg9 : memref<!tpu.dma_semaphore, #tpu.memory_space<semaphore_mem>>) src(%dma_wait3A_416 : memref<256xf32, #tpu.memory_space<vmem>>) dst(%dma_wait3A_413 : memref<256xf32, #tpu.memory_space<hbm>>)
        %dma_wait3A_417 = arith.constant 11 : i32
        %dma_wait3A_418 = arith.constant 11 : i32
        %dma_wait3A_419 = arith.constant 0 : i32
        %dma_wait3A_420 = tpu.memref_slice %arg7[%dma_wait3A_417, %dma_wait3A_419] : memref<16x1024xf32, #tpu.memory_space<vmem>> -> memref<1x256xf32, #tpu.memory_space<vmem>>
        %dma_wait3A_421 = tpu.memref_squeeze %dma_wait3A_420 : memref<1x256xf32, #tpu.memory_space<vmem>> -> memref<256xf32, #tpu.memory_space<vmem>>
        %dma_wait3A_422 = tpu.memref_slice %arg4[%dma_wait3A_418, %mul3A_55] : memref<16x160000xf32, #tpu.memory_space<hbm>> -> memref<1x256xf32, #tpu.memory_space<hbm>>
        %dma_wait3A_423 = tpu.memref_squeeze %dma_wait3A_422 : memref<1x256xf32, #tpu.memory_space<hbm>> -> memref<256xf32, #tpu.memory_space<hbm>>
        %dma_wait3A_424 = tpu.memref_slice %arg4[%dma_wait3A_418, %mul3A_55] : memref<16x160000xf32, #tpu.memory_space<hbm>> -> memref<1x256xf32, #tpu.memory_space<hbm>>
        %dma_wait3A_425 = tpu.memref_squeeze %dma_wait3A_424 : memref<1x256xf32, #tpu.memory_space<hbm>> -> memref<256xf32, #tpu.memory_space<hbm>>
        %dma_wait3A_426 = arith.constant 0 : i32
        %dma_wait3A_427 = tpu.memref_slice %arg7[%dma_wait3A_417, %dma_wait3A_426] : memref<16x1024xf32, #tpu.memory_space<vmem>> -> memref<1x256xf32, #tpu.memory_space<vmem>>
        %dma_wait3A_428 = tpu.memref_squeeze %dma_wait3A_427 : memref<1x256xf32, #tpu.memory_space<vmem>> -> memref<256xf32, #tpu.memory_space<vmem>>
        tpu.wait_dma2 semaphore(%arg9 : memref<!tpu.dma_semaphore, #tpu.memory_space<semaphore_mem>>) src(%dma_wait3A_428 : memref<256xf32, #tpu.memory_space<vmem>>) dst(%dma_wait3A_425 : memref<256xf32, #tpu.memory_space<hbm>>)
        %dma_wait3A_429 = arith.constant 12 : i32
        %dma_wait3A_430 = arith.constant 12 : i32
        %dma_wait3A_431 = arith.constant 0 : i32
        %dma_wait3A_432 = tpu.memref_slice %arg7[%dma_wait3A_429, %dma_wait3A_431] : memref<16x1024xf32, #tpu.memory_space<vmem>> -> memref<1x256xf32, #tpu.memory_space<vmem>>
        %dma_wait3A_433 = tpu.memref_squeeze %dma_wait3A_432 : memref<1x256xf32, #tpu.memory_space<vmem>> -> memref<256xf32, #tpu.memory_space<vmem>>
        %dma_wait3A_434 = tpu.memref_slice %arg4[%dma_wait3A_430, %mul3A_55] : memref<16x160000xf32, #tpu.memory_space<hbm>> -> memref<1x256xf32, #tpu.memory_space<hbm>>
        %dma_wait3A_435 = tpu.memref_squeeze %dma_wait3A_434 : memref<1x256xf32, #tpu.memory_space<hbm>> -> memref<256xf32, #tpu.memory_space<hbm>>
        %dma_wait3A_436 = tpu.memref_slice %arg4[%dma_wait3A_430, %mul3A_55] : memref<16x160000xf32, #tpu.memory_space<hbm>> -> memref<1x256xf32, #tpu.memory_space<hbm>>
        %dma_wait3A_437 = tpu.memref_squeeze %dma_wait3A_436 : memref<1x256xf32, #tpu.memory_space<hbm>> -> memref<256xf32, #tpu.memory_space<hbm>>
        %dma_wait3A_438 = arith.constant 0 : i32
        %dma_wait3A_439 = tpu.memref_slice %arg7[%dma_wait3A_429, %dma_wait3A_438] : memref<16x1024xf32, #tpu.memory_space<vmem>> -> memref<1x256xf32, #tpu.memory_space<vmem>>
        %dma_wait3A_440 = tpu.memref_squeeze %dma_wait3A_439 : memref<1x256xf32, #tpu.memory_space<vmem>> -> memref<256xf32, #tpu.memory_space<vmem>>
        tpu.wait_dma2 semaphore(%arg9 : memref<!tpu.dma_semaphore, #tpu.memory_space<semaphore_mem>>) src(%dma_wait3A_440 : memref<256xf32, #tpu.memory_space<vmem>>) dst(%dma_wait3A_437 : memref<256xf32, #tpu.memory_space<hbm>>)
        %dma_wait3A_441 = arith.constant 13 : i32
        %dma_wait3A_442 = arith.constant 13 : i32
        %dma_wait3A_443 = arith.constant 0 : i32
        %dma_wait3A_444 = tpu.memref_slice %arg7[%dma_wait3A_441, %dma_wait3A_443] : memref<16x1024xf32, #tpu.memory_space<vmem>> -> memref<1x256xf32, #tpu.memory_space<vmem>>
        %dma_wait3A_445 = tpu.memref_squeeze %dma_wait3A_444 : memref<1x256xf32, #tpu.memory_space<vmem>> -> memref<256xf32, #tpu.memory_space<vmem>>
        %dma_wait3A_446 = tpu.memref_slice %arg4[%dma_wait3A_442, %mul3A_55] : memref<16x160000xf32, #tpu.memory_space<hbm>> -> memref<1x256xf32, #tpu.memory_space<hbm>>
        %dma_wait3A_447 = tpu.memref_squeeze %dma_wait3A_446 : memref<1x256xf32, #tpu.memory_space<hbm>> -> memref<256xf32, #tpu.memory_space<hbm>>
        %dma_wait3A_448 = tpu.memref_slice %arg4[%dma_wait3A_442, %mul3A_55] : memref<16x160000xf32, #tpu.memory_space<hbm>> -> memref<1x256xf32, #tpu.memory_space<hbm>>
        %dma_wait3A_449 = tpu.memref_squeeze %dma_wait3A_448 : memref<1x256xf32, #tpu.memory_space<hbm>> -> memref<256xf32, #tpu.memory_space<hbm>>
        %dma_wait3A_450 = arith.constant 0 : i32
        %dma_wait3A_451 = tpu.memref_slice %arg7[%dma_wait3A_441, %dma_wait3A_450] : memref<16x1024xf32, #tpu.memory_space<vmem>> -> memref<1x256xf32, #tpu.memory_space<vmem>>
        %dma_wait3A_452 = tpu.memref_squeeze %dma_wait3A_451 : memref<1x256xf32, #tpu.memory_space<vmem>> -> memref<256xf32, #tpu.memory_space<vmem>>
        tpu.wait_dma2 semaphore(%arg9 : memref<!tpu.dma_semaphore, #tpu.memory_space<semaphore_mem>>) src(%dma_wait3A_452 : memref<256xf32, #tpu.memory_space<vmem>>) dst(%dma_wait3A_449 : memref<256xf32, #tpu.memory_space<hbm>>)
        %dma_wait3A_453 = arith.constant 14 : i32
        %dma_wait3A_454 = arith.constant 14 : i32
        %dma_wait3A_455 = arith.constant 0 : i32
        %dma_wait3A_456 = tpu.memref_slice %arg7[%dma_wait3A_453, %dma_wait3A_455] : memref<16x1024xf32, #tpu.memory_space<vmem>> -> memref<1x256xf32, #tpu.memory_space<vmem>>
        %dma_wait3A_457 = tpu.memref_squeeze %dma_wait3A_456 : memref<1x256xf32, #tpu.memory_space<vmem>> -> memref<256xf32, #tpu.memory_space<vmem>>
        %dma_wait3A_458 = tpu.memref_slice %arg4[%dma_wait3A_454, %mul3A_55] : memref<16x160000xf32, #tpu.memory_space<hbm>> -> memref<1x256xf32, #tpu.memory_space<hbm>>
        %dma_wait3A_459 = tpu.memref_squeeze %dma_wait3A_458 : memref<1x256xf32, #tpu.memory_space<hbm>> -> memref<256xf32, #tpu.memory_space<hbm>>
        %dma_wait3A_460 = tpu.memref_slice %arg4[%dma_wait3A_454, %mul3A_55] : memref<16x160000xf32, #tpu.memory_space<hbm>> -> memref<1x256xf32, #tpu.memory_space<hbm>>
        %dma_wait3A_461 = tpu.memref_squeeze %dma_wait3A_460 : memref<1x256xf32, #tpu.memory_space<hbm>> -> memref<256xf32, #tpu.memory_space<hbm>>
        %dma_wait3A_462 = arith.constant 0 : i32
        %dma_wait3A_463 = tpu.memref_slice %arg7[%dma_wait3A_453, %dma_wait3A_462] : memref<16x1024xf32, #tpu.memory_space<vmem>> -> memref<1x256xf32, #tpu.memory_space<vmem>>
        %dma_wait3A_464 = tpu.memref_squeeze %dma_wait3A_463 : memref<1x256xf32, #tpu.memory_space<vmem>> -> memref<256xf32, #tpu.memory_space<vmem>>
        tpu.wait_dma2 semaphore(%arg9 : memref<!tpu.dma_semaphore, #tpu.memory_space<semaphore_mem>>) src(%dma_wait3A_464 : memref<256xf32, #tpu.memory_space<vmem>>) dst(%dma_wait3A_461 : memref<256xf32, #tpu.memory_space<hbm>>)
        %dma_wait3A_465 = arith.constant 15 : i32
        %dma_wait3A_466 = arith.constant 15 : i32
        %dma_wait3A_467 = arith.constant 0 : i32
        %dma_wait3A_468 = tpu.memref_slice %arg7[%dma_wait3A_465, %dma_wait3A_467] : memref<16x1024xf32, #tpu.memory_space<vmem>> -> memref<1x256xf32, #tpu.memory_space<vmem>>
        %dma_wait3A_469 = tpu.memref_squeeze %dma_wait3A_468 : memref<1x256xf32, #tpu.memory_space<vmem>> -> memref<256xf32, #tpu.memory_space<vmem>>
        %dma_wait3A_470 = tpu.memref_slice %arg4[%dma_wait3A_466, %mul3A_55] : memref<16x160000xf32, #tpu.memory_space<hbm>> -> memref<1x256xf32, #tpu.memory_space<hbm>>
        %dma_wait3A_471 = tpu.memref_squeeze %dma_wait3A_470 : memref<1x256xf32, #tpu.memory_space<hbm>> -> memref<256xf32, #tpu.memory_space<hbm>>
        %dma_wait3A_472 = tpu.memref_slice %arg4[%dma_wait3A_466, %mul3A_55] : memref<16x160000xf32, #tpu.memory_space<hbm>> -> memref<1x256xf32, #tpu.memory_space<hbm>>
        %dma_wait3A_473 = tpu.memref_squeeze %dma_wait3A_472 : memref<1x256xf32, #tpu.memory_space<hbm>> -> memref<256xf32, #tpu.memory_space<hbm>>
        %dma_wait3A_474 = arith.constant 0 : i32
        %dma_wait3A_475 = tpu.memref_slice %arg7[%dma_wait3A_465, %dma_wait3A_474] : memref<16x1024xf32, #tpu.memory_space<vmem>> -> memref<1x256xf32, #tpu.memory_space<vmem>>
        %dma_wait3A_476 = tpu.memref_squeeze %dma_wait3A_475 : memref<1x256xf32, #tpu.memory_space<vmem>> -> memref<256xf32, #tpu.memory_space<vmem>>
        tpu.wait_dma2 semaphore(%arg9 : memref<!tpu.dma_semaphore, #tpu.memory_space<semaphore_mem>>) src(%dma_wait3A_476 : memref<256xf32, #tpu.memory_space<vmem>>) dst(%dma_wait3A_473 : memref<256xf32, #tpu.memory_space<hbm>>)
      } else {
      }
      %scan3A_53 = arith.constant 0 : i32
      scf.yield %scan3A_53 : i32
    }
    %scan3A_41 = arith.constant 5 : i32
    return
  }
}

</mosaic_0001>

<sc_bundles>
// kernel: _sc_gather.3.cloned.1.call-start
scs
__scs_entry_jumppad:
0x0: {  	(pc) =	sbr.rel $0x88, $3  }
0x1: {  	(tag) =	ssettag $0x0;
	lr =	simm.s32 $0x1  }
0x2: {  	[smem:$0x3F9F] =	sst lr;
	_ =	strace $0xD0000000  }
0x3: {  	_ = 	snop  }
0x4: {  	_ = 	snop  }
0x5: {  	_ = 	snop  }
0x6: {  	_ = 	snop  }
0x7: {  	_ = 	snop  }
__scs_overlays_trampoline_lowered:
0x8: {  	[smem:$0x3FAE] =	sst s0  }
0x9: {  	[smem:$0x3FAF] =	sst s1  }
0xa: {  	[smem:$0x3FB0] =	sst s2  }
0xb: {  	[smem:$0x3FB1] =	sst s3  }
0xc: {  	[smem:$0x3FB2] =	sst s4  }
0xd: {  	[smem:$0x3FB3] =	sst s5  }
0xe: {  	[smem:$0x3FB4] =	sst s6  }
0xf: {  	[smem:$0x3FB5] =	sst s7  }
0x10: {  	[smem:$0x3FB6] =	sst s8  }
0x11: {  	[smem:$0x3FB7] =	sst s9;
	s0 =	simm.s32 @!p0 $0x0  }
0x12: {  	s1 =	sld [smem:$0x3F9D];
	s0 =	simm.s32 @p0 $0x1  }
0x13: {  	[smem:$0x3FB8] =	sst s0;
	s0 =	simm.s32 @!p1 $0x0  }
0x14: {  	s2 =	sld [smem:$0x3F9C];
	s0 =	simm.s32 @p1 $0x1  }
0x15: {  	[smem:$0x3FB9] =	sst s0;
	s0 =	simm.s32 @!p2 $0x0  }
0x16: {  	s3 =	sld [smem:$0x3FDB];
	s0 =	simm.s32 @p2 $0x1  }
0x17: {  	s4 =	simm.s32 $0x1BF5;
	[smem:$0x3FBB] =	sst s0  }
0x18: {  	s0 =	sld [smem:$0x3F9E];
	_ =	swait.ge [sflag:s4], $0x0  }
0x19: {  	s7 =	sld [smem:$0x3F9F]  }
0x1a: {  	s8 =	sadd.s32 $0xFFFFE003, lr  }
0x1b: {  	s9 =	sadd.s32 $0xFFFFFEF7, lr;
	s5 =	simm.s32 $0xFFFFFFFF;
	p2 =	slt.u32 s8, $0xFFFFF086  }
0x1c: {  	p1 =	slt.u32 s9, $0xF7A;
	s5 =	simm.s32 @!p2 $0x0  }
0x1d: {  	s5 =	simm.s32 @p1 $0x1;
	p0 =	seq.s32 s7, s2  }
0x1e: {  	s7 =	smul.u32 @!p0 $0xF7A, s2;
	p2 =	seq.s32 @!p0 s5, $0x0  }
0x1f: {  	s9 =	smul.u32 $0xF7A, s1;
	s8 =	simm.s32 @!p0 $0x1BF5;
	p2 =	por !p2, p0  }
0x20: {  	[sflag:s8] =	ssyncset.s32 @!p0 $0xFFFFF086;
	s6 =	sadd.s32 @!p0 s3, s7;
	s7 =	simm.s32 @!p0 $0x108  }
0x21: {  	s3 =	sadd.s32 s3, s9;
	s6 =	sadd.s32 @!p0 $0x88, s6;
	s7 =	simm.s32 @p2 $0x1082  }
0x22: {  	[simem:s7], [sflag:s8] =	dma.local @!p0 [hbm:s6], $0xF7A  }
0x23: {  	s9 =	sor.u32 $0xD0000000, s2;
	s6 =	simm.s32 $0x108;
	_ =	swait.ge @!p0 [sflag:s8], $0x0  }
0x24: {  	s3 =	sadd.s32 $0x88, s3;
	s6 =	simm.s32 @!p1 $0x1082;
	[sflag:s4] =	ssyncset.s32 $0xFFFFF086  }
0x25: {  	[simem:s6], [sflag:s4] =	dma.local [hbm:s3], $0xF7A  }
0x26: {  	[smem:$0x3F9F] =	sst s1;
	(tag) =	ssettag s2;
	_ =	strace s9  }
0x27: {  	s1 =	sld [smem:$0x3FAF]  }
0x28: {  	s2 =	sld [smem:$0x3FB0]  }
0x29: {  	s4 =	sld [smem:$0x3FB2]  }
0x2a: {  	p0 =	seq.s32 s5, $0x0;
	s5 =	sld [smem:$0x3FB3]  }
0x2b: {  	s6 =	sld [smem:$0x3FB4]  }
0x2c: {  	s7 =	sld [smem:$0x3FB5]  }
0x2d: {  	s3 =	simm.s32 $0x108;
	s8 =	sld [smem:$0x3FB6]  }
0x2e: {  	s3 =	simm.s32 @!p0 $0x1082;
	s9 =	sld [smem:$0x3FB7]  }
0x2f: {  	lr =	sadd.s32 s0, s3;
	s0 =	sld [smem:$0x3FAE]  }
0x30: {  	s3 =	sld [smem:$0x3FB1]  }
0x31: {  	[smem:$0x3FBA] =	sst s10  }
0x32: {  	s10 =	sld [smem:$0x3FB8];
	_ =	sdelay $0x3  }
0x33: {  	p0 =	seq.s32 s10, $0x1;
	s10 =	sld [smem:$0x3FBA];
	_ =	sdelay $0x3  }
0x34: {  	[smem:$0x3FBA] =	sst s10  }
0x35: {  	s10 =	sld [smem:$0x3FB9];
	_ =	sdelay $0x3  }
0x36: {  	p1 =	seq.s32 s10, $0x1;
	s10 =	sld [smem:$0x3FBA];
	_ =	sdelay $0x3  }
0x37: {  	[smem:$0x3FBA] =	sst s10  }
0x38: {  	s10 =	sld [smem:$0x3FBB]  }
0x39: {  	_ = 	snop;
	(pc) =	sbr.ind lr, $3  }
0x3a: {  	_ = 	snop  }
0x3b: {  	_ = 	snop  }
0x3c: {  	p2 =	seq.s32 s10, $0x1;
	s10 =	sld [smem:$0x3FBA]  }
0x3d: {  	_ =	shalt  }
0x3e: {  	_ =	shalt  }
0x3f: {  	_ =	shalt  }
0x40: {  	_ =	shalt  }
0x41: {  	_ =	shalt  }
0x42: {  	_ =	shalt  }
0x43: {  	_ =	shalt  }
0x44: {  	_ =	shalt  }
0x45: {  	_ =	shalt  }
0x46: {  	_ =	shalt  }
0x47: {  	_ =	shalt  }
0x48: {  	_ =	shalt  }
0x49: {  	_ =	shalt  }
0x4a: {  	_ =	shalt  }
0x4b: {  	_ =	shalt  }
0x4c: {  	_ =	shalt  }
0x4d: {  	_ =	shalt  }
0x4e: {  	_ =	shalt  }
0x4f: {  	_ =	shalt  }
0x50: {  	_ =	shalt  }
0x51: {  	_ =	shalt  }
0x52: {  	_ =	shalt  }
0x53: {  	_ =	shalt  }
0x54: {  	_ =	shalt  }
0x55: {  	_ =	shalt  }
0x56: {  	_ =	shalt  }
0x57: {  	_ =	shalt  }
0x58: {  	_ =	shalt  }
0x59: {  	_ =	shalt  }
0x5a: {  	_ =	shalt  }
0x5b: {  	_ =	shalt  }
0x5c: {  	_ =	shalt  }
0x5d: {  	_ =	shalt  }
0x5e: {  	_ =	shalt  }
0x5f: {  	_ =	shalt  }
0x60: {  	_ =	shalt  }
0x61: {  	_ =	shalt  }
0x62: {  	_ =	shalt  }
0x63: {  	_ =	shalt  }
0x64: {  	_ =	shalt  }
0x65: {  	_ =	shalt  }
0x66: {  	_ =	shalt  }
0x67: {  	_ =	shalt  }
0x68: {  	_ =	shalt  }
0x69: {  	_ =	shalt  }
0x6a: {  	_ =	shalt  }
0x6b: {  	_ =	shalt  }
0x6c: {  	_ =	shalt  }
0x6d: {  	_ =	shalt  }
0x6e: {  	_ =	shalt  }
0x6f: {  	_ =	shalt  }
0x70: {  	_ =	shalt  }
0x71: {  	_ =	shalt  }
0x72: {  	_ =	shalt  }
0x73: {  	_ =	shalt  }
0x74: {  	_ =	shalt  }
0x75: {  	_ =	shalt  }
0x76: {  	_ =	shalt  }
0x77: {  	_ =	shalt  }
0x78: {  	_ =	shalt  }
0x79: {  	_ =	shalt  }
0x7a: {  	_ =	shalt  }
0x7b: {  	_ =	shalt  }
0x7c: {  	_ =	shalt  }
0x7d: {  	_ =	shalt  }
0x7e: {  	_ =	shalt  }
0x7f: {  	_ =	shalt  }
0x80: {  	_ =	shalt  }
0x81: {  	_ =	shalt  }
0x82: {  	_ =	shalt  }
0x83: {  	_ =	shalt  }
0x84: {  	_ =	shalt  }
0x85: {  	_ =	shalt  }
0x86: {  	_ =	shalt  }
0x87: {  	_ =	shalt  }
.Lfunc_end0:
.L_simem_size_0:
called_computation_lowered:
.L_overlay_start_0:
0x88: {  	s2 =	sld [smem:$0x3FD9]  }
0x89: {  	s3 =	sld [smem:$0x3FFE];
	_ =	sdelay $0x1  }
0x8a: {  	s1 =	srdreg.scid  }
0x8b: {  	s0 =	sand.u32 $0x1, s1  }
0x8c: {  	s17 =	sshll.u32 s0, $0xA;
	s2 =	sadd.s32 s3, s2  }
0x8d: {  	s2 =	sadd.s32 s2, s17  }
0x8e: {  	[smem:$0x3FC6] =	sst s2  }
0x8f: {  	_ = 	snop  }
0x90: {  	s2 =	sld [smem:$0x3FC8]  }
0x91: {  	s18 =	sld [smem:$0x3FD0];
	(tm) =	ssettm $0x1  }
0x92: {  	s4 =	sld [smem:$0x3FFB];
	_ =	sdelay $0x3  }
0x93: {  	_ =	strace s4  }
0x94: {  	s4 =	sld [smem:$0x3FFC];
	_ =	sdelay $0x3  }
0x95: {  	_ =	strace s4  }
0x96: {  	s4 =	sld [smem:$0x3FFD];
	_ =	sdelay $0x3  }
0x97: {  	_ =	strace s4  }
0x98: {  	_ =	strace $0x8FFFFFFF  }
0x99: {  	s19 =	sld [smem:$0x3FDB];
	_ =	sdelay $0x1  }
0x9a: {  	s5 =	simm.s32 $_scs_section_size  }
0x9b: {  	s6 =	simm.s32 $_size__tile_overlayer_lowered;
	s7 =	simm.s32 $_tile_overlayer_lowered  }
0x9c: {  	s22 =	simm.s32 $0x1BFF;
	s21 =	sshll.u32 s7, $0x1;
	s4 =	sadd.s32 s5, s19  }
0x9d: {  	s8 =	simm.s32 $0x0;
	s20 =	sshll.u32 s6, $0x1;
	s6 =	sadd.s32 s21, s4  }
0x9e: {  	[timem:s8], [sflag:s22] =	dma.local [hbm:s6], s20  }
0x9f: {  	_ =	swait.ge [sflag:s22], s20  }
0xa0: {  	s5 =	ssub.s32 $0x0, s20;
	[sflag:s22] =	ssyncset.done $0x0  }
0xa1: {  	[sflag:s22] =	ssyncadd.s32 s5;
	_ =	sdelay $0x1  }
0xa2: {  	s23 =	simm.s32 $0x1B8B  }
0xa3: {  	_ =	swait.ge [sflag:s23], $0x1  }
0xa4: {  	[sflag:s23] =	ssyncset.done $0x0  }
0xa5: {  	s25 =	simm.s32 $0x1B8E;
	s24 =	sld [smem:$0x3FFE];
	[sflag:s23] =	ssyncadd.s32 $0xFFFFFFFF  }
0xa6: {  	s26 =	simm.s32 $execute0_lowered;
	[smem:$0x3FD2] =	sst s25  }
0xa7: {  	s6 =	sshll.u32 s26, $0x1;
	_ =	strace $0x80000046;
	[dreg:$0x1] =	wrdreg $0xFFFFFFFF  }
0xa8: {  	s28 =	simm.s32 $_size_execute0_lowered;
	s4 =	sadd.s32 s4, s6;
	[dreg:$0x0] =	wrdreg $0x0  }
0xa9: {  	s6 =	sshll.u32 s28, $0x1;
	[dreg:$0x2] =	wrdreg s4  }
0xaa: {  	[dreg:$0x3] =	wrdreg s6  }
0xab: {  	[dreg:$0x4] =	wrdreg $0xC0  }
0xac: {  	_ =	task [dreg:s8], $0x5FFFF  }
0xad: {  	[dreg:$0x1] =	wrdreg $0xFFFFFFFF  }
0xae: {  	[dreg:$0x0] =	wrdreg $0x60  }
0xaf: {  	[dreg:$0x2] =	wrdreg s18  }
0xb0: {  	[dreg:$0x3] =	wrdreg s2  }
0xb1: {  	[dreg:$0x4] =	wrdreg s24  }
0xb2: {  	[dreg:$0x5] =	wrdreg $0x84000  }
0xb3: {  	[dreg:$0x6] =	wrdreg $0x9  }
0xb4: {  	_ =	task.clear_ibuf [dreg:s8], $0x7FFFF;
	_ =	strace $0x90000046  }
0xb5: {  	s29 =	simm.s32 $0x9;
	_ =	strace $0x80000048  }
0xb6: {  	_ =	swait.ge [sflag:s29], $0x1  }
0xb7: {  	[sflag:s29] =	ssyncadd.s32 $0xFFFFFFFF  }
0xb8: {  	_ =	strace $0x90000048  }
0xb9: {  	_ =	sfence  }
0xba: {  	s30 =	sld [smem:$0x0];
	_ =	sdelay $0x2  }
0xbb: {  	s31 =	sshll.u32 s1, $0xD;
	s1 =	sshrl.u32 s1, $0x2  }
0xbc: {  	s3 =	sand.u32 $0x4000, s31;
	s1 =	sadd.s32 s1, s30  }
0xbd: {  	s0 =	sor.u32 s3, s0;
	s1 =	sshll.u32 s1, $0x11  }
0xbe: {  	s0 =	sor.u32 s1, s0  }
0xbf: {  	s0 =	sadd.s32 $0x8F2B, s0  }
0xc0: {  	[sflag:s0] =	ssyncadd.remote.s32 $0x1  }
0xc1: {  	_ =	sfence.sel $0xFFFF  }
0xc2: {  	[dreg:$0x0] =	wrdreg $0xFFFFFFFF;
	(pc) =	sbr.abs _section_cstart, $3  }
0xc3: {  	[dreg:$0x1] =	wrdreg $0xFFFFFFFF  }
0xc4: {  	_ =	task.clear_ibuf [dreg:s8], $0x2FFFF;
	_ =	strace $0x9FFFFFFF  }
0xc5: {  	(tm) =	ssettm $0x7FFFFFFF  }
tec
execute0_lowered:
.L_overlay_start_1:
0x0: {  	(tag) =	ssettag $0x1  }
0x1: {  	s0 =	rddreg [dreg:$0x0]  }
0x2: {  	s10 =	rddreg [dreg:$0x1]  }
0x3: {  	s1 =	rddreg [dreg:$0x2]  }
0x4: {  	s2 =	rddreg [dreg:$0x3];
	s4 =	simm.s32 $0x0  }
0x5: {  	[smem:$0x7FF] =	sst s4;
	s29 =	sadd.s32 $0x5200, s1  }
0x6: {  	s12 =	sadd.s32 $0x13C60, s1;
	_ =	strace $0x80000047;
	[dreg:$0x7] =	wrdreg s29  }
0x7: {  	s13 =	sadd.s32 $0x18A80, s1;
	[dreg:$0xa] =	wrdreg s12  }
0x8: {  	s3 =	srdreg.scid;
	s14 =	sadd.s32 $0x1D8A0, s1;
	[dreg:$0xb] =	wrdreg s13  }
0x9: {  	s11 =	stileid.u32;
	s15 =	sadd.s32 $0x226C0, s1;
	[dreg:$0xc] =	wrdreg s14  }
0xa: {  	s30 =	simm.s32 $0x2;
	s16 =	sadd.s32 $0x274E0, s1;
	[dreg:$0xd] =	wrdreg s15  }
0xb: {  	s31 =	simm.s32 $0x80;
	s17 =	sadd.s32 $0x2C300, s1;
	[dreg:$0xe] =	wrdreg s16  }
0xc: {  	s5 =	sand.u32 $0x1, s3;
	s18 =	sadd.s32 $0x31120, s1;
	[dreg:$0xf] =	wrdreg s17  }
0xd: {  	s7 =	smul.u32 $0x2710, s11;
	s19 =	sadd.s32 $0x35F40, s1;
	[dreg:$0x10] =	wrdreg s18  }
0xe: {  	s6 =	sadd.s32 $0x400, s1;
	s20 =	sadd.s32 $0x3AD60, s1;
	[dreg:$0x11] =	wrdreg s19  }
0xf: {  	s9 =	sshll.u32 s11, $0x6;
	s21 =	sadd.s32 $0x3FB80, s1;
	[dreg:$0x12] =	wrdreg s20  }
0x10: {  	s22 =	sadd.s32 $0x449A0, s1;
	s23 =	sadd.s32 $0x497C0, s1;
	[dreg:$0x13] =	wrdreg s21  }
0x11: {  	s24 =	sadd.s32 $0x4E5E0, s1;
	s28 =	sshll.u32 s11, $0x1;
	[dreg:$0x14] =	wrdreg s22  }
0x12: {  	s11 =	simm.s32 $0x5C00;
	s3 =	ssub.s32 $0x2, s5;
	[dreg:$0x15] =	wrdreg s23  }
0x13: {  	s26 =	sor.u32 $0x1C02, s9;
	s9 =	sadd.s32 $0xEE40, s1;
	[dreg:$0x16] =	wrdreg s24  }
0x14: {  	s29 =	sadd.s32 $0x4E00, s10;
	s10 =	simm.s32 $0x5800;
	s12 =	simm.s32 $0x6000  }
0x15: {  	s13 =	simm.s32 $0x6400;
	s14 =	simm.s32 $0x6800;
	s15 =	simm.s32 $0x6C00  }
0x16: {  	s16 =	simm.s32 $0x7000;
	s17 =	simm.s32 $0x7400;
	s18 =	simm.s32 $0x7800  }
0x17: {  	s19 =	simm.s32 $0x7C00;
	s20 =	simm.s32 $0x8000;
	[dreg:$0x6] =	wrdreg s26  }
0x18: {  	s22 =	simm.s32 $0x0;
	s8 =	sshrl.u32 s3, $0x1;
	[dreg:$0x9] =	wrdreg s9  }
0x19: {  	s25 =	sshrl.u32 s7, $0x3;
	s7 =	sadd.s32 s7, s2;
	[dreg:$0x19] =	wrdreg s29  }
0x1a: {  	s9 =	simm.s32 $0x5400;
	s3 =	ssub.s32 s3, s8;
	s0 =	sadd.s32 s0, s25  }
.Ltmp0:
0x1b: {  	s8 =	sadd.s32 $0xA020, s1;
	[dreg:$0x5] =	wrdreg s0;
	(pc) =	sbr.rel .LBB2_1-.Ltmp0, $4  }
0x1c: {  	s26 =	sshrl.u32 s7, $0x3;
	s1 =	simm.s32 $0x4800;
	[dreg:$0x8] =	wrdreg s8  }
0x1d: {  	s7 =	simm.s32 $0x4C00;
	s25 =	smax.u32 s3, $0x1;
	[dreg:$0x18] =	wrdreg s26  }
0x1e: {  	v0 =	vlaneseq.u32;
	s0 =	simm.s32 $0x400;
	s3 =	simm.s32 $0xC00;
	s26 =	simm.s32 $0x4400  }
0x1f: {  	v0 =	vmul.u32 $0x10, v0;
	s8 =	simm.s32 $0x5000;
	[dreg:$0x17] =	wrdreg s25;
	s25 =	simm.s32 $0x1  }
.LBB2_11:
0x20: {  	s22 =	rddreg [dreg:$0x1a]  }
0x21: {  	s21 =	rddreg [dreg:$0x17];
	s22 =	sadd.s32 $0x1, s22  }
0x22: {  	p0 =	sne.s32 s22, s21  }
.Ltmp1:
0x23: {  	_ = 	snop;
	(pc) =	sbr.rel @!p0 .LBB2_12-.Ltmp1, $1  }
0x24: {  	_ =	sdelay $0x3  }
.LBB2_1:
0x25: {  	[dreg:$0x1a] =	wrdreg s22  }
0x26: {  	s21 =	rddreg [dreg:$0x5]  }
0x27: {  	s29 =	rddreg [dreg:$0x6]  }
0x28: {  	s23 =	rddreg [dreg:$0x18]  }
0x29: {  	[spmem:s23], [sflag:s29] =	dma.local [hbm:s21], $0x4E2  }
.Ltmp2:
0x2a: {  	_ =	swait.ge [sflag:s30], $0x4E2;
	(pc) =	sbr.rel .LBB2_2-.Ltmp2, $4  }
0x2b: {  	[sflag:s30] =	ssyncset.done $0x0  }
0x2c: {  	[sflag:s30] =	ssyncadd.s32 $0xFFFFFB1E  }
0x2d: {  	[bflag:$0x0] =	sbarrier.arrive $0xFFFF  }
0x2e: {  	s21 =	simm.s32 $0x0  }
.LBB2_10:
0x2f: {  	s21 =	sadd.s32 $0x1, s21  }
0x30: {  	p0 =	sne.s32 s21, $0x5  }
.Ltmp3:
0x31: {  	_ = 	snop;
	(pc) =	sbr.rel @!p0 .LBB2_11-.Ltmp3, $1  }
0x32: {  	_ =	sdelay $0x3  }
.LBB2_2:
0x33: {  	s22 =	sshll.u32 s21, $0x5  }
0x34: {  	s22 =	sor.u32 s28, s22  }
0x35: {  	p0 =	sgt.u32 s22, $0x9B  }
.Ltmp4:
0x36: {  	_ = 	snop;
	(pc) =	sbr.rel @p0 .LBB2_6-.Ltmp4, $2  }
0x37: {  	_ =	sdelay $0x2  }
0x38: {  	s22 =	sor.u32 s5, s22  }
0x39: {  	s23 =	sshll.u32 s22, $0x7;
	s24 =	rddreg [dreg:$0x1]  }
0x3a: {  	s29 =	simm.s32 $0x0;
	s24 =	sadd.s32 s24, s23  }
0x3b: {  	[tilespmem:s29], [sflag:$0x2] =	stream.linear.gather [hbm4b:s24+s29], $0x400, $0x38;
	[tilespmem:$0xAB10] =	vst v63  }
0x3c: {  	_ =	swait.ge [sflag:s30], $0x400  }
0x3d: {  	[sflag:s30] =	ssyncset.done $0x0  }
0x3e: {  	[sflag:s30] =	ssyncadd.s32 $0xFFFFFC00  }
0x3f: {  	[tilespmem:s0], [sflag:$0x1] =	stream.indirect.gather [spmem:s2], $0x10, s29, s31, $0xb8;
	[tilespmem:$0xAB10] =	vst v63  }
0x40: {  	_ = 	snop  }
0x41: {  	[tilespmem:s3], [sflag:$0x1] =	stream.indirect.gather [spmem:s2], $0x10, s31, s31, $0xb8;
	[tilespmem:$0xAB10] =	vst v63  }
0x42: {  	s24 =	simm.s32 $0x100;
	s3 =	simm.s32 $0x1400  }
0x43: {  	[tilespmem:s3], [sflag:$0x1] =	stream.indirect.gather [spmem:s2], $0x10, s24, s31, $0xb8;
	[tilespmem:$0xAB10] =	vst v63  }
0x44: {  	s3 =	simm.s32 $0x180;
	s24 =	simm.s32 $0x1C00  }
0x45: {  	[tilespmem:s24], [sflag:$0x1] =	stream.indirect.gather [spmem:s2], $0x10, s3, s31, $0xb8;
	[tilespmem:$0xAB10] =	vst v63  }
0x46: {  	s3 =	simm.s32 $0x200;
	s24 =	simm.s32 $0x2400  }
0x47: {  	[tilespmem:s24], [sflag:$0x1] =	stream.indirect.gather [spmem:s2], $0x10, s3, s31, $0xb8;
	[tilespmem:$0xAB10] =	vst v63  }
0x48: {  	s3 =	simm.s32 $0x280;
	s24 =	simm.s32 $0x2C00  }
0x49: {  	[tilespmem:s24], [sflag:$0x1] =	stream.indirect.gather [spmem:s2], $0x10, s3, s31, $0xb8;
	[tilespmem:$0xAB10] =	vst v63  }
0x4a: {  	s3 =	simm.s32 $0x300;
	s24 =	simm.s32 $0x3400  }
0x4b: {  	[tilespmem:s24], [sflag:$0x1] =	stream.indirect.gather [spmem:s2], $0x10, s3, s31, $0xb8;
	[tilespmem:$0xAB10] =	vst v63  }
0x4c: {  	s3 =	simm.s32 $0x380;
	s24 =	simm.s32 $0x3C00  }
0x4d: {  	[tilespmem:s24], [sflag:$0x1] =	stream.indirect.gather [spmem:s2], $0x10, s3, s31, $0xb8;
	[tilespmem:$0xAB10] =	vst v63  }
0x4e: {  	_ =	swait.ge [sflag:s25], $0x800  }
0x4f: {  	[sflag:s25] =	ssyncset.done $0x0  }
0x50: {  	[sflag:s25] =	ssyncadd.s32 $0xFFFFF800  }
0x51: {  	_ =	swait.ge [sflag:s25], $0x800  }
0x52: {  	[sflag:s25] =	ssyncset.done $0x0  }
0x53: {  	[sflag:s25] =	ssyncadd.s32 $0xFFFFF800  }
0x54: {  	_ =	swait.ge [sflag:s25], $0x800  }
0x55: {  	[sflag:s25] =	ssyncset.done $0x0  }
0x56: {  	[sflag:s25] =	ssyncadd.s32 $0xFFFFF800  }
0x57: {  	_ =	swait.ge [sflag:s25], $0x800  }
0x58: {  	[sflag:s25] =	ssyncset.done $0x0  }
0x59: {  	[sflag:s25] =	ssyncadd.s32 $0xFFFFF800  }
0x5a: {  	_ =	swait.ge [sflag:s25], $0x800  }
0x5b: {  	[sflag:s25] =	ssyncset.done $0x0  }
0x5c: {  	[sflag:s25] =	ssyncadd.s32 $0xFFFFF800  }
0x5d: {  	_ =	swait.ge [sflag:s25], $0x800  }
0x5e: {  	[sflag:s25] =	ssyncset.done $0x0  }
0x5f: {  	v1 =	vmov s29;
	[sflag:s25] =	ssyncadd.s32 $0xFFFFF800  }
0x60: {  	v1 =	vshll.u32 v1, $0x4;
	_ =	swait.ge [sflag:s25], $0x800  }
0x61: {  	v1 =	vor.u32 v0, v1;
	[sflag:s25] =	ssyncset.done $0x0  }
0x62: {  	[sflag:s25] =	ssyncadd.s32 $0xFFFFF800  }
0x63: {  	_ =	swait.ge [sflag:s25], $0x800  }
0x64: {  	[sflag:s25] =	ssyncset.done $0x0  }
0x65: {  	[sflag:s25] =	ssyncadd.s32 $0xFFFFF800  }
0x66: {  	v2 =	vld.idx.msk [tilespmem:v1+s0+$0x0], $0xffff  }
0x67: {  	v3 =	vor.u32 $0x1, v1;
	_ =	sdelay $0x2  }
0x68: {  	s24 =	simm.s32 $0x6400  }
0x69: {  	[tilespmem:s24+$0xFFFFE000] =	vst v2  }
0x6a: {  	v2 =	vld.idx.msk [tilespmem:v3+s0+$0x0], $0xffff  }
0x6b: {  	v3 =	vor.u32 $0x2, v1;
	_ =	sdelay $0x3  }
0x6c: {  	[tilespmem:s24+$0xFFFFE400] =	vst v2  }
0x6d: {  	v2 =	vld.idx.msk [tilespmem:v3+s0+$0x0], $0xffff  }
0x6e: {  	v3 =	vor.u32 $0x3, v1;
	_ =	sdelay $0x3  }
0x6f: {  	[tilespmem:s24+$0xFFFFE800] =	vst v2  }
0x70: {  	v2 =	vld.idx.msk [tilespmem:v3+s0+$0x0], $0xffff  }
0x71: {  	v3 =	vor.u32 $0x4, v1;
	_ =	sdelay $0x3  }
0x72: {  	[tilespmem:s24+$0xFFFFEC00] =	vst v2  }
0x73: {  	v2 =	vld.idx.msk [tilespmem:v3+s0+$0x0], $0xffff  }
0x74: {  	v3 =	vor.u32 $0x5, v1;
	_ =	sdelay $0x3  }
0x75: {  	[tilespmem:s24+$0xFFFFF000] =	vst v2  }
0x76: {  	v2 =	vld.idx.msk [tilespmem:v3+s0+$0x0], $0xffff  }
0x77: {  	v3 =	vor.u32 $0x6, v1;
	_ =	sdelay $0x3  }
0x78: {  	[tilespmem:s24+$0xFFFFF400] =	vst v2  }
0x79: {  	v2 =	vld.idx.msk [tilespmem:v3+s0+$0x0], $0xffff  }
0x7a: {  	v3 =	vor.u32 $0x7, v1;
	_ =	sdelay $0x3  }
0x7b: {  	[tilespmem:s24+$0xFFFFF800] =	vst v2  }
0x7c: {  	v2 =	vld.idx.msk [tilespmem:v3+s0+$0x0], $0xffff  }
0x7d: {  	v3 =	vor.u32 $0x8, v1;
	_ =	sdelay $0x3  }
0x7e: {  	[tilespmem:s24+$0xFFFFFC00] =	vst v2  }
0x7f: {  	v2 =	vld.idx.msk [tilespmem:v3+s0+$0x0], $0xffff  }
0x80: {  	v3 =	vor.u32 $0x9, v1;
	_ =	sdelay $0x3  }
0x81: {  	[tilespmem:s24+$0x0] =	vst v2  }
0x82: {  	v2 =	vld.idx.msk [tilespmem:v3+s0+$0x0], $0xffff  }
0x83: {  	v3 =	vor.u32 $0xA, v1;
	_ =	sdelay $0x3  }
0x84: {  	[tilespmem:s24+$0x400] =	vst v2  }
0x85: {  	v2 =	vld.idx.msk [tilespmem:v3+s0+$0x0], $0xffff  }
0x86: {  	v3 =	vor.u32 $0xB, v1;
	_ =	sdelay $0x3  }
0x87: {  	[tilespmem:s24+$0x800] =	vst v2  }
0x88: {  	v2 =	vld.idx.msk [tilespmem:v3+s0+$0x0], $0xffff  }
0x89: {  	v3 =	vor.u32 $0xC, v1;
	_ =	sdelay $0x3  }
0x8a: {  	[tilespmem:s24+$0xC00] =	vst v2  }
0x8b: {  	v2 =	vld.idx.msk [tilespmem:v3+s0+$0x0], $0xffff  }
0x8c: {  	v3 =	vor.u32 $0xD, v1;
	_ =	sdelay $0x3  }
0x8d: {  	[tilespmem:s24+$0x1000] =	vst v2  }
0x8e: {  	v2 =	vld.idx.msk [tilespmem:v3+s0+$0x0], $0xffff  }
0x8f: {  	v3 =	vor.u32 $0xE, v1;
	_ =	sdelay $0x3  }
0x90: {  	[tilespmem:s24+$0x1400] =	vst v2  }
0x91: {  	v2 =	vld.idx.msk [tilespmem:v3+s0+$0x0], $0xffff  }
0x92: {  	v3 =	vor.u32 $0xF, v1;
	_ =	sdelay $0x3  }
0x93: {  	s29 =	simm.s32 $0x10;
	[tilespmem:s24+$0x1800] =	vst v2  }
0x94: {  	v1 =	vmov s29;
	s29 =	simm.s32 $0x20;
	v2 =	vld.idx.msk [tilespmem:v3+s0+$0x0], $0xffff  }
.LBB2_4:
0x95: {  	p0 =	sne.s32 s29, $0x3F0;
	v1 =	vshll.u32 v1, $0x4  }
0x96: {  	v1 =	vor.u32 v0, v1;
	_ =	sdelay $0x3  }
0x97: {  	[tilespmem:s24+$0x1C00] =	vst v2  }
0x98: {  	v2 =	vld.idx.msk [tilespmem:v1+s0+$0x0], $0xffff;
	_ =	sdelay $0x1  }
0x99: {  	v3 =	vor.u32 $0x1, v1;
	_ =	sdelay $0x2  }
0x9a: {  	s24 =	sadd.s32 $0x10, s24  }
0x9b: {  	[tilespmem:s24+$0xFFFFE000] =	vst v2  }
0x9c: {  	v2 =	vld.idx.msk [tilespmem:v3+s0+$0x0], $0xffff;
	_ =	sdelay $0x1  }
0x9d: {  	v3 =	vor.u32 $0x2, v1;
	_ =	sdelay $0x3  }
0x9e: {  	[tilespmem:s24+$0xFFFFE400] =	vst v2  }
0x9f: {  	v2 =	vld.idx.msk [tilespmem:v3+s0+$0x0], $0xffff;
	_ =	sdelay $0x1  }
0xa0: {  	v3 =	vor.u32 $0x3, v1;
	_ =	sdelay $0x3  }
0xa1: {  	[tilespmem:s24+$0xFFFFE800] =	vst v2  }
0xa2: {  	v2 =	vld.idx.msk [tilespmem:v3+s0+$0x0], $0xffff;
	_ =	sdelay $0x1  }
0xa3: {  	v3 =	vor.u32 $0x4, v1;
	_ =	sdelay $0x3  }
0xa4: {  	[tilespmem:s24+$0xFFFFEC00] =	vst v2  }
0xa5: {  	v2 =	vld.idx.msk [tilespmem:v3+s0+$0x0], $0xffff;
	_ =	sdelay $0x1  }
0xa6: {  	v3 =	vor.u32 $0x5, v1;
	_ =	sdelay $0x3  }
0xa7: {  	[tilespmem:s24+$0xFFFFF000] =	vst v2  }
0xa8: {  	v2 =	vld.idx.msk [tilespmem:v3+s0+$0x0], $0xffff;
	_ =	sdelay $0x1  }
0xa9: {  	v3 =	vor.u32 $0x6, v1;
	_ =	sdelay $0x3  }
0xaa: {  	[tilespmem:s24+$0xFFFFF400] =	vst v2  }
0xab: {  	v2 =	vld.idx.msk [tilespmem:v3+s0+$0x0], $0xffff;
	_ =	sdelay $0x1  }
0xac: {  	v3 =	vor.u32 $0x7, v1;
	_ =	sdelay $0x3  }
0xad: {  	[tilespmem:s24+$0xFFFFF800] =	vst v2  }
0xae: {  	v2 =	vld.idx.msk [tilespmem:v3+s0+$0x0], $0xffff;
	_ =	sdelay $0x1  }
0xaf: {  	v3 =	vor.u32 $0x8, v1;
	_ =	sdelay $0x3  }
0xb0: {  	[tilespmem:s24+$0xFFFFFC00] =	vst v2  }
0xb1: {  	v2 =	vld.idx.msk [tilespmem:v3+s0+$0x0], $0xffff;
	_ =	sdelay $0x1  }
0xb2: {  	v3 =	vor.u32 $0x9, v1;
	_ =	sdelay $0x3  }
0xb3: {  	[tilespmem:s24+$0x0] =	vst v2  }
0xb4: {  	v2 =	vld.idx.msk [tilespmem:v3+s0+$0x0], $0xffff;
	_ =	sdelay $0x1  }
0xb5: {  	v3 =	vor.u32 $0xA, v1;
	_ =	sdelay $0x3  }
0xb6: {  	[tilespmem:s24+$0x400] =	vst v2  }
0xb7: {  	v2 =	vld.idx.msk [tilespmem:v3+s0+$0x0], $0xffff;
	_ =	sdelay $0x1  }
0xb8: {  	v3 =	vor.u32 $0xB, v1;
	_ =	sdelay $0x3  }
0xb9: {  	[tilespmem:s24+$0x800] =	vst v2  }
0xba: {  	v2 =	vld.idx.msk [tilespmem:v3+s0+$0x0], $0xffff;
	_ =	sdelay $0x1  }
0xbb: {  	v3 =	vor.u32 $0xC, v1;
	_ =	sdelay $0x3  }
0xbc: {  	[tilespmem:s24+$0xC00] =	vst v2  }
0xbd: {  	v2 =	vld.idx.msk [tilespmem:v3+s0+$0x0], $0xffff;
	_ =	sdelay $0x1  }
0xbe: {  	v3 =	vor.u32 $0xD, v1;
	_ =	sdelay $0x3  }
0xbf: {  	[tilespmem:s24+$0x1000] =	vst v2  }
0xc0: {  	v2 =	vld.idx.msk [tilespmem:v3+s0+$0x0], $0xffff;
	_ =	sdelay $0x1  }
0xc1: {  	v3 =	vor.u32 $0xE, v1;
	_ =	sdelay $0x3  }
0xc2: {  	[tilespmem:s24+$0x1400] =	vst v2  }
0xc3: {  	v2 =	vld.idx.msk [tilespmem:v3+s0+$0x0], $0xffff;
	_ =	sdelay $0x1  }
0xc4: {  	v3 =	vor.u32 $0xF, v1  }
.Ltmp5:
0xc5: {  	(pc) =	sbr.rel @p0 .LBB2_4-.Ltmp5, $3  }
0xc6: {  	_ =	sdelay $0x1  }
0xc7: {  	[tilespmem:s24+$0x1800] =	vst v2  }
0xc8: {  	v1 =	vmov s29;
	s29 =	sadd.s32 $0x10, s29;
	v2 =	vld.idx.msk [tilespmem:v3+s0+$0x0], $0xffff  }
0xc9: {  	v1 =	vshll.u32 v1, $0x4  }
0xca: {  	v1 =	vor.u32 v0, v1;
	_ =	sdelay $0x3  }
0xcb: {  	[tilespmem:s24+$0x1C00] =	vst v2  }
0xcc: {  	v2 =	vld.idx.msk [tilespmem:v1+s0+$0x0], $0xffff  }
0xcd: {  	v3 =	vor.u32 $0x1, v1;
	_ =	sdelay $0x2  }
0xce: {  	s29 =	sadd.s32 $0x10, s24  }
0xcf: {  	[tilespmem:s29+$0xFFFFE000] =	vst v2  }
0xd0: {  	v2 =	vld.idx.msk [tilespmem:v3+s0+$0x0], $0xffff  }
0xd1: {  	v3 =	vor.u32 $0x2, v1;
	_ =	sdelay $0x3  }
0xd2: {  	[tilespmem:s29+$0xFFFFE400] =	vst v2  }
0xd3: {  	v2 =	vld.idx.msk [tilespmem:v3+s0+$0x0], $0xffff  }
0xd4: {  	v3 =	vor.u32 $0x3, v1;
	_ =	sdelay $0x3  }
0xd5: {  	[tilespmem:s29+$0xFFFFE800] =	vst v2  }
0xd6: {  	v2 =	vld.idx.msk [tilespmem:v3+s0+$0x0], $0xffff  }
0xd7: {  	v3 =	vor.u32 $0x4, v1;
	_ =	sdelay $0x3  }
0xd8: {  	[tilespmem:s29+$0xFFFFEC00] =	vst v2  }
0xd9: {  	v2 =	vld.idx.msk [tilespmem:v3+s0+$0x0], $0xffff  }
0xda: {  	v3 =	vor.u32 $0x5, v1;
	_ =	sdelay $0x3  }
0xdb: {  	[tilespmem:s29+$0xFFFFF000] =	vst v2  }
0xdc: {  	v2 =	vld.idx.msk [tilespmem:v3+s0+$0x0], $0xffff  }
0xdd: {  	v3 =	vor.u32 $0x6, v1;
	_ =	sdelay $0x3  }
0xde: {  	[tilespmem:s29+$0xFFFFF400] =	vst v2  }
0xdf: {  	v2 =	vld.idx.msk [tilespmem:v3+s0+$0x0], $0xffff  }
0xe0: {  	v3 =	vor.u32 $0x7, v1;
	_ =	sdelay $0x3  }
0xe1: {  	[tilespmem:s29+$0xFFFFF800] =	vst v2  }
0xe2: {  	v2 =	vld.idx.msk [tilespmem:v3+s0+$0x0], $0xffff  }
0xe3: {  	v3 =	vor.u32 $0x8, v1;
	_ =	sdelay $0x3  }
0xe4: {  	[tilespmem:s29+$0xFFFFFC00] =	vst v2  }
0xe5: {  	v2 =	vld.idx.msk [tilespmem:v3+s0+$0x0], $0xffff  }
0xe6: {  	v3 =	vor.u32 $0x9, v1;
	_ =	sdelay $0x3  }
0xe7: {  	[tilespmem:s29+$0x0] =	vst v2  }
0xe8: {  	v2 =	vld.idx.msk [tilespmem:v3+s0+$0x0], $0xffff  }
0xe9: {  	v3 =	vor.u32 $0xA, v1;
	_ =	sdelay $0x3  }
0xea: {  	[tilespmem:s29+$0x400] =	vst v2  }
0xeb: {  	v2 =	vld.idx.msk [tilespmem:v3+s0+$0x0], $0xffff  }
0xec: {  	v3 =	vor.u32 $0xB, v1;
	_ =	sdelay $0x3  }
0xed: {  	[tilespmem:s29+$0x800] =	vst v2  }
0xee: {  	v2 =	vld.idx.msk [tilespmem:v3+s0+$0x0], $0xffff  }
0xef: {  	v3 =	vor.u32 $0xC, v1;
	_ =	sdelay $0x3  }
0xf0: {  	[tilespmem:s29+$0xC00] =	vst v2  }
0xf1: {  	v2 =	vld.idx.msk [tilespmem:v3+s0+$0x0], $0xffff  }
0xf2: {  	v3 =	vor.u32 $0xD, v1;
	_ =	sdelay $0x3  }
0xf3: {  	[tilespmem:s29+$0x1000] =	vst v2  }
0xf4: {  	v2 =	vld.idx.msk [tilespmem:v3+s0+$0x0], $0xffff  }
0xf5: {  	v3 =	vor.u32 $0xE, v1;
	_ =	sdelay $0x3  }
0xf6: {  	[tilespmem:s29+$0x1400] =	vst v2  }
0xf7: {  	v2 =	vld.idx.msk [tilespmem:v3+s0+$0x0], $0xffff  }
0xf8: {  	v1 =	vor.u32 $0xF, v1;
	_ =	sdelay $0x3  }
0xf9: {  	[tilespmem:s29+$0x1800] =	vst v2  }
0xfa: {  	v1 =	vld.idx.msk [tilespmem:v1+s0+$0x0], $0xffff;
	_ =	sdelay $0x4  }
0xfb: {  	s3 =	sadd.s32 s6, s23;
	[tilespmem:s29+$0x1C00] =	vst v1;
	s29 =	sand.u32 $0x1FFFFF80, s23  }
0xfc: {  	[hbm4b:s3+s4] =	stream.linear.scatter [tilespmem:s26], [sflag:$0x1], $0x400, $0x38;
	[tilespmem:$0xAB10] =	vst v63  }
0xfd: {  	s23 =	sadd.s32 s6, s29  }
0xfe: {  	s3 =	sadd.s32 $0x4E20, s23  }
0xff: {  	[hbm4b:s3+s4] =	stream.linear.scatter [tilespmem:s1], [sflag:$0x1], $0x400, $0x38;
	[tilespmem:$0xAB10] =	vst v63  }
0x100: {  	s29 =	sadd.s32 $0x9C40, s23  }
0x101: {  	[hbm4b:s29+s4] =	stream.linear.scatter [tilespmem:s7], [sflag:$0x1], $0x400, $0x38;
	[tilespmem:$0xAB10] =	vst v63  }
0x102: {  	s3 =	sadd.s32 $0xEA60, s23  }
0x103: {  	[hbm4b:s3+s4] =	stream.linear.scatter [tilespmem:s8], [sflag:$0x1], $0x400, $0x38;
	[tilespmem:$0xAB10] =	vst v63  }
0x104: {  	s29 =	sadd.s32 $0x13880, s23  }
0x105: {  	[hbm4b:s29+s4] =	stream.linear.scatter [tilespmem:s9], [sflag:$0x1], $0x400, $0x38;
	[tilespmem:$0xAB10] =	vst v63  }
0x106: {  	s3 =	sadd.s32 $0x186A0, s23  }
0x107: {  	[hbm4b:s3+s4] =	stream.linear.scatter [tilespmem:s10], [sflag:$0x1], $0x400, $0x38;
	[tilespmem:$0xAB10] =	vst v63  }
0x108: {  	s29 =	sadd.s32 $0x1D4C0, s23  }
0x109: {  	[hbm4b:s29+s4] =	stream.linear.scatter [tilespmem:s11], [sflag:$0x1], $0x400, $0x38;
	[tilespmem:$0xAB10] =	vst v63  }
0x10a: {  	s3 =	sadd.s32 $0x222E0, s23  }
0x10b: {  	[hbm4b:s3+s4] =	stream.linear.scatter [tilespmem:s12], [sflag:$0x1], $0x400, $0x38;
	[tilespmem:$0xAB10] =	vst v63  }
0x10c: {  	s29 =	sadd.s32 $0x27100, s23  }
0x10d: {  	[hbm4b:s29+s4] =	stream.linear.scatter [tilespmem:s13], [sflag:$0x1], $0x400, $0x38;
	[tilespmem:$0xAB10] =	vst v63  }
0x10e: {  	s3 =	sadd.s32 $0x2BF20, s23  }
0x10f: {  	[hbm4b:s3+s4] =	stream.linear.scatter [tilespmem:s14], [sflag:$0x1], $0x400, $0x38;
	[tilespmem:$0xAB10] =	vst v63  }
0x110: {  	s29 =	sadd.s32 $0x30D40, s23  }
0x111: {  	[hbm4b:s29+s4] =	stream.linear.scatter [tilespmem:s15], [sflag:$0x1], $0x400, $0x38;
	[tilespmem:$0xAB10] =	vst v63  }
0x112: {  	s3 =	sadd.s32 $0x35B60, s23  }
0x113: {  	[hbm4b:s3+s4] =	stream.linear.scatter [tilespmem:s16], [sflag:$0x1], $0x400, $0x38;
	[tilespmem:$0xAB10] =	vst v63  }
0x114: {  	s29 =	sadd.s32 $0x3A980, s23  }
0x115: {  	[hbm4b:s29+s4] =	stream.linear.scatter [tilespmem:s17], [sflag:$0x1], $0x400, $0x38;
	[tilespmem:$0xAB10] =	vst v63  }
0x116: {  	s3 =	sadd.s32 $0x3F7A0, s23  }
0x117: {  	[hbm4b:s3+s4] =	stream.linear.scatter [tilespmem:s18], [sflag:$0x1], $0x400, $0x38;
	[tilespmem:$0xAB10] =	vst v63  }
0x118: {  	s29 =	sadd.s32 $0x445C0, s23  }
0x119: {  	[hbm4b:s29+s4] =	stream.linear.scatter [tilespmem:s19], [sflag:$0x1], $0x400, $0x38;
	[tilespmem:$0xAB10] =	vst v63  }
0x11a: {  	s23 =	sadd.s32 $0x493E0, s23  }
0x11b: {  	[hbm4b:s23+s4] =	stream.linear.scatter [tilespmem:s20], [sflag:$0x1], $0x400, $0x38;
	[tilespmem:$0xAB10] =	vst v63  }
0x11c: {  	_ =	swait.ge [sflag:s25], $0x400  }
0x11d: {  	[sflag:s25] =	ssyncset.done $0x0  }
0x11e: {  	[sflag:s25] =	ssyncadd.s32 $0xFFFFFC00  }
0x11f: {  	_ =	swait.ge [sflag:s25], $0x400  }
0x120: {  	[sflag:s25] =	ssyncset.done $0x0  }
0x121: {  	[sflag:s25] =	ssyncadd.s32 $0xFFFFFC00  }
0x122: {  	_ =	swait.ge [sflag:s25], $0x400  }
0x123: {  	[sflag:s25] =	ssyncset.done $0x0  }
0x124: {  	[sflag:s25] =	ssyncadd.s32 $0xFFFFFC00  }
0x125: {  	_ =	swait.ge [sflag:s25], $0x400  }
0x126: {  	[sflag:s25] =	ssyncset.done $0x0  }
0x127: {  	[sflag:s25] =	ssyncadd.s32 $0xFFFFFC00  }
0x128: {  	_ =	swait.ge [sflag:s25], $0x400  }
0x129: {  	[sflag:s25] =	ssyncset.done $0x0  }
0x12a: {  	[sflag:s25] =	ssyncadd.s32 $0xFFFFFC00  }
0x12b: {  	_ =	swait.ge [sflag:s25], $0x400  }
0x12c: {  	[sflag:s25] =	ssyncset.done $0x0  }
0x12d: {  	[sflag:s25] =	ssyncadd.s32 $0xFFFFFC00  }
0x12e: {  	_ =	swait.ge [sflag:s25], $0x400  }
0x12f: {  	[sflag:s25] =	ssyncset.done $0x0  }
0x130: {  	[sflag:s25] =	ssyncadd.s32 $0xFFFFFC00  }
0x131: {  	_ =	swait.ge [sflag:s25], $0x400  }
0x132: {  	[sflag:s25] =	ssyncset.done $0x0  }
0x133: {  	[sflag:s25] =	ssyncadd.s32 $0xFFFFFC00  }
0x134: {  	_ =	swait.ge [sflag:s25], $0x400  }
0x135: {  	[sflag:s25] =	ssyncset.done $0x0  }
0x136: {  	[sflag:s25] =	ssyncadd.s32 $0xFFFFFC00  }
0x137: {  	_ =	swait.ge [sflag:s25], $0x400  }
0x138: {  	[sflag:s25] =	ssyncset.done $0x0  }
0x139: {  	[sflag:s25] =	ssyncadd.s32 $0xFFFFFC00  }
0x13a: {  	_ =	swait.ge [sflag:s25], $0x400  }
0x13b: {  	[sflag:s25] =	ssyncset.done $0x0  }
0x13c: {  	[sflag:s25] =	ssyncadd.s32 $0xFFFFFC00  }
0x13d: {  	_ =	swait.ge [sflag:s25], $0x400  }
0x13e: {  	[sflag:s25] =	ssyncset.done $0x0  }
0x13f: {  	[sflag:s25] =	ssyncadd.s32 $0xFFFFFC00  }
0x140: {  	_ =	swait.ge [sflag:s25], $0x400  }
0x141: {  	[sflag:s25] =	ssyncset.done $0x0  }
0x142: {  	[sflag:s25] =	ssyncadd.s32 $0xFFFFFC00  }
0x143: {  	_ =	swait.ge [sflag:s25], $0x400  }
0x144: {  	[sflag:s25] =	ssyncset.done $0x0  }
0x145: {  	[sflag:s25] =	ssyncadd.s32 $0xFFFFFC00  }
0x146: {  	_ =	swait.ge [sflag:s25], $0x400  }
0x147: {  	[sflag:s25] =	ssyncset.done $0x0  }
0x148: {  	[sflag:s25] =	ssyncadd.s32 $0xFFFFFC00  }
0x149: {  	_ =	swait.ge [sflag:s25], $0x400  }
0x14a: {  	[sflag:s25] =	ssyncset.done $0x0  }
0x14b: {  	s3 =	simm.s32 $0xC00;
	[sflag:s25] =	ssyncadd.s32 $0xFFFFFC00  }
.LBB2_6:
0x14c: {  	p0 =	sne.s32 s22, $0x9C  }
.Ltmp6:
0x14d: {  	_ = 	snop;
	(pc) =	sbr.rel @p0 .LBB2_10-.Ltmp6, $1  }
0x14e: {  	_ =	sdelay $0x3  }
0x14f: {  	s22 =	simm.s32 $0x0;
	s23 =	rddreg [dreg:$0x19]  }
0x150: {  	[tilespmem:s22], [sflag:$0x2] =	stream.linear.gather [hbm4b:s23+s22], $0x100, $0x38;
	[tilespmem:$0xAB10] =	vst v63  }
0x151: {  	_ =	swait.ge [sflag:s30], $0x100  }
0x152: {  	[sflag:s30] =	ssyncset.done $0x0  }
0x153: {  	[sflag:s30] =	ssyncadd.s32 $0xFFFFFF00  }
0x154: {  	[tilespmem:s0], [sflag:$0x1] =	stream.indirect.gather [spmem:s2], $0x10, s22, s31, $0xb8;
	[tilespmem:$0xAB10] =	vst v63  }
0x155: {  	_ = 	snop  }
0x156: {  	v1 =	vmov s22;
	[tilespmem:s3], [sflag:$0x1] =	stream.indirect.gather [spmem:s2], $0x10, s31, s31, $0xb8;
	[tilespmem:$0xAB10] =	vst v63  }
0x157: {  	v1 =	vshll.u32 v1, $0x4;
	_ =	swait.ge [sflag:s25], $0x800  }
0x158: {  	v1 =	vor.u32 v0, v1;
	[sflag:s25] =	ssyncset.done $0x0  }
0x159: {  	[sflag:s25] =	ssyncadd.s32 $0xFFFFF800  }
0x15a: {  	_ =	swait.ge [sflag:s25], $0x800  }
0x15b: {  	[sflag:s25] =	ssyncset.done $0x0  }
0x15c: {  	[sflag:s25] =	ssyncadd.s32 $0xFFFFF800  }
0x15d: {  	v2 =	vld.idx.msk [tilespmem:v1+s0+$0x0], $0xffff  }
0x15e: {  	v3 =	vor.u32 $0x1, v1;
	_ =	sdelay $0x2  }
0x15f: {  	s22 =	simm.s32 $0x6400  }
0x160: {  	[tilespmem:s22+$0xFFFFE000] =	vst v2  }
0x161: {  	v2 =	vld.idx.msk [tilespmem:v3+s0+$0x0], $0xffff  }
0x162: {  	v3 =	vor.u32 $0x2, v1;
	_ =	sdelay $0x3  }
0x163: {  	[tilespmem:s22+$0xFFFFE400] =	vst v2  }
0x164: {  	v2 =	vld.idx.msk [tilespmem:v3+s0+$0x0], $0xffff  }
0x165: {  	v3 =	vor.u32 $0x3, v1;
	_ =	sdelay $0x3  }
0x166: {  	[tilespmem:s22+$0xFFFFE800] =	vst v2  }
0x167: {  	v2 =	vld.idx.msk [tilespmem:v3+s0+$0x0], $0xffff  }
0x168: {  	v3 =	vor.u32 $0x4, v1;
	_ =	sdelay $0x3  }
0x169: {  	[tilespmem:s22+$0xFFFFEC00] =	vst v2  }
0x16a: {  	v2 =	vld.idx.msk [tilespmem:v3+s0+$0x0], $0xffff  }
0x16b: {  	v3 =	vor.u32 $0x5, v1;
	_ =	sdelay $0x3  }
0x16c: {  	[tilespmem:s22+$0xFFFFF000] =	vst v2  }
0x16d: {  	v2 =	vld.idx.msk [tilespmem:v3+s0+$0x0], $0xffff  }
0x16e: {  	v3 =	vor.u32 $0x6, v1;
	_ =	sdelay $0x3  }
0x16f: {  	[tilespmem:s22+$0xFFFFF400] =	vst v2  }
0x170: {  	v2 =	vld.idx.msk [tilespmem:v3+s0+$0x0], $0xffff  }
0x171: {  	v3 =	vor.u32 $0x7, v1;
	_ =	sdelay $0x3  }
0x172: {  	[tilespmem:s22+$0xFFFFF800] =	vst v2  }
0x173: {  	v2 =	vld.idx.msk [tilespmem:v3+s0+$0x0], $0xffff  }
0x174: {  	v3 =	vor.u32 $0x8, v1;
	_ =	sdelay $0x3  }
0x175: {  	[tilespmem:s22+$0xFFFFFC00] =	vst v2  }
0x176: {  	v2 =	vld.idx.msk [tilespmem:v3+s0+$0x0], $0xffff  }
0x177: {  	v3 =	vor.u32 $0x9, v1;
	_ =	sdelay $0x3  }
0x178: {  	[tilespmem:s22+$0x0] =	vst v2  }
0x179: {  	v2 =	vld.idx.msk [tilespmem:v3+s0+$0x0], $0xffff  }
0x17a: {  	v3 =	vor.u32 $0xA, v1;
	_ =	sdelay $0x3  }
0x17b: {  	[tilespmem:s22+$0x400] =	vst v2  }
0x17c: {  	v2 =	vld.idx.msk [tilespmem:v3+s0+$0x0], $0xffff  }
0x17d: {  	v3 =	vor.u32 $0xB, v1;
	_ =	sdelay $0x3  }
0x17e: {  	[tilespmem:s22+$0x800] =	vst v2  }
0x17f: {  	v2 =	vld.idx.msk [tilespmem:v3+s0+$0x0], $0xffff  }
0x180: {  	v3 =	vor.u32 $0xC, v1;
	_ =	sdelay $0x3  }
0x181: {  	[tilespmem:s22+$0xC00] =	vst v2  }
0x182: {  	v2 =	vld.idx.msk [tilespmem:v3+s0+$0x0], $0xffff  }
0x183: {  	v3 =	vor.u32 $0xD, v1;
	_ =	sdelay $0x3  }
0x184: {  	[tilespmem:s22+$0x1000] =	vst v2  }
0x185: {  	v2 =	vld.idx.msk [tilespmem:v3+s0+$0x0], $0xffff  }
0x186: {  	v3 =	vor.u32 $0xE, v1;
	_ =	sdelay $0x3  }
0x187: {  	[tilespmem:s22+$0x1400] =	vst v2  }
0x188: {  	v2 =	vld.idx.msk [tilespmem:v3+s0+$0x0], $0xffff  }
0x189: {  	v3 =	vor.u32 $0xF, v1;
	_ =	sdelay $0x3  }
0x18a: {  	s29 =	simm.s32 $0x10;
	[tilespmem:s22+$0x1800] =	vst v2  }
0x18b: {  	s23 =	simm.s32 $0x20;
	v1 =	vmov s29;
	v2 =	vld.idx.msk [tilespmem:v3+s0+$0x0], $0xffff  }
.LBB2_8:
0x18c: {  	p0 =	sne.s32 s23, $0xF0;
	v1 =	vshll.u32 v1, $0x4  }
0x18d: {  	v1 =	vor.u32 v0, v1;
	_ =	sdelay $0x3  }
0x18e: {  	[tilespmem:s22+$0x1C00] =	vst v2  }
0x18f: {  	v2 =	vld.idx.msk [tilespmem:v1+s0+$0x0], $0xffff;
	_ =	sdelay $0x1  }
0x190: {  	v3 =	vor.u32 $0x1, v1;
	_ =	sdelay $0x2  }
0x191: {  	s22 =	sadd.s32 $0x10, s22  }
0x192: {  	[tilespmem:s22+$0xFFFFE000] =	vst v2  }
0x193: {  	v2 =	vld.idx.msk [tilespmem:v3+s0+$0x0], $0xffff;
	_ =	sdelay $0x1  }
0x194: {  	v3 =	vor.u32 $0x2, v1;
	_ =	sdelay $0x3  }
0x195: {  	[tilespmem:s22+$0xFFFFE400] =	vst v2  }
0x196: {  	v2 =	vld.idx.msk [tilespmem:v3+s0+$0x0], $0xffff;
	_ =	sdelay $0x1  }
0x197: {  	v3 =	vor.u32 $0x3, v1;
	_ =	sdelay $0x3  }
0x198: {  	[tilespmem:s22+$0xFFFFE800] =	vst v2  }
0x199: {  	v2 =	vld.idx.msk [tilespmem:v3+s0+$0x0], $0xffff;
	_ =	sdelay $0x1  }
0x19a: {  	v3 =	vor.u32 $0x4, v1;
	_ =	sdelay $0x3  }
0x19b: {  	[tilespmem:s22+$0xFFFFEC00] =	vst v2  }
0x19c: {  	v2 =	vld.idx.msk [tilespmem:v3+s0+$0x0], $0xffff;
	_ =	sdelay $0x1  }
0x19d: {  	v3 =	vor.u32 $0x5, v1;
	_ =	sdelay $0x3  }
0x19e: {  	[tilespmem:s22+$0xFFFFF000] =	vst v2  }
0x19f: {  	v2 =	vld.idx.msk [tilespmem:v3+s0+$0x0], $0xffff;
	_ =	sdelay $0x1  }
0x1a0: {  	v3 =	vor.u32 $0x6, v1;
	_ =	sdelay $0x3  }
0x1a1: {  	[tilespmem:s22+$0xFFFFF400] =	vst v2  }
0x1a2: {  	v2 =	vld.idx.msk [tilespmem:v3+s0+$0x0], $0xffff;
	_ =	sdelay $0x1  }
0x1a3: {  	v3 =	vor.u32 $0x7, v1;
	_ =	sdelay $0x3  }
0x1a4: {  	[tilespmem:s22+$0xFFFFF800] =	vst v2  }
0x1a5: {  	v2 =	vld.idx.msk [tilespmem:v3+s0+$0x0], $0xffff;
	_ =	sdelay $0x1  }
0x1a6: {  	v3 =	vor.u32 $0x8, v1;
	_ =	sdelay $0x3  }
0x1a7: {  	[tilespmem:s22+$0xFFFFFC00] =	vst v2  }
0x1a8: {  	v2 =	vld.idx.msk [tilespmem:v3+s0+$0x0], $0xffff;
	_ =	sdelay $0x1  }
0x1a9: {  	v3 =	vor.u32 $0x9, v1;
	_ =	sdelay $0x3  }
0x1aa: {  	[tilespmem:s22+$0x0] =	vst v2  }
0x1ab: {  	v2 =	vld.idx.msk [tilespmem:v3+s0+$0x0], $0xffff;
	_ =	sdelay $0x1  }
0x1ac: {  	v3 =	vor.u32 $0xA, v1;
	_ =	sdelay $0x3  }
0x1ad: {  	[tilespmem:s22+$0x400] =	vst v2  }
0x1ae: {  	v2 =	vld.idx.msk [tilespmem:v3+s0+$0x0], $0xffff;
	_ =	sdelay $0x1  }
0x1af: {  	v3 =	vor.u32 $0xB, v1;
	_ =	sdelay $0x3  }
0x1b0: {  	[tilespmem:s22+$0x800] =	vst v2  }
0x1b1: {  	v2 =	vld.idx.msk [tilespmem:v3+s0+$0x0], $0xffff;
	_ =	sdelay $0x1  }
0x1b2: {  	v3 =	vor.u32 $0xC, v1;
	_ =	sdelay $0x3  }
0x1b3: {  	[tilespmem:s22+$0xC00] =	vst v2  }
0x1b4: {  	v2 =	vld.idx.msk [tilespmem:v3+s0+$0x0], $0xffff;
	_ =	sdelay $0x1  }
0x1b5: {  	v3 =	vor.u32 $0xD, v1;
	_ =	sdelay $0x3  }
0x1b6: {  	[tilespmem:s22+$0x1000] =	vst v2  }
0x1b7: {  	v2 =	vld.idx.msk [tilespmem:v3+s0+$0x0], $0xffff;
	_ =	sdelay $0x1  }
0x1b8: {  	v3 =	vor.u32 $0xE, v1;
	_ =	sdelay $0x3  }
0x1b9: {  	[tilespmem:s22+$0x1400] =	vst v2  }
0x1ba: {  	v2 =	vld.idx.msk [tilespmem:v3+s0+$0x0], $0xffff;
	_ =	sdelay $0x1  }
0x1bb: {  	v3 =	vor.u32 $0xF, v1  }
.Ltmp7:
0x1bc: {  	(pc) =	sbr.rel @p0 .LBB2_8-.Ltmp7, $3  }
0x1bd: {  	_ =	sdelay $0x1  }
0x1be: {  	[tilespmem:s22+$0x1800] =	vst v2  }
0x1bf: {  	v1 =	vmov s23;
	s23 =	sadd.s32 $0x10, s23;
	v2 =	vld.idx.msk [tilespmem:v3+s0+$0x0], $0xffff  }
0x1c0: {  	v1 =	vshll.u32 v1, $0x4  }
0x1c1: {  	v1 =	vor.u32 v0, v1;
	_ =	sdelay $0x3  }
0x1c2: {  	[tilespmem:s22+$0x1C00] =	vst v2  }
0x1c3: {  	v2 =	vld.idx.msk [tilespmem:v1+s0+$0x0], $0xffff  }
0x1c4: {  	v3 =	vor.u32 $0x1, v1;
	_ =	sdelay $0x2  }
0x1c5: {  	s24 =	sadd.s32 $0x10, s22  }
0x1c6: {  	[tilespmem:s24+$0xFFFFE000] =	vst v2  }
0x1c7: {  	v2 =	vld.idx.msk [tilespmem:v3+s0+$0x0], $0xffff  }
0x1c8: {  	v3 =	vor.u32 $0x2, v1;
	_ =	sdelay $0x3  }
0x1c9: {  	[tilespmem:s24+$0xFFFFE400] =	vst v2  }
0x1ca: {  	v2 =	vld.idx.msk [tilespmem:v3+s0+$0x0], $0xffff  }
0x1cb: {  	v3 =	vor.u32 $0x3, v1;
	_ =	sdelay $0x3  }
0x1cc: {  	[tilespmem:s24+$0xFFFFE800] =	vst v2  }
0x1cd: {  	v2 =	vld.idx.msk [tilespmem:v3+s0+$0x0], $0xffff  }
0x1ce: {  	v3 =	vor.u32 $0x4, v1;
	_ =	sdelay $0x3  }
0x1cf: {  	[tilespmem:s24+$0xFFFFEC00] =	vst v2  }
0x1d0: {  	v2 =	vld.idx.msk [tilespmem:v3+s0+$0x0], $0xffff  }
0x1d1: {  	v3 =	vor.u32 $0x5, v1;
	_ =	sdelay $0x3  }
0x1d2: {  	[tilespmem:s24+$0xFFFFF000] =	vst v2  }
0x1d3: {  	v2 =	vld.idx.msk [tilespmem:v3+s0+$0x0], $0xffff  }
0x1d4: {  	v3 =	vor.u32 $0x6, v1;
	_ =	sdelay $0x3  }
0x1d5: {  	[tilespmem:s24+$0xFFFFF400] =	vst v2  }
0x1d6: {  	v2 =	vld.idx.msk [tilespmem:v3+s0+$0x0], $0xffff  }
0x1d7: {  	v3 =	vor.u32 $0x7, v1;
	_ =	sdelay $0x3  }
0x1d8: {  	[tilespmem:s24+$0xFFFFF800] =	vst v2  }
0x1d9: {  	v2 =	vld.idx.msk [tilespmem:v3+s0+$0x0], $0xffff  }
0x1da: {  	v3 =	vor.u32 $0x8, v1;
	_ =	sdelay $0x3  }
0x1db: {  	[tilespmem:s24+$0xFFFFFC00] =	vst v2  }
0x1dc: {  	v2 =	vld.idx.msk [tilespmem:v3+s0+$0x0], $0xffff  }
0x1dd: {  	v3 =	vor.u32 $0x9, v1;
	_ =	sdelay $0x3  }
0x1de: {  	[tilespmem:s24+$0x0] =	vst v2  }
0x1df: {  	v2 =	vld.idx.msk [tilespmem:v3+s0+$0x0], $0xffff  }
0x1e0: {  	v3 =	vor.u32 $0xA, v1;
	_ =	sdelay $0x3  }
0x1e1: {  	[tilespmem:s24+$0x400] =	vst v2  }
0x1e2: {  	v2 =	vld.idx.msk [tilespmem:v3+s0+$0x0], $0xffff  }
0x1e3: {  	v3 =	vor.u32 $0xB, v1;
	_ =	sdelay $0x3  }
0x1e4: {  	[tilespmem:s24+$0x800] =	vst v2  }
0x1e5: {  	v2 =	vld.idx.msk [tilespmem:v3+s0+$0x0], $0xffff  }
0x1e6: {  	v3 =	vor.u32 $0xC, v1;
	_ =	sdelay $0x3  }
0x1e7: {  	[tilespmem:s24+$0xC00] =	vst v2  }
0x1e8: {  	v2 =	vld.idx.msk [tilespmem:v3+s0+$0x0], $0xffff  }
0x1e9: {  	v3 =	vor.u32 $0xD, v1;
	_ =	sdelay $0x3  }
0x1ea: {  	[tilespmem:s24+$0x1000] =	vst v2  }
0x1eb: {  	v2 =	vld.idx.msk [tilespmem:v3+s0+$0x0], $0xffff  }
0x1ec: {  	v3 =	vor.u32 $0xE, v1;
	_ =	sdelay $0x3  }
0x1ed: {  	[tilespmem:s24+$0x1400] =	vst v2  }
0x1ee: {  	v2 =	vld.idx.msk [tilespmem:v3+s0+$0x0], $0xffff  }
0x1ef: {  	v1 =	vor.u32 $0xF, v1;
	_ =	sdelay $0x3  }
0x1f0: {  	[tilespmem:s24+$0x1800] =	vst v2  }
0x1f1: {  	v1 =	vld.idx.msk [tilespmem:v1+s0+$0x0], $0xffff;
	_ =	sdelay $0x4  }
0x1f2: {  	s29 =	rddreg [dreg:$0x7];
	[tilespmem:s24+$0x1C00] =	vst v1  }
0x1f3: {  	[hbm4b:s29+s4] =	stream.linear.scatter [tilespmem:s26], [sflag:$0x1], $0x100, $0x38;
	[tilespmem:$0xAB10] =	vst v63  }
0x1f4: {  	s23 =	rddreg [dreg:$0x8]  }
0x1f5: {  	[hbm4b:s23+s4] =	stream.linear.scatter [tilespmem:s1], [sflag:$0x1], $0x100, $0x38;
	[tilespmem:$0xAB10] =	vst v63  }
0x1f6: {  	s24 =	rddreg [dreg:$0x9]  }
0x1f7: {  	[hbm4b:s24+s4] =	stream.linear.scatter [tilespmem:s7], [sflag:$0x1], $0x100, $0x38;
	[tilespmem:$0xAB10] =	vst v63  }
0x1f8: {  	s29 =	rddreg [dreg:$0xa]  }
0x1f9: {  	[hbm4b:s29+s4] =	stream.linear.scatter [tilespmem:s8], [sflag:$0x1], $0x100, $0x38;
	[tilespmem:$0xAB10] =	vst v63  }
0x1fa: {  	s23 =	rddreg [dreg:$0xb]  }
0x1fb: {  	[hbm4b:s23+s4] =	stream.linear.scatter [tilespmem:s9], [sflag:$0x1], $0x100, $0x38;
	[tilespmem:$0xAB10] =	vst v63  }
0x1fc: {  	s24 =	rddreg [dreg:$0xc]  }
0x1fd: {  	[hbm4b:s24+s4] =	stream.linear.scatter [tilespmem:s10], [sflag:$0x1], $0x100, $0x38;
	[tilespmem:$0xAB10] =	vst v63  }
0x1fe: {  	s29 =	rddreg [dreg:$0xd]  }
0x1ff: {  	[hbm4b:s29+s4] =	stream.linear.scatter [tilespmem:s11], [sflag:$0x1], $0x100, $0x38;
	[tilespmem:$0xAB10] =	vst v63  }
0x200: {  	s23 =	rddreg [dreg:$0xe]  }
0x201: {  	[hbm4b:s23+s4] =	stream.linear.scatter [tilespmem:s12], [sflag:$0x1], $0x100, $0x38;
	[tilespmem:$0xAB10] =	vst v63  }
0x202: {  	s24 =	rddreg [dreg:$0xf]  }
0x203: {  	[hbm4b:s24+s4] =	stream.linear.scatter [tilespmem:s13], [sflag:$0x1], $0x100, $0x38;
	[tilespmem:$0xAB10] =	vst v63  }
0x204: {  	s29 =	rddreg [dreg:$0x10]  }
0x205: {  	[hbm4b:s29+s4] =	stream.linear.scatter [tilespmem:s14], [sflag:$0x1], $0x100, $0x38;
	[tilespmem:$0xAB10] =	vst v63  }
0x206: {  	s23 =	rddreg [dreg:$0x11]  }
0x207: {  	[hbm4b:s23+s4] =	stream.linear.scatter [tilespmem:s15], [sflag:$0x1], $0x100, $0x38;
	[tilespmem:$0xAB10] =	vst v63  }
0x208: {  	s24 =	rddreg [dreg:$0x12]  }
0x209: {  	[hbm4b:s24+s4] =	stream.linear.scatter [tilespmem:s16], [sflag:$0x1], $0x100, $0x38;
	[tilespmem:$0xAB10] =	vst v63  }
0x20a: {  	s29 =	rddreg [dreg:$0x13]  }
0x20b: {  	[hbm4b:s29+s4] =	stream.linear.scatter [tilespmem:s17], [sflag:$0x1], $0x100, $0x38;
	[tilespmem:$0xAB10] =	vst v63  }
0x20c: {  	s23 =	rddreg [dreg:$0x14]  }
0x20d: {  	[hbm4b:s23+s4] =	stream.linear.scatter [tilespmem:s18], [sflag:$0x1], $0x100, $0x38;
	[tilespmem:$0xAB10] =	vst v63  }
0x20e: {  	s24 =	rddreg [dreg:$0x15]  }
0x20f: {  	[hbm4b:s24+s4] =	stream.linear.scatter [tilespmem:s19], [sflag:$0x1], $0x100, $0x38;
	[tilespmem:$0xAB10] =	vst v63  }
0x210: {  	s29 =	rddreg [dreg:$0x16]  }
0x211: {  	[hbm4b:s29+s4] =	stream.linear.scatter [tilespmem:s20], [sflag:$0x1], $0x100, $0x38;
	[tilespmem:$0xAB10] =	vst v63  }
0x212: {  	_ =	swait.ge [sflag:s25], $0x100  }
0x213: {  	[sflag:s25] =	ssyncset.done $0x0  }
0x214: {  	[sflag:s25] =	ssyncadd.s32 $0xFFFFFF00  }
0x215: {  	_ =	swait.ge [sflag:s25], $0x100  }
0x216: {  	[sflag:s25] =	ssyncset.done $0x0  }
0x217: {  	[sflag:s25] =	ssyncadd.s32 $0xFFFFFF00  }
0x218: {  	_ =	swait.ge [sflag:s25], $0x100  }
0x219: {  	[sflag:s25] =	ssyncset.done $0x0  }
0x21a: {  	[sflag:s25] =	ssyncadd.s32 $0xFFFFFF00  }
0x21b: {  	_ =	swait.ge [sflag:s25], $0x100  }
0x21c: {  	[sflag:s25] =	ssyncset.done $0x0  }
0x21d: {  	[sflag:s25] =	ssyncadd.s32 $0xFFFFFF00  }
0x21e: {  	_ =	swait.ge [sflag:s25], $0x100  }
0x21f: {  	[sflag:s25] =	ssyncset.done $0x0  }
0x220: {  	[sflag:s25] =	ssyncadd.s32 $0xFFFFFF00  }
0x221: {  	_ =	swait.ge [sflag:s25], $0x100  }
0x222: {  	[sflag:s25] =	ssyncset.done $0x0  }
0x223: {  	[sflag:s25] =	ssyncadd.s32 $0xFFFFFF00  }
0x224: {  	_ =	swait.ge [sflag:s25], $0x100  }
0x225: {  	[sflag:s25] =	ssyncset.done $0x0  }
0x226: {  	[sflag:s25] =	ssyncadd.s32 $0xFFFFFF00  }
0x227: {  	_ =	swait.ge [sflag:s25], $0x100  }
0x228: {  	[sflag:s25] =	ssyncset.done $0x0  }
0x229: {  	[sflag:s25] =	ssyncadd.s32 $0xFFFFFF00  }
0x22a: {  	_ =	swait.ge [sflag:s25], $0x100  }
0x22b: {  	[sflag:s25] =	ssyncset.done $0x0  }
0x22c: {  	[sflag:s25] =	ssyncadd.s32 $0xFFFFFF00  }
0x22d: {  	_ =	swait.ge [sflag:s25], $0x100  }
0x22e: {  	[sflag:s25] =	ssyncset.done $0x0  }
0x22f: {  	[sflag:s25] =	ssyncadd.s32 $0xFFFFFF00  }
0x230: {  	_ =	swait.ge [sflag:s25], $0x100  }
0x231: {  	[sflag:s25] =	ssyncset.done $0x0  }
0x232: {  	[sflag:s25] =	ssyncadd.s32 $0xFFFFFF00  }
0x233: {  	_ =	swait.ge [sflag:s25], $0x100  }
0x234: {  	[sflag:s25] =	ssyncset.done $0x0  }
0x235: {  	[sflag:s25] =	ssyncadd.s32 $0xFFFFFF00  }
0x236: {  	_ =	swait.ge [sflag:s25], $0x100  }
0x237: {  	[sflag:s25] =	ssyncset.done $0x0  }
0x238: {  	[sflag:s25] =	ssyncadd.s32 $0xFFFFFF00  }
0x239: {  	_ =	swait.ge [sflag:s25], $0x100  }
0x23a: {  	[sflag:s25] =	ssyncset.done $0x0  }
0x23b: {  	[sflag:s25] =	ssyncadd.s32 $0xFFFFFF00  }
0x23c: {  	_ =	swait.ge [sflag:s25], $0x100  }
.Ltmp8:
0x23d: {  	[sflag:s25] =	ssyncset.done $0x0;
	(pc) =	sbr.rel .LBB2_10-.Ltmp8, $4  }
0x23e: {  	[sflag:s25] =	ssyncadd.s32 $0xFFFFFF00  }
0x23f: {  	_ =	swait.ge [sflag:s25], $0x100  }
0x240: {  	[sflag:s25] =	ssyncset.done $0x0  }
0x241: {  	[sflag:s25] =	ssyncadd.s32 $0xFFFFFF00  }
.LBB2_12:
0x242: {  	_ =	sfence.sel $0x180000  }
0x243: {  	[bflag:$0x0] =	sbarrier.arrive $0xFFFF  }
0x244: {  	_ =	strace $0x90000047  }
0x245: {  	s0 =	stileid.u32;
	[bflag:$0x2] =	sbarrier.arrive $0xFFFF  }
0x246: {  	p0 =	sne.s32 s0, $0x0;
	s0 =	rddreg [dreg:$0x4]  }
0x247: {  	s0 =	sadd.s32 @!p0 $0x100000, s0  }
0x248: {  	[sflag:s0] =	ssyncadd.tile.s32 @!p0 $0x1;
	_ =	shalt  }
.Lfunc_end2:
_tile_overlayer_lowered:
.L_overlay_start_2:
0x249: {  	(tag) =	ssettag $0x2  }
0x24a: {  	s0 =	rddreg [dreg:$0x0];
	s2 =	stileid.u32  }
0x24b: {  	s1 =	rddreg [dreg:$0x1];
	p0 =	sne.s32 s2, $0x0  }
0x24c: {  	s3 =	rddreg [dreg:$0x2];
	[bflag:$0x3] =	sbarrier.arrive $0xFFFF;
	s2 =	simm.s32 @!p0 $0x1C02  }
0x24d: {  	[timem:s3], [sflag:s2] =	dma.local @!p0 [hbm:s0], s1  }
0x24e: {  	s0 =	simm.s32 @!p0 $0x2  }
0x24f: {  	_ =	swait.ge @!p0 [sflag:s0], s1  }
0x250: {  	s1 =	ssub.s32 @!p0 $0x0, s1;
	[sflag:s0] =	ssyncset.done @!p0 $0x0  }
0x251: {  	[sflag:s0] =	ssyncadd.s32 @!p0 s1  }
0x252: {  	[bflag:$0x3] =	sbarrier.arrive $0xFFFF  }
0x253: {  	_ =	shalt  }

</sc_bundles>
